<compile_context>
chip_gen: v7x
topology: tpu7x:2x2x1
jax: 0.10.2.dev20260603
libtpu: 0.0.44.dev20260713+nightly
codegen_flags: <defaults>
</compile_context>

<pallas_src>
import functools

import jax
import jax.numpy as jnp
from jax import lax
from jax.experimental import pallas as pl
from jax.experimental.pallas import tpu as pltpu
from jax.experimental.pallas import tpu_sc as plsc

N = 10000
NP = 10240
F1 = 128
C = 40
F2 = 48

_NC, _NS = 2, 16
_NW = _NC * _NS
_K = 80
_GR = 128
_NB = 2
_GA = 1
_DW = 16
_DR = NP // 32
_BN = 2048


def _geom(rows, passes, gr):
    if passes == 1 and gr == 0:
        rng = rows
    else:
        rng = -(-rows // (passes * 128)) * 128
    lens = [min(rng, rows - i * rng) for i in range(passes)]
    ar = rng + gr
    ztiles = _NS
    zpt = ar // ztiles
    while zpt % 8:
        ztiles //= 2
        zpt = ar // ztiles
    return rng, lens, ar, ztiles, zpt


def _make_prop(nch, passes, rows=NP, gr=_GR):
    rng, lens, ar, ztiles, zpt = _geom(rows, passes, gr)
    mesh = plsc.VectorSubcoreMesh(core_axis_name="c", subcore_axis_name="s")

    @functools.partial(
        pl.kernel,
        out_type=jax.ShapeDtypeStruct((_NC, rows, F1), jnp.float32),
        mesh=mesh,
        scratch_types=[
            pltpu.VMEM((nch, _K), jnp.int32),
            pltpu.VMEM((nch, _K), jnp.int32),
        ] + [pltpu.VMEM((_K,), jnp.int32) for _ in range(_NB)]
        + [pltpu.VMEM((_K, F1), jnp.float32) for _ in range(_NB)]
        + [
            pltpu.VMEM_SHARED((ar, F1), jnp.float32),
            pltpu.SemaphoreType.DMA,
            pltpu.SemaphoreType.DMA,
        ],
    )
    def prop(ts, srcg, dstg, zrow, out, src_v, dst_v, *rest):
        locb = rest[:_NB]
        rowsb = rest[_NB:2 * _NB]
        acc, gsem, ssem = rest[2 * _NB:]
        c = lax.axis_index("c")
        s = lax.axis_index("s")
        w = c * _NS + s
        pltpu.sync_copy(srcg.at[w], src_v)
        pltpu.sync_copy(dstg.at[w], dst_v)

        for p in range(passes):
            base = p * rng
            plen = lens[p]
            @pl.when(s < ztiles)
            def _():
                pltpu.sync_copy(zrow, acc.at[pl.ds(s * zpt, zpt)])
            plsc.subcore_barrier()

            for b in range(_GA):
                pltpu.async_copy(ts.at[src_v.at[b]], rowsb[b], gsem)

            def outer(j, carry):
                for b in range(_NB):
                    jj = j * _NB + b
                    pltpu.make_async_copy(
                        ts.at[src_v.at[jj]], rowsb[b], gsem).wait()
                    bg = (b + _GA) % _NB
                    @pl.when(jj + _GA < nch)
                    def _():
                        pltpu.async_copy(
                            ts.at[src_v.at[jj + _GA]], rowsb[bg], gsem)
                    for t in range(_K // 16):
                        dv = dst_v[jj, pl.ds(t * 16, 16)]
                        loc = dv - base
                        ok = (loc >= 0) & (loc < plen)
                        gid = rng + (((jj * 5 + t) & 15) << 3)
                        locb[b][pl.ds(t * 16, 16)] = jnp.where(ok, loc, gid)
                    pltpu.sync_copy(rowsb[b], acc.at[locb[b]], add=True)
                return carry

            lax.fori_loop(0, nch // _NB, outer, 0)
            plsc.subcore_barrier()
            wtiles = _NS
            wpt = plen // wtiles
            while wpt % 8:
                wtiles //= 2
                wpt = plen // wtiles

            @pl.when(s < wtiles)
            def _():
                r0 = s * wpt
                pltpu.sync_copy(acc.at[pl.ds(r0, wpt)],
                                out.at[c, pl.ds(base + r0, wpt)])
            plsc.subcore_barrier()

    return prop


def _tc1(d0, d1, x):
    def body(d0_ref, d1_ref, x_ref, xs_ref, dinv_ref):
        deg = d0_ref[...][:, 0:1] + d1_ref[...][:, 0:1] + 1.0
        dinv = lax.rsqrt(deg)
        xs_ref[...] = x_ref[...] * dinv
        dinv_ref[...] = jnp.broadcast_to(dinv, (_BN, _DW))

    return pl.pallas_call(
        body,
        grid=(NP // _BN,),
        in_specs=[
            pl.BlockSpec((_BN, 4), lambda i: (i, 0)),
            pl.BlockSpec((_BN, 4), lambda i: (i, 0)),
            pl.BlockSpec((_BN, F1), lambda i: (i, 0)),
        ],
        out_specs=[
            pl.BlockSpec((_BN, F1), lambda i: (i, 0)),
            pl.BlockSpec((_BN, _DW), lambda i: (i, 0)),
        ],
        out_shape=[
            jax.ShapeDtypeStruct((NP, F1), jnp.float32),
            jax.ShapeDtypeStruct((NP, _DW), jnp.float32),
        ],
    )(d0, d1, x)


def _tc2(p1, xs, dinv, b1, w1):
    def body(p1_ref, xs_ref, dinv_ref, b1_ref, w1_ref, as_ref):
        di = dinv_ref[...][:, 0:1]
        px = (p1_ref[0] + p1_ref[1] + xs_ref[...]) * di
        h = jnp.dot(px, w1_ref[...], preferred_element_type=jnp.float32)
        as_ref[...] = jnp.maximum(h + b1_ref[...], 0.0) * di

    return pl.pallas_call(
        body,
        grid=(NP // _BN,),
        in_specs=[
            pl.BlockSpec((_NC, _BN, F1), lambda i: (0, i, 0)),
            pl.BlockSpec((_BN, F1), lambda i: (i, 0)),
            pl.BlockSpec((_BN, _DW), lambda i: (i, 0)),
            pl.BlockSpec((1, F1), lambda i: (0, 0)),
            pl.BlockSpec((F1, F1), lambda i: (0, 0)),
        ],
        out_specs=pl.BlockSpec((_BN, F1), lambda i: (i, 0)),
        out_shape=jax.ShapeDtypeStruct((NP, F1), jnp.float32),
    )(p1, xs, dinv, b1.reshape(1, F1), w1)


def _tc3(p2, as_, dinv, b2p, w2p):
    def body(p2_ref, as_ref, dinv_ref, b2p_ref, w2p_ref, out_ref):
        di = dinv_ref[...][:, 0:1]
        pa = (p2_ref[0] + p2_ref[1] + as_ref[...]) * di
        z = jnp.dot(pa, w2p_ref[...],
                    preferred_element_type=jnp.float32) + b2p_ref[...]
        zc = z[:, :C]
        m = jnp.max(zc, axis=1, keepdims=True)
        lse = jnp.log(jnp.sum(jnp.exp(zc - m), axis=1, keepdims=True)) + m
        out_ref[...] = zc - lse

    return pl.pallas_call(
        body,
        grid=(NP // _BN,),
        in_specs=[
            pl.BlockSpec((_NC, _BN, F1), lambda i: (0, i, 0)),
            pl.BlockSpec((_BN, F1), lambda i: (i, 0)),
            pl.BlockSpec((_BN, _DW), lambda i: (i, 0)),
            pl.BlockSpec((1, F2), lambda i: (0, 0)),
            pl.BlockSpec((F1, F2), lambda i: (0, 0)),
        ],
        out_specs=pl.BlockSpec((_BN, C), lambda i: (i, 0)),
        out_shape=jax.ShapeDtypeStruct((NP, C), jnp.float32),
    )(p2, as_, dinv, b2p.reshape(1, F2), w2p)


def kernel(x, edge_index, W1, b1, W2, b2):
    e = edge_index.shape[1]
    nch = -(-e // (_NW * _K * _NB)) * _NB
    epad = _NW * _K * nch - e
    srcf = jnp.concatenate([edge_index[0], jnp.zeros((epad,), jnp.int32)])
    dstf = jnp.concatenate([edge_index[1], jnp.full((epad,), N, jnp.int32)])
    src32 = srcf.reshape(_NW, nch, _K)
    dst32 = dstf.reshape(_NW, nch, _K)
    zrow = jnp.zeros((_geom(NP, 2, _GR)[4], F1), jnp.float32)
    zrowd = jnp.zeros((_geom(_DR, 1, 0)[4], F1), jnp.float32)
    pats = jnp.tile(jnp.repeat(jnp.eye(32, dtype=jnp.float32), 4, axis=1),
                    (16, 1))
    stripe = (jnp.arange(dstf.shape[0], dtype=jnp.int32) & 15) << 5
    dmod = ((dstf & 31) + stripe).reshape(_NW, nch, _K)
    ddiv = (dstf >> 5).reshape(_NW, nch, _K)
    w2p = jnp.pad(W2, ((0, 0), (0, F2 - C)))
    b2p = jnp.pad(b2, (0, F2 - C))
    xp = jnp.pad(x, ((0, NP - N), (0, 0)))

    degp = _make_prop(nch, 1, _DR, 0)(pats, dmod, ddiv, zrowd)
    xs, dinv = _tc1(degp[0].reshape(NP, 4), degp[1].reshape(NP, 4), xp)
    prop = _make_prop(nch, 2)
    p1 = prop(xs, src32, dst32, zrow)
    as_ = _tc2(p1, xs, dinv, b1, W1)
    p2 = prop(as_, src32, dst32, zrow)
    return _tc3(p2, as_, dinv, b2p, w2p)[:N]

# --- scband reference (transcript-rebuilt; emitter-appended) ---
"""Pipeline reference for scband-gcn-10222022164972 (READ-ONLY COPY).

The authoritative reference and input builder live on the scoring server;
editing this copy changes nothing except your own understanding.
"""

import jax, jax.numpy as jnp
import numpy as np

N = 10000
E = 320000
F_IN = 128
HID = 128
C = 40


def setup_inputs(seed: int = 0) -> dict:
    key = jax.random.key(seed)
    k1, k2, k3, k4 = jax.random.split(key, 4)
    x = jax.random.normal(k1, (N, F_IN), dtype=jnp.float32)
    edge_index = jax.random.randint(k2, (2, E), 0, N, dtype=jnp.int32)
    W1 = jax.random.normal(k3, (F_IN, HID), dtype=jnp.float32) * (1.0 / np.sqrt(F_IN))
    b1 = jnp.zeros((HID,), dtype=jnp.float32)
    W2 = jax.random.normal(k4, (HID, C), dtype=jnp.float32) * (1.0 / np.sqrt(HID))
    b2 = jnp.zeros((C,), dtype=jnp.float32)
    return {"x": x, "edge_index": edge_index, "W1": W1, "b1": b1, "W2": W2, "b2": b2}


def _gcn_conv(x, src, dst, W, b):
    n = x.shape[0]
    # symmetric normalization with self-loops (PyG GCNConv default)
    deg = jnp.zeros((n,), dtype=x.dtype).at[dst].add(1.0)
    dinv = jnp.where(deg > 0, 1.0 / jnp.sqrt(deg), 0.0)
    norm = dinv[src] * dinv[dst]
    h = x @ W
    msg = h[src] * norm[:, None]
    out = jnp.zeros((n, h.shape[1]), dtype=x.dtype).at[dst].add(msg)
    return out + b


def reference(x, edge_index, W1, b1, W2, b2):
    n = x.shape[0]
    loop = jnp.arange(n, dtype=edge_index.dtype)
    src = jnp.concatenate([edge_index[0], loop])
    dst = jnp.concatenate([edge_index[1], loop])
    h = _gcn_conv(x, src, dst, W1, b1)
    h = jax.nn.relu(h)
    # dropout is identity in eval mode
    h = _gcn_conv(h, src, dst, W2, b2)
    return jax.nn.log_softmax(h, axis=1)

if __name__ == "__main__":
    import jax
    _d = setup_inputs()
    print(jax.jit(kernel)(*tuple(_d.values())))

</pallas_src>

<mosaic_0001>
#map = affine_map<(d0, d1) -> (0, 0)>
#map1 = affine_map<(d0, d1) -> (0, 0, 0)>
module attributes {stable_mosaic.version = 14 : i64} {
  func.func @prop(%arg0: i32, %arg1: i32, %arg2: memref<10240x128xf32, #tpu.memory_space<hbm>>, %arg3: memref<32x126x80xi32, #tpu.memory_space<hbm>>, %arg4: memref<32x126x80xi32, #tpu.memory_space<hbm>>, %arg5: memref<328x128xf32, #tpu.memory_space<hbm>>, %arg6: memref<2x10240x128xf32, #tpu.memory_space<hbm>>, %arg7: memref<126x80xi32, #tpu.memory_space<vmem>>, %arg8: memref<126x80xi32, #tpu.memory_space<vmem>>, %arg9: memref<80xi32, #tpu.memory_space<vmem>>, %arg10: memref<80xi32, #tpu.memory_space<vmem>>, %arg11: memref<80x128xf32, #tpu.memory_space<vmem>>, %arg12: memref<80x128xf32, #tpu.memory_space<vmem>>, %arg13: memref<5248x128xf32, #tpu.memory_space<vmem_shared>>, %arg14: memref<!tpu.dma_semaphore, #tpu.memory_space<semaphore_mem>>, %arg15: memref<!tpu.dma_semaphore, #tpu.memory_space<semaphore_mem>>) attributes {dimension_semantics = [#tpu.dimension_semantics<core_parallel>, #tpu.dimension_semantics<subcore_parallel>], iteration_bounds = array<i64: 2, 16>, scalar_prefetch = 0 : i64, scratch_operands = 9 : i64, tpu.core_type = #tpu.core_type<sc_vector_subcore>, window_params = [{transform_indices = #map}, {transform_indices = #map1}, {transform_indices = #map1}, {transform_indices = #map}, {transform_indices = #map1}]} {
    %mul3A = arith.constant 16 : i32
    %mul3A_0 = arith.muli %arg0, %mul3A : i32
    %add3A = arith.addi %mul3A_0, %arg1 : i32
    "tpu.region"() ({
      %run_scoped3A = tpu.sem_alloc : memref<!tpu.dma_semaphore, #tpu.memory_space<semaphore_mem>>
      %dma_start3A_47 = arith.constant 0 : i32
      %dma_start3A_48 = arith.constant 0 : i32
      %dma_start3A_49 = tpu.memref_slice %arg3[%add3A, %dma_start3A_47, %dma_start3A_48] : memref<32x126x80xi32, #tpu.memory_space<hbm>> -> memref<1x126x80xi32, #tpu.memory_space<hbm>>
      %dma_start3A_50 = tpu.memref_squeeze %dma_start3A_49 : memref<1x126x80xi32, #tpu.memory_space<hbm>> -> memref<126x80xi32, #tpu.memory_space<hbm>>
      %dma_start3A_51 = arith.constant 0 : i32
      %dma_start3A_52 = arith.constant 0 : i32
      %dma_start3A_53 = tpu.memref_slice %arg3[%add3A, %dma_start3A_51, %dma_start3A_52] : memref<32x126x80xi32, #tpu.memory_space<hbm>> -> memref<1x126x80xi32, #tpu.memory_space<hbm>>
      %dma_start3A_54 = tpu.memref_squeeze %dma_start3A_53 : memref<1x126x80xi32, #tpu.memory_space<hbm>> -> memref<126x80xi32, #tpu.memory_space<hbm>>
      tpu.enqueue_dma source(%dma_start3A_54 : memref<126x80xi32, #tpu.memory_space<hbm>>) target(%arg7 : memref<126x80xi32, #tpu.memory_space<vmem>>) target_semaphore(%run_scoped3A : memref<!tpu.dma_semaphore, #tpu.memory_space<semaphore_mem>>)
      %dma_wait3A = arith.constant 0 : i32
      %dma_wait3A_55 = arith.constant 0 : i32
      %dma_wait3A_56 = tpu.memref_slice %arg3[%add3A, %dma_wait3A, %dma_wait3A_55] : memref<32x126x80xi32, #tpu.memory_space<hbm>> -> memref<1x126x80xi32, #tpu.memory_space<hbm>>
      %dma_wait3A_57 = tpu.memref_squeeze %dma_wait3A_56 : memref<1x126x80xi32, #tpu.memory_space<hbm>> -> memref<126x80xi32, #tpu.memory_space<hbm>>
      %dma_wait3A_58 = arith.constant 0 : i32
      %dma_wait3A_59 = arith.constant 0 : i32
      %dma_wait3A_60 = tpu.memref_slice %arg3[%add3A, %dma_wait3A_58, %dma_wait3A_59] : memref<32x126x80xi32, #tpu.memory_space<hbm>> -> memref<1x126x80xi32, #tpu.memory_space<hbm>>
      %dma_wait3A_61 = tpu.memref_squeeze %dma_wait3A_60 : memref<1x126x80xi32, #tpu.memory_space<hbm>> -> memref<126x80xi32, #tpu.memory_space<hbm>>
      tpu.wait_dma2 semaphore(%run_scoped3A : memref<!tpu.dma_semaphore, #tpu.memory_space<semaphore_mem>>) src(%dma_wait3A_61 : memref<126x80xi32, #tpu.memory_space<hbm>>) dst(%arg7 : memref<126x80xi32, #tpu.memory_space<vmem>>)
      tpu.yield
    }) : () -> ()
    "tpu.region"() ({
      %run_scoped3A = tpu.sem_alloc : memref<!tpu.dma_semaphore, #tpu.memory_space<semaphore_mem>>
      %dma_start3A_47 = arith.constant 0 : i32
      %dma_start3A_48 = arith.constant 0 : i32
      %dma_start3A_49 = tpu.memref_slice %arg4[%add3A, %dma_start3A_47, %dma_start3A_48] : memref<32x126x80xi32, #tpu.memory_space<hbm>> -> memref<1x126x80xi32, #tpu.memory_space<hbm>>
      %dma_start3A_50 = tpu.memref_squeeze %dma_start3A_49 : memref<1x126x80xi32, #tpu.memory_space<hbm>> -> memref<126x80xi32, #tpu.memory_space<hbm>>
      %dma_start3A_51 = arith.constant 0 : i32
      %dma_start3A_52 = arith.constant 0 : i32
      %dma_start3A_53 = tpu.memref_slice %arg4[%add3A, %dma_start3A_51, %dma_start3A_52] : memref<32x126x80xi32, #tpu.memory_space<hbm>> -> memref<1x126x80xi32, #tpu.memory_space<hbm>>
      %dma_start3A_54 = tpu.memref_squeeze %dma_start3A_53 : memref<1x126x80xi32, #tpu.memory_space<hbm>> -> memref<126x80xi32, #tpu.memory_space<hbm>>
      tpu.enqueue_dma source(%dma_start3A_54 : memref<126x80xi32, #tpu.memory_space<hbm>>) target(%arg8 : memref<126x80xi32, #tpu.memory_space<vmem>>) target_semaphore(%run_scoped3A : memref<!tpu.dma_semaphore, #tpu.memory_space<semaphore_mem>>)
      %dma_wait3A = arith.constant 0 : i32
      %dma_wait3A_55 = arith.constant 0 : i32
      %dma_wait3A_56 = tpu.memref_slice %arg4[%add3A, %dma_wait3A, %dma_wait3A_55] : memref<32x126x80xi32, #tpu.memory_space<hbm>> -> memref<1x126x80xi32, #tpu.memory_space<hbm>>
      %dma_wait3A_57 = tpu.memref_squeeze %dma_wait3A_56 : memref<1x126x80xi32, #tpu.memory_space<hbm>> -> memref<126x80xi32, #tpu.memory_space<hbm>>
      %dma_wait3A_58 = arith.constant 0 : i32
      %dma_wait3A_59 = arith.constant 0 : i32
      %dma_wait3A_60 = tpu.memref_slice %arg4[%add3A, %dma_wait3A_58, %dma_wait3A_59] : memref<32x126x80xi32, #tpu.memory_space<hbm>> -> memref<1x126x80xi32, #tpu.memory_space<hbm>>
      %dma_wait3A_61 = tpu.memref_squeeze %dma_wait3A_60 : memref<1x126x80xi32, #tpu.memory_space<hbm>> -> memref<126x80xi32, #tpu.memory_space<hbm>>
      tpu.wait_dma2 semaphore(%run_scoped3A : memref<!tpu.dma_semaphore, #tpu.memory_space<semaphore_mem>>) src(%dma_wait3A_61 : memref<126x80xi32, #tpu.memory_space<hbm>>) dst(%arg8 : memref<126x80xi32, #tpu.memory_space<vmem>>)
      tpu.yield
    }) : () -> ()
    %lt3A = arith.constant 16 : i32
    %lt3A_1 = arith.cmpi slt, %arg1, %lt3A : i32
    %convert_element_type3A = arith.extui %lt3A_1 : i1 to i32
    %cond3A = arith.constant 0 : i32
    %cond3A_2 = arith.cmpi ne, %convert_element_type3A, %cond3A : i32
    scf.if %cond3A_2 {
      %mul3A_47 = arith.constant 328 : i32
      %mul3A_48 = arith.muli %arg1, %mul3A_47 : i32
      "tpu.region"() ({
        %run_scoped3A = tpu.sem_alloc : memref<!tpu.dma_semaphore, #tpu.memory_space<semaphore_mem>>
        %dma_start3A_49 = arith.constant 0 : i32
        %dma_start3A_50 = tpu.memref_slice %arg13[%mul3A_48, %dma_start3A_49] : memref<5248x128xf32, #tpu.memory_space<vmem_shared>> -> memref<328x128xf32, #tpu.memory_space<vmem_shared>>
        tpu.enqueue_dma source(%arg5 : memref<328x128xf32, #tpu.memory_space<hbm>>) target(%dma_start3A_50 : memref<328x128xf32, #tpu.memory_space<vmem_shared>>) target_semaphore(%run_scoped3A : memref<!tpu.dma_semaphore, #tpu.memory_space<semaphore_mem>>)
        %dma_wait3A = arith.constant 0 : i32
        %dma_wait3A_51 = tpu.memref_slice %arg13[%mul3A_48, %dma_wait3A] : memref<5248x128xf32, #tpu.memory_space<vmem_shared>> -> memref<328x128xf32, #tpu.memory_space<vmem_shared>>
        tpu.wait_dma2 semaphore(%run_scoped3A : memref<!tpu.dma_semaphore, #tpu.memory_space<semaphore_mem>>) src(%arg5 : memref<328x128xf32, #tpu.memory_space<hbm>>) dst(%dma_wait3A_51 : memref<328x128xf32, #tpu.memory_space<vmem_shared>>)
        tpu.yield
      }) : () -> ()
    } else {
    }
    %barrier3A = arith.constant 0 : index
    tpu.barrier barrier_id(%barrier3A)
    %dma_start3A = arith.constant 0 : i32
    %dma_start3A_3 = arith.constant 0 : i32
    %dma_start3A_4 = tpu.memref_slice %arg7[%dma_start3A, %dma_start3A_3] : memref<126x80xi32, #tpu.memory_space<vmem>> -> memref<1x80xi32, #tpu.memory_space<vmem>>
    %dma_start3A_5 = tpu.memref_squeeze %dma_start3A_4 : memref<1x80xi32, #tpu.memory_space<vmem>> -> memref<80xi32, #tpu.memory_space<vmem>>
    %dma_start3A_6 = arith.constant 0 : i32
    %dma_start3A_7 = arith.constant 0 : i32
    %dma_start3A_8 = tpu.memref_slice %arg2[%dma_start3A_6, %dma_start3A_7] : memref<10240x128xf32, #tpu.memory_space<hbm>> -> memref<10240x128xf32, #tpu.memory_space<hbm>>
    tpu.enqueue_indirect_dma source(%dma_start3A_8 : memref<10240x128xf32, #tpu.memory_space<hbm>>) target(%arg11 : memref<80x128xf32, #tpu.memory_space<vmem>>) offsets(%dma_start3A_5 : memref<80xi32, #tpu.memory_space<vmem>>) semaphore(%arg14 : memref<!tpu.dma_semaphore, #tpu.memory_space<semaphore_mem>>)
    %scan3A = arith.constant 0 : i32
    %scan3A_9 = arith.constant 0 : i32
    %scan3A_10 = arith.constant 63 : i32
    %scan3A_11 = arith.addi %scan3A_9, %scan3A_10 : i32
    %scan3A_12 = arith.constant 1 : i32
    scf.for %scan3A_47 = %scan3A_9 to %scan3A_11 step %scan3A_12  : i32 {
      %mul3A_48 = arith.constant 2 : i32
      %mul3A_49 = arith.muli %scan3A_47, %mul3A_48 : i32
      %add3A_50 = arith.constant 0 : i32
      %add3A_51 = arith.addi %mul3A_49, %add3A_50 : i32
      %dma_wait3A = arith.constant 0 : i32
      %dma_wait3A_52 = tpu.memref_slice %arg7[%add3A_51, %dma_wait3A] : memref<126x80xi32, #tpu.memory_space<vmem>> -> memref<1x80xi32, #tpu.memory_space<vmem>>
      %dma_wait3A_53 = tpu.memref_squeeze %dma_wait3A_52 : memref<1x80xi32, #tpu.memory_space<vmem>> -> memref<80xi32, #tpu.memory_space<vmem>>
      %dma_wait3A_54 = arith.constant 0 : i32
      %dma_wait3A_55 = arith.constant 0 : i32
      %dma_wait3A_56 = tpu.memref_slice %arg2[%dma_wait3A_54, %dma_wait3A_55] : memref<10240x128xf32, #tpu.memory_space<hbm>> -> memref<10240x128xf32, #tpu.memory_space<hbm>>
      tpu.wait_indirect_dma semaphore(%arg14 : memref<!tpu.dma_semaphore, #tpu.memory_space<semaphore_mem>>) src(%dma_wait3A_56 : memref<10240x128xf32, #tpu.memory_space<hbm>>) dst(%arg11 : memref<80x128xf32, #tpu.memory_space<vmem>>)
      %add3A_57 = arith.constant 1 : i32
      %add3A_58 = arith.addi %add3A_51, %add3A_57 : i32
      %lt3A_59 = arith.constant 126 : i32
      %lt3A_60 = arith.cmpi slt, %add3A_58, %lt3A_59 : i32
      %convert_element_type3A_61 = arith.extui %lt3A_60 : i1 to i32
      %cond3A_62 = arith.constant 0 : i32
      %cond3A_63 = arith.cmpi ne, %convert_element_type3A_61, %cond3A_62 : i32
      scf.if %cond3A_63 {
        %add3A_373 = arith.constant 1 : i32
        %add3A_374 = arith.addi %add3A_51, %add3A_373 : i32
        %dma_start3A_375 = arith.constant 0 : i32
        %dma_start3A_376 = tpu.memref_slice %arg7[%add3A_374, %dma_start3A_375] : memref<126x80xi32, #tpu.memory_space<vmem>> -> memref<1x80xi32, #tpu.memory_space<vmem>>
        %dma_start3A_377 = tpu.memref_squeeze %dma_start3A_376 : memref<1x80xi32, #tpu.memory_space<vmem>> -> memref<80xi32, #tpu.memory_space<vmem>>
        %dma_start3A_378 = arith.constant 0 : i32
        %dma_start3A_379 = arith.constant 0 : i32
        %dma_start3A_380 = tpu.memref_slice %arg2[%dma_start3A_378, %dma_start3A_379] : memref<10240x128xf32, #tpu.memory_space<hbm>> -> memref<10240x128xf32, #tpu.memory_space<hbm>>
        tpu.enqueue_indirect_dma source(%dma_start3A_380 : memref<10240x128xf32, #tpu.memory_space<hbm>>) target(%arg12 : memref<80x128xf32, #tpu.memory_space<vmem>>) offsets(%dma_start3A_377 : memref<80xi32, #tpu.memory_space<vmem>>) semaphore(%arg14 : memref<!tpu.dma_semaphore, #tpu.memory_space<semaphore_mem>>)
      } else {
      }
      %get3A = arith.index_cast %add3A_51 : i32 to index
      %get3A_64 = arith.constant 0 : index
      %get3A_65 = tpu.vector_load %arg8[%get3A, %get3A_64] {strides = array<i32>} : memref<126x80xi32, #tpu.memory_space<vmem>>, vector<1x16xi32>,
      %get3A_66 = vector.shape_cast %get3A_65 : vector<1x16xi32> to vector<16xi32>
      %sub3A = arith.constant 0 : i32
      %sub3A_67 = vector.broadcast %sub3A : i32 to vector<16xi32>
      %sub3A_68 = arith.subi %get3A_66, %sub3A_67 : vector<16xi32>
      %ge3A = arith.constant 0 : i32
      %ge3A_69 = vector.broadcast %ge3A : i32 to vector<16xi32>
      %ge3A_70 = arith.cmpi sge, %sub3A_68, %ge3A_69 : vector<16xi32>
      %lt3A_71 = arith.constant 5120 : i32
      %lt3A_72 = vector.broadcast %lt3A_71 : i32 to vector<16xi32>
      %lt3A_73 = arith.cmpi slt, %sub3A_68, %lt3A_72 : vector<16xi32>
      %and3A = arith.andi %ge3A_70, %lt3A_73 : vector<16xi1>
      %mul3A_74 = arith.constant 5 : i32
      %mul3A_75 = arith.muli %add3A_51, %mul3A_74 : i32
      %add3A_76 = arith.constant 0 : i32
      %add3A_77 = arith.addi %mul3A_75, %add3A_76 : i32
      %and3A_78 = arith.constant 15 : i32
      %and3A_79 = arith.andi %add3A_77, %and3A_78 : i32
      %shift_left3A = arith.constant 3 : i32
      %shift_left3A_80 = arith.shli %and3A_79, %shift_left3A : i32
      %add3A_81 = arith.constant 5120 : i32
      %add3A_82 = arith.addi %add3A_81, %shift_left3A_80 : i32
      %broadcast_in_dim3A = vector.broadcast %add3A_82 : i32 to vector<16xi32>
      %select_n3A = arith.select %and3A, %sub3A_68, %broadcast_in_dim3A : vector<16xi1>, vector<16xi32>
      %swap3A = arith.constant 0 : index
      %swap3A_83 = tpu.vector_load %arg9[%swap3A] {strides = array<i32>} : memref<80xi32, #tpu.memory_space<vmem>>, vector<16xi32>,
      %swap3A_84 = vector.shape_cast %swap3A_83 : vector<16xi32> to vector<16xi32>
      %swap3A_85 = vector.shape_cast %select_n3A : vector<16xi32> to vector<16xi32>
      tpu.vector_store %arg9[%swap3A], %swap3A_85 {strides = array<i32>} : memref<80xi32, #tpu.memory_space<vmem>>, vector<16xi32>,
      %get3A_86 = arith.index_cast %add3A_51 : i32 to index
      %get3A_87 = arith.constant 16 : index
      %get3A_88 = tpu.vector_load %arg8[%get3A_86, %get3A_87] {strides = array<i32>} : memref<126x80xi32, #tpu.memory_space<vmem>>, vector<1x16xi32>,
      %get3A_89 = vector.shape_cast %get3A_88 : vector<1x16xi32> to vector<16xi32>
      %sub3A_90 = arith.constant 0 : i32
      %sub3A_91 = vector.broadcast %sub3A_90 : i32 to vector<16xi32>
      %sub3A_92 = arith.subi %get3A_89, %sub3A_91 : vector<16xi32>
      %ge3A_93 = arith.constant 0 : i32
      %ge3A_94 = vector.broadcast %ge3A_93 : i32 to vector<16xi32>
      %ge3A_95 = arith.cmpi sge, %sub3A_92, %ge3A_94 : vector<16xi32>
      %lt3A_96 = arith.constant 5120 : i32
      %lt3A_97 = vector.broadcast %lt3A_96 : i32 to vector<16xi32>
      %lt3A_98 = arith.cmpi slt, %sub3A_92, %lt3A_97 : vector<16xi32>
      %and3A_99 = arith.andi %ge3A_95, %lt3A_98 : vector<16xi1>
      %mul3A_100 = arith.constant 5 : i32
      %mul3A_101 = arith.muli %add3A_51, %mul3A_100 : i32
      %add3A_102 = arith.constant 1 : i32
      %add3A_103 = arith.addi %mul3A_101, %add3A_102 : i32
      %and3A_104 = arith.constant 15 : i32
      %and3A_105 = arith.andi %add3A_103, %and3A_104 : i32
      %shift_left3A_106 = arith.constant 3 : i32
      %shift_left3A_107 = arith.shli %and3A_105, %shift_left3A_106 : i32
      %add3A_108 = arith.constant 5120 : i32
      %add3A_109 = arith.addi %add3A_108, %shift_left3A_107 : i32
      %broadcast_in_dim3A_110 = vector.broadcast %add3A_109 : i32 to vector<16xi32>
      %select_n3A_111 = arith.select %and3A_99, %sub3A_92, %broadcast_in_dim3A_110 : vector<16xi1>, vector<16xi32>
      %swap3A_112 = arith.constant 16 : index
      %swap3A_113 = tpu.vector_load %arg9[%swap3A_112] {strides = array<i32>} : memref<80xi32, #tpu.memory_space<vmem>>, vector<16xi32>,
      %swap3A_114 = vector.shape_cast %swap3A_113 : vector<16xi32> to vector<16xi32>
      %swap3A_115 = vector.shape_cast %select_n3A_111 : vector<16xi32> to vector<16xi32>
      tpu.vector_store %arg9[%swap3A_112], %swap3A_115 {strides = array<i32>} : memref<80xi32, #tpu.memory_space<vmem>>, vector<16xi32>,
      %get3A_116 = arith.index_cast %add3A_51 : i32 to index
      %get3A_117 = arith.constant 32 : index
      %get3A_118 = tpu.vector_load %arg8[%get3A_116, %get3A_117] {strides = array<i32>} : memref<126x80xi32, #tpu.memory_space<vmem>>, vector<1x16xi32>,
      %get3A_119 = vector.shape_cast %get3A_118 : vector<1x16xi32> to vector<16xi32>
      %sub3A_120 = arith.constant 0 : i32
      %sub3A_121 = vector.broadcast %sub3A_120 : i32 to vector<16xi32>
      %sub3A_122 = arith.subi %get3A_119, %sub3A_121 : vector<16xi32>
      %ge3A_123 = arith.constant 0 : i32
      %ge3A_124 = vector.broadcast %ge3A_123 : i32 to vector<16xi32>
      %ge3A_125 = arith.cmpi sge, %sub3A_122, %ge3A_124 : vector<16xi32>
      %lt3A_126 = arith.constant 5120 : i32
      %lt3A_127 = vector.broadcast %lt3A_126 : i32 to vector<16xi32>
      %lt3A_128 = arith.cmpi slt, %sub3A_122, %lt3A_127 : vector<16xi32>
      %and3A_129 = arith.andi %ge3A_125, %lt3A_128 : vector<16xi1>
      %mul3A_130 = arith.constant 5 : i32
      %mul3A_131 = arith.muli %add3A_51, %mul3A_130 : i32
      %add3A_132 = arith.constant 2 : i32
      %add3A_133 = arith.addi %mul3A_131, %add3A_132 : i32
      %and3A_134 = arith.constant 15 : i32
      %and3A_135 = arith.andi %add3A_133, %and3A_134 : i32
      %shift_left3A_136 = arith.constant 3 : i32
      %shift_left3A_137 = arith.shli %and3A_135, %shift_left3A_136 : i32
      %add3A_138 = arith.constant 5120 : i32
      %add3A_139 = arith.addi %add3A_138, %shift_left3A_137 : i32
      %broadcast_in_dim3A_140 = vector.broadcast %add3A_139 : i32 to vector<16xi32>
      %select_n3A_141 = arith.select %and3A_129, %sub3A_122, %broadcast_in_dim3A_140 : vector<16xi1>, vector<16xi32>
      %swap3A_142 = arith.constant 32 : index
      %swap3A_143 = tpu.vector_load %arg9[%swap3A_142] {strides = array<i32>} : memref<80xi32, #tpu.memory_space<vmem>>, vector<16xi32>,
      %swap3A_144 = vector.shape_cast %swap3A_143 : vector<16xi32> to vector<16xi32>
      %swap3A_145 = vector.shape_cast %select_n3A_141 : vector<16xi32> to vector<16xi32>
      tpu.vector_store %arg9[%swap3A_142], %swap3A_145 {strides = array<i32>} : memref<80xi32, #tpu.memory_space<vmem>>, vector<16xi32>,
      %get3A_146 = arith.index_cast %add3A_51 : i32 to index
      %get3A_147 = arith.constant 48 : index
      %get3A_148 = tpu.vector_load %arg8[%get3A_146, %get3A_147] {strides = array<i32>} : memref<126x80xi32, #tpu.memory_space<vmem>>, vector<1x16xi32>,
      %get3A_149 = vector.shape_cast %get3A_148 : vector<1x16xi32> to vector<16xi32>
      %sub3A_150 = arith.constant 0 : i32
      %sub3A_151 = vector.broadcast %sub3A_150 : i32 to vector<16xi32>
      %sub3A_152 = arith.subi %get3A_149, %sub3A_151 : vector<16xi32>
      %ge3A_153 = arith.constant 0 : i32
      %ge3A_154 = vector.broadcast %ge3A_153 : i32 to vector<16xi32>
      %ge3A_155 = arith.cmpi sge, %sub3A_152, %ge3A_154 : vector<16xi32>
      %lt3A_156 = arith.constant 5120 : i32
      %lt3A_157 = vector.broadcast %lt3A_156 : i32 to vector<16xi32>
      %lt3A_158 = arith.cmpi slt, %sub3A_152, %lt3A_157 : vector<16xi32>
      %and3A_159 = arith.andi %ge3A_155, %lt3A_158 : vector<16xi1>
      %mul3A_160 = arith.constant 5 : i32
      %mul3A_161 = arith.muli %add3A_51, %mul3A_160 : i32
      %add3A_162 = arith.constant 3 : i32
      %add3A_163 = arith.addi %mul3A_161, %add3A_162 : i32
      %and3A_164 = arith.constant 15 : i32
      %and3A_165 = arith.andi %add3A_163, %and3A_164 : i32
      %shift_left3A_166 = arith.constant 3 : i32
      %shift_left3A_167 = arith.shli %and3A_165, %shift_left3A_166 : i32
      %add3A_168 = arith.constant 5120 : i32
      %add3A_169 = arith.addi %add3A_168, %shift_left3A_167 : i32
      %broadcast_in_dim3A_170 = vector.broadcast %add3A_169 : i32 to vector<16xi32>
      %select_n3A_171 = arith.select %and3A_159, %sub3A_152, %broadcast_in_dim3A_170 : vector<16xi1>, vector<16xi32>
      %swap3A_172 = arith.constant 48 : index
      %swap3A_173 = tpu.vector_load %arg9[%swap3A_172] {strides = array<i32>} : memref<80xi32, #tpu.memory_space<vmem>>, vector<16xi32>,
      %swap3A_174 = vector.shape_cast %swap3A_173 : vector<16xi32> to vector<16xi32>
      %swap3A_175 = vector.shape_cast %select_n3A_171 : vector<16xi32> to vector<16xi32>
      tpu.vector_store %arg9[%swap3A_172], %swap3A_175 {strides = array<i32>} : memref<80xi32, #tpu.memory_space<vmem>>, vector<16xi32>,
      %get3A_176 = arith.index_cast %add3A_51 : i32 to index
      %get3A_177 = arith.constant 64 : index
      %get3A_178 = tpu.vector_load %arg8[%get3A_176, %get3A_177] {strides = array<i32>} : memref<126x80xi32, #tpu.memory_space<vmem>>, vector<1x16xi32>,
      %get3A_179 = vector.shape_cast %get3A_178 : vector<1x16xi32> to vector<16xi32>
      %sub3A_180 = arith.constant 0 : i32
      %sub3A_181 = vector.broadcast %sub3A_180 : i32 to vector<16xi32>
      %sub3A_182 = arith.subi %get3A_179, %sub3A_181 : vector<16xi32>
      %ge3A_183 = arith.constant 0 : i32
      %ge3A_184 = vector.broadcast %ge3A_183 : i32 to vector<16xi32>
      %ge3A_185 = arith.cmpi sge, %sub3A_182, %ge3A_184 : vector<16xi32>
      %lt3A_186 = arith.constant 5120 : i32
      %lt3A_187 = vector.broadcast %lt3A_186 : i32 to vector<16xi32>
      %lt3A_188 = arith.cmpi slt, %sub3A_182, %lt3A_187 : vector<16xi32>
      %and3A_189 = arith.andi %ge3A_185, %lt3A_188 : vector<16xi1>
      %mul3A_190 = arith.constant 5 : i32
      %mul3A_191 = arith.muli %add3A_51, %mul3A_190 : i32
      %add3A_192 = arith.constant 4 : i32
      %add3A_193 = arith.addi %mul3A_191, %add3A_192 : i32
      %and3A_194 = arith.constant 15 : i32
      %and3A_195 = arith.andi %add3A_193, %and3A_194 : i32
      %shift_left3A_196 = arith.constant 3 : i32
      %shift_left3A_197 = arith.shli %and3A_195, %shift_left3A_196 : i32
      %add3A_198 = arith.constant 5120 : i32
      %add3A_199 = arith.addi %add3A_198, %shift_left3A_197 : i32
      %broadcast_in_dim3A_200 = vector.broadcast %add3A_199 : i32 to vector<16xi32>
      %select_n3A_201 = arith.select %and3A_189, %sub3A_182, %broadcast_in_dim3A_200 : vector<16xi1>, vector<16xi32>
      %swap3A_202 = arith.constant 64 : index
      %swap3A_203 = tpu.vector_load %arg9[%swap3A_202] {strides = array<i32>} : memref<80xi32, #tpu.memory_space<vmem>>, vector<16xi32>,
      %swap3A_204 = vector.shape_cast %swap3A_203 : vector<16xi32> to vector<16xi32>
      %swap3A_205 = vector.shape_cast %select_n3A_201 : vector<16xi32> to vector<16xi32>
      tpu.vector_store %arg9[%swap3A_202], %swap3A_205 {strides = array<i32>} : memref<80xi32, #tpu.memory_space<vmem>>, vector<16xi32>,
      "tpu.region"() ({
        %run_scoped3A = tpu.sem_alloc : memref<!tpu.dma_semaphore, #tpu.memory_space<semaphore_mem>>
        %dma_start3A_373 = arith.constant 0 : i32
        %dma_start3A_374 = arith.constant 0 : i32
        %dma_start3A_375 = tpu.memref_slice %arg13[%dma_start3A_373, %dma_start3A_374] : memref<5248x128xf32, #tpu.memory_space<vmem_shared>> -> memref<5248x128xf32, #tpu.memory_space<vmem_shared>>
        tpu.enqueue_indirect_dma source(%arg11 : memref<80x128xf32, #tpu.memory_space<vmem>>) target(%dma_start3A_375 : memref<5248x128xf32, #tpu.memory_space<vmem_shared>>) offsets(%arg9 : memref<80xi32, #tpu.memory_space<vmem>>) semaphore(%run_scoped3A : memref<!tpu.dma_semaphore, #tpu.memory_space<semaphore_mem>>) {add = true}
        %dma_wait3A_376 = arith.constant 0 : i32
        %dma_wait3A_377 = arith.constant 0 : i32
        %dma_wait3A_378 = tpu.memref_slice %arg13[%dma_wait3A_376, %dma_wait3A_377] : memref<5248x128xf32, #tpu.memory_space<vmem_shared>> -> memref<5248x128xf32, #tpu.memory_space<vmem_shared>>
        tpu.wait_indirect_dma semaphore(%run_scoped3A : memref<!tpu.dma_semaphore, #tpu.memory_space<semaphore_mem>>) src(%arg11 : memref<80x128xf32, #tpu.memory_space<vmem>>) dst(%dma_wait3A_378 : memref<5248x128xf32, #tpu.memory_space<vmem_shared>>)
        tpu.yield
      }) : () -> ()
      %mul3A_206 = arith.constant 2 : i32
      %mul3A_207 = arith.muli %scan3A_47, %mul3A_206 : i32
      %add3A_208 = arith.constant 1 : i32
      %add3A_209 = arith.addi %mul3A_207, %add3A_208 : i32
      %dma_wait3A_210 = arith.constant 0 : i32
      %dma_wait3A_211 = tpu.memref_slice %arg7[%add3A_209, %dma_wait3A_210] : memref<126x80xi32, #tpu.memory_space<vmem>> -> memref<1x80xi32, #tpu.memory_space<vmem>>
      %dma_wait3A_212 = tpu.memref_squeeze %dma_wait3A_211 : memref<1x80xi32, #tpu.memory_space<vmem>> -> memref<80xi32, #tpu.memory_space<vmem>>
      %dma_wait3A_213 = arith.constant 0 : i32
      %dma_wait3A_214 = arith.constant 0 : i32
      %dma_wait3A_215 = tpu.memref_slice %arg2[%dma_wait3A_213, %dma_wait3A_214] : memref<10240x128xf32, #tpu.memory_space<hbm>> -> memref<10240x128xf32, #tpu.memory_space<hbm>>
      tpu.wait_indirect_dma semaphore(%arg14 : memref<!tpu.dma_semaphore, #tpu.memory_space<semaphore_mem>>) src(%dma_wait3A_215 : memref<10240x128xf32, #tpu.memory_space<hbm>>) dst(%arg12 : memref<80x128xf32, #tpu.memory_space<vmem>>)
      %add3A_216 = arith.constant 1 : i32
      %add3A_217 = arith.addi %add3A_209, %add3A_216 : i32
      %lt3A_218 = arith.constant 126 : i32
      %lt3A_219 = arith.cmpi slt, %add3A_217, %lt3A_218 : i32
      %convert_element_type3A_220 = arith.extui %lt3A_219 : i1 to i32
      %cond3A_221 = arith.constant 0 : i32
      %cond3A_222 = arith.cmpi ne, %convert_element_type3A_220, %cond3A_221 : i32
      scf.if %cond3A_222 {
        %add3A_373 = arith.constant 1 : i32
        %add3A_374 = arith.addi %add3A_209, %add3A_373 : i32
        %dma_start3A_375 = arith.constant 0 : i32
        %dma_start3A_376 = tpu.memref_slice %arg7[%add3A_374, %dma_start3A_375] : memref<126x80xi32, #tpu.memory_space<vmem>> -> memref<1x80xi32, #tpu.memory_space<vmem>>
        %dma_start3A_377 = tpu.memref_squeeze %dma_start3A_376 : memref<1x80xi32, #tpu.memory_space<vmem>> -> memref<80xi32, #tpu.memory_space<vmem>>
        %dma_start3A_378 = arith.constant 0 : i32
        %dma_start3A_379 = arith.constant 0 : i32
        %dma_start3A_380 = tpu.memref_slice %arg2[%dma_start3A_378, %dma_start3A_379] : memref<10240x128xf32, #tpu.memory_space<hbm>> -> memref<10240x128xf32, #tpu.memory_space<hbm>>
        tpu.enqueue_indirect_dma source(%dma_start3A_380 : memref<10240x128xf32, #tpu.memory_space<hbm>>) target(%arg11 : memref<80x128xf32, #tpu.memory_space<vmem>>) offsets(%dma_start3A_377 : memref<80xi32, #tpu.memory_space<vmem>>) semaphore(%arg14 : memref<!tpu.dma_semaphore, #tpu.memory_space<semaphore_mem>>)
      } else {
      }
      %get3A_223 = arith.index_cast %add3A_209 : i32 to index
      %get3A_224 = arith.constant 0 : index
      %get3A_225 = tpu.vector_load %arg8[%get3A_223, %get3A_224] {strides = array<i32>} : memref<126x80xi32, #tpu.memory_space<vmem>>, vector<1x16xi32>,
      %get3A_226 = vector.shape_cast %get3A_225 : vector<1x16xi32> to vector<16xi32>
      %sub3A_227 = arith.constant 0 : i32
      %sub3A_228 = vector.broadcast %sub3A_227 : i32 to vector<16xi32>
      %sub3A_229 = arith.subi %get3A_226, %sub3A_228 : vector<16xi32>
      %ge3A_230 = arith.constant 0 : i32
      %ge3A_231 = vector.broadcast %ge3A_230 : i32 to vector<16xi32>
      %ge3A_232 = arith.cmpi sge, %sub3A_229, %ge3A_231 : vector<16xi32>
      %lt3A_233 = arith.constant 5120 : i32
      %lt3A_234 = vector.broadcast %lt3A_233 : i32 to vector<16xi32>
      %lt3A_235 = arith.cmpi slt, %sub3A_229, %lt3A_234 : vector<16xi32>
      %and3A_236 = arith.andi %ge3A_232, %lt3A_235 : vector<16xi1>
      %mul3A_237 = arith.constant 5 : i32
      %mul3A_238 = arith.muli %add3A_209, %mul3A_237 : i32
      %add3A_239 = arith.constant 0 : i32
      %add3A_240 = arith.addi %mul3A_238, %add3A_239 : i32
      %and3A_241 = arith.constant 15 : i32
      %and3A_242 = arith.andi %add3A_240, %and3A_241 : i32
      %shift_left3A_243 = arith.constant 3 : i32
      %shift_left3A_244 = arith.shli %and3A_242, %shift_left3A_243 : i32
      %add3A_245 = arith.constant 5120 : i32
      %add3A_246 = arith.addi %add3A_245, %shift_left3A_244 : i32
      %broadcast_in_dim3A_247 = vector.broadcast %add3A_246 : i32 to vector<16xi32>
      %select_n3A_248 = arith.select %and3A_236, %sub3A_229, %broadcast_in_dim3A_247 : vector<16xi1>, vector<16xi32>
      %swap3A_249 = arith.constant 0 : index
      %swap3A_250 = tpu.vector_load %arg10[%swap3A_249] {strides = array<i32>} : memref<80xi32, #tpu.memory_space<vmem>>, vector<16xi32>,
      %swap3A_251 = vector.shape_cast %swap3A_250 : vector<16xi32> to vector<16xi32>
      %swap3A_252 = vector.shape_cast %select_n3A_248 : vector<16xi32> to vector<16xi32>
      tpu.vector_store %arg10[%swap3A_249], %swap3A_252 {strides = array<i32>} : memref<80xi32, #tpu.memory_space<vmem>>, vector<16xi32>,
      %get3A_253 = arith.index_cast %add3A_209 : i32 to index
      %get3A_254 = arith.constant 16 : index
      %get3A_255 = tpu.vector_load %arg8[%get3A_253, %get3A_254] {strides = array<i32>} : memref<126x80xi32, #tpu.memory_space<vmem>>, vector<1x16xi32>,
      %get3A_256 = vector.shape_cast %get3A_255 : vector<1x16xi32> to vector<16xi32>
      %sub3A_257 = arith.constant 0 : i32
      %sub3A_258 = vector.broadcast %sub3A_257 : i32 to vector<16xi32>
      %sub3A_259 = arith.subi %get3A_256, %sub3A_258 : vector<16xi32>
      %ge3A_260 = arith.constant 0 : i32
      %ge3A_261 = vector.broadcast %ge3A_260 : i32 to vector<16xi32>
      %ge3A_262 = arith.cmpi sge, %sub3A_259, %ge3A_261 : vector<16xi32>
      %lt3A_263 = arith.constant 5120 : i32
      %lt3A_264 = vector.broadcast %lt3A_263 : i32 to vector<16xi32>
      %lt3A_265 = arith.cmpi slt, %sub3A_259, %lt3A_264 : vector<16xi32>
      %and3A_266 = arith.andi %ge3A_262, %lt3A_265 : vector<16xi1>
      %mul3A_267 = arith.constant 5 : i32
      %mul3A_268 = arith.muli %add3A_209, %mul3A_267 : i32
      %add3A_269 = arith.constant 1 : i32
      %add3A_270 = arith.addi %mul3A_268, %add3A_269 : i32
      %and3A_271 = arith.constant 15 : i32
      %and3A_272 = arith.andi %add3A_270, %and3A_271 : i32
      %shift_left3A_273 = arith.constant 3 : i32
      %shift_left3A_274 = arith.shli %and3A_272, %shift_left3A_273 : i32
      %add3A_275 = arith.constant 5120 : i32
      %add3A_276 = arith.addi %add3A_275, %shift_left3A_274 : i32
      %broadcast_in_dim3A_277 = vector.broadcast %add3A_276 : i32 to vector<16xi32>
      %select_n3A_278 = arith.select %and3A_266, %sub3A_259, %broadcast_in_dim3A_277 : vector<16xi1>, vector<16xi32>
      %swap3A_279 = arith.constant 16 : index
      %swap3A_280 = tpu.vector_load %arg10[%swap3A_279] {strides = array<i32>} : memref<80xi32, #tpu.memory_space<vmem>>, vector<16xi32>,
      %swap3A_281 = vector.shape_cast %swap3A_280 : vector<16xi32> to vector<16xi32>
      %swap3A_282 = vector.shape_cast %select_n3A_278 : vector<16xi32> to vector<16xi32>
      tpu.vector_store %arg10[%swap3A_279], %swap3A_282 {strides = array<i32>} : memref<80xi32, #tpu.memory_space<vmem>>, vector<16xi32>,
      %get3A_283 = arith.index_cast %add3A_209 : i32 to index
      %get3A_284 = arith.constant 32 : index
      %get3A_285 = tpu.vector_load %arg8[%get3A_283, %get3A_284] {strides = array<i32>} : memref<126x80xi32, #tpu.memory_space<vmem>>, vector<1x16xi32>,
      %get3A_286 = vector.shape_cast %get3A_285 : vector<1x16xi32> to vector<16xi32>
      %sub3A_287 = arith.constant 0 : i32
      %sub3A_288 = vector.broadcast %sub3A_287 : i32 to vector<16xi32>
      %sub3A_289 = arith.subi %get3A_286, %sub3A_288 : vector<16xi32>
      %ge3A_290 = arith.constant 0 : i32
      %ge3A_291 = vector.broadcast %ge3A_290 : i32 to vector<16xi32>
      %ge3A_292 = arith.cmpi sge, %sub3A_289, %ge3A_291 : vector<16xi32>
      %lt3A_293 = arith.constant 5120 : i32
      %lt3A_294 = vector.broadcast %lt3A_293 : i32 to vector<16xi32>
      %lt3A_295 = arith.cmpi slt, %sub3A_289, %lt3A_294 : vector<16xi32>
      %and3A_296 = arith.andi %ge3A_292, %lt3A_295 : vector<16xi1>
      %mul3A_297 = arith.constant 5 : i32
      %mul3A_298 = arith.muli %add3A_209, %mul3A_297 : i32
      %add3A_299 = arith.constant 2 : i32
      %add3A_300 = arith.addi %mul3A_298, %add3A_299 : i32
      %and3A_301 = arith.constant 15 : i32
      %and3A_302 = arith.andi %add3A_300, %and3A_301 : i32
      %shift_left3A_303 = arith.constant 3 : i32
      %shift_left3A_304 = arith.shli %and3A_302, %shift_left3A_303 : i32
      %add3A_305 = arith.constant 5120 : i32
      %add3A_306 = arith.addi %add3A_305, %shift_left3A_304 : i32
      %broadcast_in_dim3A_307 = vector.broadcast %add3A_306 : i32 to vector<16xi32>
      %select_n3A_308 = arith.select %and3A_296, %sub3A_289, %broadcast_in_dim3A_307 : vector<16xi1>, vector<16xi32>
      %swap3A_309 = arith.constant 32 : index
      %swap3A_310 = tpu.vector_load %arg10[%swap3A_309] {strides = array<i32>} : memref<80xi32, #tpu.memory_space<vmem>>, vector<16xi32>,
      %swap3A_311 = vector.shape_cast %swap3A_310 : vector<16xi32> to vector<16xi32>
      %swap3A_312 = vector.shape_cast %select_n3A_308 : vector<16xi32> to vector<16xi32>
      tpu.vector_store %arg10[%swap3A_309], %swap3A_312 {strides = array<i32>} : memref<80xi32, #tpu.memory_space<vmem>>, vector<16xi32>,
      %get3A_313 = arith.index_cast %add3A_209 : i32 to index
      %get3A_314 = arith.constant 48 : index
      %get3A_315 = tpu.vector_load %arg8[%get3A_313, %get3A_314] {strides = array<i32>} : memref<126x80xi32, #tpu.memory_space<vmem>>, vector<1x16xi32>,
      %get3A_316 = vector.shape_cast %get3A_315 : vector<1x16xi32> to vector<16xi32>
      %sub3A_317 = arith.constant 0 : i32
      %sub3A_318 = vector.broadcast %sub3A_317 : i32 to vector<16xi32>
      %sub3A_319 = arith.subi %get3A_316, %sub3A_318 : vector<16xi32>
      %ge3A_320 = arith.constant 0 : i32
      %ge3A_321 = vector.broadcast %ge3A_320 : i32 to vector<16xi32>
      %ge3A_322 = arith.cmpi sge, %sub3A_319, %ge3A_321 : vector<16xi32>
      %lt3A_323 = arith.constant 5120 : i32
      %lt3A_324 = vector.broadcast %lt3A_323 : i32 to vector<16xi32>
      %lt3A_325 = arith.cmpi slt, %sub3A_319, %lt3A_324 : vector<16xi32>
      %and3A_326 = arith.andi %ge3A_322, %lt3A_325 : vector<16xi1>
      %mul3A_327 = arith.constant 5 : i32
      %mul3A_328 = arith.muli %add3A_209, %mul3A_327 : i32
      %add3A_329 = arith.constant 3 : i32
      %add3A_330 = arith.addi %mul3A_328, %add3A_329 : i32
      %and3A_331 = arith.constant 15 : i32
      %and3A_332 = arith.andi %add3A_330, %and3A_331 : i32
      %shift_left3A_333 = arith.constant 3 : i32
      %shift_left3A_334 = arith.shli %and3A_332, %shift_left3A_333 : i32
      %add3A_335 = arith.constant 5120 : i32
      %add3A_336 = arith.addi %add3A_335, %shift_left3A_334 : i32
      %broadcast_in_dim3A_337 = vector.broadcast %add3A_336 : i32 to vector<16xi32>
      %select_n3A_338 = arith.select %and3A_326, %sub3A_319, %broadcast_in_dim3A_337 : vector<16xi1>, vector<16xi32>
      %swap3A_339 = arith.constant 48 : index
      %swap3A_340 = tpu.vector_load %arg10[%swap3A_339] {strides = array<i32>} : memref<80xi32, #tpu.memory_space<vmem>>, vector<16xi32>,
      %swap3A_341 = vector.shape_cast %swap3A_340 : vector<16xi32> to vector<16xi32>
      %swap3A_342 = vector.shape_cast %select_n3A_338 : vector<16xi32> to vector<16xi32>
      tpu.vector_store %arg10[%swap3A_339], %swap3A_342 {strides = array<i32>} : memref<80xi32, #tpu.memory_space<vmem>>, vector<16xi32>,
      %get3A_343 = arith.index_cast %add3A_209 : i32 to index
      %get3A_344 = arith.constant 64 : index
      %get3A_345 = tpu.vector_load %arg8[%get3A_343, %get3A_344] {strides = array<i32>} : memref<126x80xi32, #tpu.memory_space<vmem>>, vector<1x16xi32>,
      %get3A_346 = vector.shape_cast %get3A_345 : vector<1x16xi32> to vector<16xi32>
      %sub3A_347 = arith.constant 0 : i32
      %sub3A_348 = vector.broadcast %sub3A_347 : i32 to vector<16xi32>
      %sub3A_349 = arith.subi %get3A_346, %sub3A_348 : vector<16xi32>
      %ge3A_350 = arith.constant 0 : i32
      %ge3A_351 = vector.broadcast %ge3A_350 : i32 to vector<16xi32>
      %ge3A_352 = arith.cmpi sge, %sub3A_349, %ge3A_351 : vector<16xi32>
      %lt3A_353 = arith.constant 5120 : i32
      %lt3A_354 = vector.broadcast %lt3A_353 : i32 to vector<16xi32>
      %lt3A_355 = arith.cmpi slt, %sub3A_349, %lt3A_354 : vector<16xi32>
      %and3A_356 = arith.andi %ge3A_352, %lt3A_355 : vector<16xi1>
      %mul3A_357 = arith.constant 5 : i32
      %mul3A_358 = arith.muli %add3A_209, %mul3A_357 : i32
      %add3A_359 = arith.constant 4 : i32
      %add3A_360 = arith.addi %mul3A_358, %add3A_359 : i32
      %and3A_361 = arith.constant 15 : i32
      %and3A_362 = arith.andi %add3A_360, %and3A_361 : i32
      %shift_left3A_363 = arith.constant 3 : i32
      %shift_left3A_364 = arith.shli %and3A_362, %shift_left3A_363 : i32
      %add3A_365 = arith.constant 5120 : i32
      %add3A_366 = arith.addi %add3A_365, %shift_left3A_364 : i32
      %broadcast_in_dim3A_367 = vector.broadcast %add3A_366 : i32 to vector<16xi32>
      %select_n3A_368 = arith.select %and3A_356, %sub3A_349, %broadcast_in_dim3A_367 : vector<16xi1>, vector<16xi32>
      %swap3A_369 = arith.constant 64 : index
      %swap3A_370 = tpu.vector_load %arg10[%swap3A_369] {strides = array<i32>} : memref<80xi32, #tpu.memory_space<vmem>>, vector<16xi32>,
      %swap3A_371 = vector.shape_cast %swap3A_370 : vector<16xi32> to vector<16xi32>
      %swap3A_372 = vector.shape_cast %select_n3A_368 : vector<16xi32> to vector<16xi32>
      tpu.vector_store %arg10[%swap3A_369], %swap3A_372 {strides = array<i32>} : memref<80xi32, #tpu.memory_space<vmem>>, vector<16xi32>,
      "tpu.region"() ({
        %run_scoped3A = tpu.sem_alloc : memref<!tpu.dma_semaphore, #tpu.memory_space<semaphore_mem>>
        %dma_start3A_373 = arith.constant 0 : i32
        %dma_start3A_374 = arith.constant 0 : i32
        %dma_start3A_375 = tpu.memref_slice %arg13[%dma_start3A_373, %dma_start3A_374] : memref<5248x128xf32, #tpu.memory_space<vmem_shared>> -> memref<5248x128xf32, #tpu.memory_space<vmem_shared>>
        tpu.enqueue_indirect_dma source(%arg12 : memref<80x128xf32, #tpu.memory_space<vmem>>) target(%dma_start3A_375 : memref<5248x128xf32, #tpu.memory_space<vmem_shared>>) offsets(%arg10 : memref<80xi32, #tpu.memory_space<vmem>>) semaphore(%run_scoped3A : memref<!tpu.dma_semaphore, #tpu.memory_space<semaphore_mem>>) {add = true}
        %dma_wait3A_376 = arith.constant 0 : i32
        %dma_wait3A_377 = arith.constant 0 : i32
        %dma_wait3A_378 = tpu.memref_slice %arg13[%dma_wait3A_376, %dma_wait3A_377] : memref<5248x128xf32, #tpu.memory_space<vmem_shared>> -> memref<5248x128xf32, #tpu.memory_space<vmem_shared>>
        tpu.wait_indirect_dma semaphore(%run_scoped3A : memref<!tpu.dma_semaphore, #tpu.memory_space<semaphore_mem>>) src(%arg12 : memref<80x128xf32, #tpu.memory_space<vmem>>) dst(%dma_wait3A_378 : memref<5248x128xf32, #tpu.memory_space<vmem_shared>>)
        tpu.yield
      }) : () -> ()
    }
    %scan3A_13 = arith.constant 63 : i32
    %barrier3A_14 = arith.constant 0 : index
    tpu.barrier barrier_id(%barrier3A_14)
    %lt3A_15 = arith.constant 16 : i32
    %lt3A_16 = arith.cmpi slt, %arg1, %lt3A_15 : i32
    %convert_element_type3A_17 = arith.extui %lt3A_16 : i1 to i32
    %cond3A_18 = arith.constant 0 : i32
    %cond3A_19 = arith.cmpi ne, %convert_element_type3A_17, %cond3A_18 : i32
    scf.if %cond3A_19 {
      %mul3A_47 = arith.constant 320 : i32
      %mul3A_48 = arith.muli %arg1, %mul3A_47 : i32
      %add3A_49 = arith.constant 0 : i32
      %add3A_50 = arith.addi %add3A_49, %mul3A_48 : i32
      "tpu.region"() ({
        %run_scoped3A = tpu.sem_alloc : memref<!tpu.dma_semaphore, #tpu.memory_space<semaphore_mem>>
        %dma_start3A_51 = arith.constant 0 : i32
        %dma_start3A_52 = tpu.memref_slice %arg6[%arg0, %add3A_50, %dma_start3A_51] : memref<2x10240x128xf32, #tpu.memory_space<hbm>> -> memref<1x320x128xf32, #tpu.memory_space<hbm>>
        %dma_start3A_53 = tpu.memref_squeeze %dma_start3A_52 : memref<1x320x128xf32, #tpu.memory_space<hbm>> -> memref<320x128xf32, #tpu.memory_space<hbm>>
        %dma_start3A_54 = arith.constant 0 : i32
        %dma_start3A_55 = tpu.memref_slice %arg13[%mul3A_48, %dma_start3A_54] : memref<5248x128xf32, #tpu.memory_space<vmem_shared>> -> memref<320x128xf32, #tpu.memory_space<vmem_shared>>
        tpu.enqueue_dma source(%dma_start3A_55 : memref<320x128xf32, #tpu.memory_space<vmem_shared>>) target(%dma_start3A_53 : memref<320x128xf32, #tpu.memory_space<hbm>>) target_semaphore(%run_scoped3A : memref<!tpu.dma_semaphore, #tpu.memory_space<semaphore_mem>>)
        %dma_wait3A = arith.constant 0 : i32
        %dma_wait3A_56 = tpu.memref_slice %arg6[%arg0, %add3A_50, %dma_wait3A] : memref<2x10240x128xf32, #tpu.memory_space<hbm>> -> memref<1x320x128xf32, #tpu.memory_space<hbm>>
        %dma_wait3A_57 = tpu.memref_squeeze %dma_wait3A_56 : memref<1x320x128xf32, #tpu.memory_space<hbm>> -> memref<320x128xf32, #tpu.memory_space<hbm>>
        %dma_wait3A_58 = arith.constant 0 : i32
        %dma_wait3A_59 = tpu.memref_slice %arg13[%mul3A_48, %dma_wait3A_58] : memref<5248x128xf32, #tpu.memory_space<vmem_shared>> -> memref<320x128xf32, #tpu.memory_space<vmem_shared>>
        tpu.wait_dma2 semaphore(%run_scoped3A : memref<!tpu.dma_semaphore, #tpu.memory_space<semaphore_mem>>) src(%dma_wait3A_59 : memref<320x128xf32, #tpu.memory_space<vmem_shared>>) dst(%dma_wait3A_57 : memref<320x128xf32, #tpu.memory_space<hbm>>)
        tpu.yield
      }) : () -> ()
    } else {
    }
    %barrier3A_20 = arith.constant 0 : index
    tpu.barrier barrier_id(%barrier3A_20)
    %lt3A_21 = arith.constant 16 : i32
    %lt3A_22 = arith.cmpi slt, %arg1, %lt3A_21 : i32
    %convert_element_type3A_23 = arith.extui %lt3A_22 : i1 to i32
    %cond3A_24 = arith.constant 0 : i32
    %cond3A_25 = arith.cmpi ne, %convert_element_type3A_23, %cond3A_24 : i32
    scf.if %cond3A_25 {
      %mul3A_47 = arith.constant 328 : i32
      %mul3A_48 = arith.muli %arg1, %mul3A_47 : i32
      "tpu.region"() ({
        %run_scoped3A = tpu.sem_alloc : memref<!tpu.dma_semaphore, #tpu.memory_space<semaphore_mem>>
        %dma_start3A_49 = arith.constant 0 : i32
        %dma_start3A_50 = tpu.memref_slice %arg13[%mul3A_48, %dma_start3A_49] : memref<5248x128xf32, #tpu.memory_space<vmem_shared>> -> memref<328x128xf32, #tpu.memory_space<vmem_shared>>
        tpu.enqueue_dma source(%arg5 : memref<328x128xf32, #tpu.memory_space<hbm>>) target(%dma_start3A_50 : memref<328x128xf32, #tpu.memory_space<vmem_shared>>) target_semaphore(%run_scoped3A : memref<!tpu.dma_semaphore, #tpu.memory_space<semaphore_mem>>)
        %dma_wait3A = arith.constant 0 : i32
        %dma_wait3A_51 = tpu.memref_slice %arg13[%mul3A_48, %dma_wait3A] : memref<5248x128xf32, #tpu.memory_space<vmem_shared>> -> memref<328x128xf32, #tpu.memory_space<vmem_shared>>
        tpu.wait_dma2 semaphore(%run_scoped3A : memref<!tpu.dma_semaphore, #tpu.memory_space<semaphore_mem>>) src(%arg5 : memref<328x128xf32, #tpu.memory_space<hbm>>) dst(%dma_wait3A_51 : memref<328x128xf32, #tpu.memory_space<vmem_shared>>)
        tpu.yield
      }) : () -> ()
    } else {
    }
    %barrier3A_26 = arith.constant 0 : index
    tpu.barrier barrier_id(%barrier3A_26)
    %dma_start3A_27 = arith.constant 0 : i32
    %dma_start3A_28 = arith.constant 0 : i32
    %dma_start3A_29 = tpu.memref_slice %arg7[%dma_start3A_27, %dma_start3A_28] : memref<126x80xi32, #tpu.memory_space<vmem>> -> memref<1x80xi32, #tpu.memory_space<vmem>>
    %dma_start3A_30 = tpu.memref_squeeze %dma_start3A_29 : memref<1x80xi32, #tpu.memory_space<vmem>> -> memref<80xi32, #tpu.memory_space<vmem>>
    %dma_start3A_31 = arith.constant 0 : i32
    %dma_start3A_32 = arith.constant 0 : i32
    %dma_start3A_33 = tpu.memref_slice %arg2[%dma_start3A_31, %dma_start3A_32] : memref<10240x128xf32, #tpu.memory_space<hbm>> -> memref<10240x128xf32, #tpu.memory_space<hbm>>
    tpu.enqueue_indirect_dma source(%dma_start3A_33 : memref<10240x128xf32, #tpu.memory_space<hbm>>) target(%arg11 : memref<80x128xf32, #tpu.memory_space<vmem>>) offsets(%dma_start3A_30 : memref<80xi32, #tpu.memory_space<vmem>>) semaphore(%arg14 : memref<!tpu.dma_semaphore, #tpu.memory_space<semaphore_mem>>)
    %scan3A_34 = arith.constant 0 : i32
    %scan3A_35 = arith.constant 0 : i32
    %scan3A_36 = arith.constant 63 : i32
    %scan3A_37 = arith.addi %scan3A_35, %scan3A_36 : i32
    %scan3A_38 = arith.constant 1 : i32
    scf.for %scan3A_47 = %scan3A_35 to %scan3A_37 step %scan3A_38  : i32 {
      %mul3A_48 = arith.constant 2 : i32
      %mul3A_49 = arith.muli %scan3A_47, %mul3A_48 : i32
      %add3A_50 = arith.constant 0 : i32
      %add3A_51 = arith.addi %mul3A_49, %add3A_50 : i32
      %dma_wait3A = arith.constant 0 : i32
      %dma_wait3A_52 = tpu.memref_slice %arg7[%add3A_51, %dma_wait3A] : memref<126x80xi32, #tpu.memory_space<vmem>> -> memref<1x80xi32, #tpu.memory_space<vmem>>
      %dma_wait3A_53 = tpu.memref_squeeze %dma_wait3A_52 : memref<1x80xi32, #tpu.memory_space<vmem>> -> memref<80xi32, #tpu.memory_space<vmem>>
      %dma_wait3A_54 = arith.constant 0 : i32
      %dma_wait3A_55 = arith.constant 0 : i32
      %dma_wait3A_56 = tpu.memref_slice %arg2[%dma_wait3A_54, %dma_wait3A_55] : memref<10240x128xf32, #tpu.memory_space<hbm>> -> memref<10240x128xf32, #tpu.memory_space<hbm>>
      tpu.wait_indirect_dma semaphore(%arg14 : memref<!tpu.dma_semaphore, #tpu.memory_space<semaphore_mem>>) src(%dma_wait3A_56 : memref<10240x128xf32, #tpu.memory_space<hbm>>) dst(%arg11 : memref<80x128xf32, #tpu.memory_space<vmem>>)
      %add3A_57 = arith.constant 1 : i32
      %add3A_58 = arith.addi %add3A_51, %add3A_57 : i32
      %lt3A_59 = arith.constant 126 : i32
      %lt3A_60 = arith.cmpi slt, %add3A_58, %lt3A_59 : i32
      %convert_element_type3A_61 = arith.extui %lt3A_60 : i1 to i32
      %cond3A_62 = arith.constant 0 : i32
      %cond3A_63 = arith.cmpi ne, %convert_element_type3A_61, %cond3A_62 : i32
      scf.if %cond3A_63 {
        %add3A_373 = arith.constant 1 : i32
        %add3A_374 = arith.addi %add3A_51, %add3A_373 : i32
        %dma_start3A_375 = arith.constant 0 : i32
        %dma_start3A_376 = tpu.memref_slice %arg7[%add3A_374, %dma_start3A_375] : memref<126x80xi32, #tpu.memory_space<vmem>> -> memref<1x80xi32, #tpu.memory_space<vmem>>
        %dma_start3A_377 = tpu.memref_squeeze %dma_start3A_376 : memref<1x80xi32, #tpu.memory_space<vmem>> -> memref<80xi32, #tpu.memory_space<vmem>>
        %dma_start3A_378 = arith.constant 0 : i32
        %dma_start3A_379 = arith.constant 0 : i32
        %dma_start3A_380 = tpu.memref_slice %arg2[%dma_start3A_378, %dma_start3A_379] : memref<10240x128xf32, #tpu.memory_space<hbm>> -> memref<10240x128xf32, #tpu.memory_space<hbm>>
        tpu.enqueue_indirect_dma source(%dma_start3A_380 : memref<10240x128xf32, #tpu.memory_space<hbm>>) target(%arg12 : memref<80x128xf32, #tpu.memory_space<vmem>>) offsets(%dma_start3A_377 : memref<80xi32, #tpu.memory_space<vmem>>) semaphore(%arg14 : memref<!tpu.dma_semaphore, #tpu.memory_space<semaphore_mem>>)
      } else {
      }
      %get3A = arith.index_cast %add3A_51 : i32 to index
      %get3A_64 = arith.constant 0 : index
      %get3A_65 = tpu.vector_load %arg8[%get3A, %get3A_64] {strides = array<i32>} : memref<126x80xi32, #tpu.memory_space<vmem>>, vector<1x16xi32>,
      %get3A_66 = vector.shape_cast %get3A_65 : vector<1x16xi32> to vector<16xi32>
      %sub3A = arith.constant 5120 : i32
      %sub3A_67 = vector.broadcast %sub3A : i32 to vector<16xi32>
      %sub3A_68 = arith.subi %get3A_66, %sub3A_67 : vector<16xi32>
      %ge3A = arith.constant 0 : i32
      %ge3A_69 = vector.broadcast %ge3A : i32 to vector<16xi32>
      %ge3A_70 = arith.cmpi sge, %sub3A_68, %ge3A_69 : vector<16xi32>
      %lt3A_71 = arith.constant 5120 : i32
      %lt3A_72 = vector.broadcast %lt3A_71 : i32 to vector<16xi32>
      %lt3A_73 = arith.cmpi slt, %sub3A_68, %lt3A_72 : vector<16xi32>
      %and3A = arith.andi %ge3A_70, %lt3A_73 : vector<16xi1>
      %mul3A_74 = arith.constant 5 : i32
      %mul3A_75 = arith.muli %add3A_51, %mul3A_74 : i32
      %add3A_76 = arith.constant 0 : i32
      %add3A_77 = arith.addi %mul3A_75, %add3A_76 : i32
      %and3A_78 = arith.constant 15 : i32
      %and3A_79 = arith.andi %add3A_77, %and3A_78 : i32
      %shift_left3A = arith.constant 3 : i32
      %shift_left3A_80 = arith.shli %and3A_79, %shift_left3A : i32
      %add3A_81 = arith.constant 5120 : i32
      %add3A_82 = arith.addi %add3A_81, %shift_left3A_80 : i32
      %broadcast_in_dim3A = vector.broadcast %add3A_82 : i32 to vector<16xi32>
      %select_n3A = arith.select %and3A, %sub3A_68, %broadcast_in_dim3A : vector<16xi1>, vector<16xi32>
      %swap3A = arith.constant 0 : index
      %swap3A_83 = tpu.vector_load %arg9[%swap3A] {strides = array<i32>} : memref<80xi32, #tpu.memory_space<vmem>>, vector<16xi32>,
      %swap3A_84 = vector.shape_cast %swap3A_83 : vector<16xi32> to vector<16xi32>
      %swap3A_85 = vector.shape_cast %select_n3A : vector<16xi32> to vector<16xi32>
      tpu.vector_store %arg9[%swap3A], %swap3A_85 {strides = array<i32>} : memref<80xi32, #tpu.memory_space<vmem>>, vector<16xi32>,
      %get3A_86 = arith.index_cast %add3A_51 : i32 to index
      %get3A_87 = arith.constant 16 : index
      %get3A_88 = tpu.vector_load %arg8[%get3A_86, %get3A_87] {strides = array<i32>} : memref<126x80xi32, #tpu.memory_space<vmem>>, vector<1x16xi32>,
      %get3A_89 = vector.shape_cast %get3A_88 : vector<1x16xi32> to vector<16xi32>
      %sub3A_90 = arith.constant 5120 : i32
      %sub3A_91 = vector.broadcast %sub3A_90 : i32 to vector<16xi32>
      %sub3A_92 = arith.subi %get3A_89, %sub3A_91 : vector<16xi32>
      %ge3A_93 = arith.constant 0 : i32
      %ge3A_94 = vector.broadcast %ge3A_93 : i32 to vector<16xi32>
      %ge3A_95 = arith.cmpi sge, %sub3A_92, %ge3A_94 : vector<16xi32>
      %lt3A_96 = arith.constant 5120 : i32
      %lt3A_97 = vector.broadcast %lt3A_96 : i32 to vector<16xi32>
      %lt3A_98 = arith.cmpi slt, %sub3A_92, %lt3A_97 : vector<16xi32>
      %and3A_99 = arith.andi %ge3A_95, %lt3A_98 : vector<16xi1>
      %mul3A_100 = arith.constant 5 : i32
      %mul3A_101 = arith.muli %add3A_51, %mul3A_100 : i32
      %add3A_102 = arith.constant 1 : i32
      %add3A_103 = arith.addi %mul3A_101, %add3A_102 : i32
      %and3A_104 = arith.constant 15 : i32
      %and3A_105 = arith.andi %add3A_103, %and3A_104 : i32
      %shift_left3A_106 = arith.constant 3 : i32
      %shift_left3A_107 = arith.shli %and3A_105, %shift_left3A_106 : i32
      %add3A_108 = arith.constant 5120 : i32
      %add3A_109 = arith.addi %add3A_108, %shift_left3A_107 : i32
      %broadcast_in_dim3A_110 = vector.broadcast %add3A_109 : i32 to vector<16xi32>
      %select_n3A_111 = arith.select %and3A_99, %sub3A_92, %broadcast_in_dim3A_110 : vector<16xi1>, vector<16xi32>
      %swap3A_112 = arith.constant 16 : index
      %swap3A_113 = tpu.vector_load %arg9[%swap3A_112] {strides = array<i32>} : memref<80xi32, #tpu.memory_space<vmem>>, vector<16xi32>,
      %swap3A_114 = vector.shape_cast %swap3A_113 : vector<16xi32> to vector<16xi32>
      %swap3A_115 = vector.shape_cast %select_n3A_111 : vector<16xi32> to vector<16xi32>
      tpu.vector_store %arg9[%swap3A_112], %swap3A_115 {strides = array<i32>} : memref<80xi32, #tpu.memory_space<vmem>>, vector<16xi32>,
      %get3A_116 = arith.index_cast %add3A_51 : i32 to index
      %get3A_117 = arith.constant 32 : index
      %get3A_118 = tpu.vector_load %arg8[%get3A_116, %get3A_117] {strides = array<i32>} : memref<126x80xi32, #tpu.memory_space<vmem>>, vector<1x16xi32>,
      %get3A_119 = vector.shape_cast %get3A_118 : vector<1x16xi32> to vector<16xi32>
      %sub3A_120 = arith.constant 5120 : i32
      %sub3A_121 = vector.broadcast %sub3A_120 : i32 to vector<16xi32>
      %sub3A_122 = arith.subi %get3A_119, %sub3A_121 : vector<16xi32>
      %ge3A_123 = arith.constant 0 : i32
      %ge3A_124 = vector.broadcast %ge3A_123 : i32 to vector<16xi32>
      %ge3A_125 = arith.cmpi sge, %sub3A_122, %ge3A_124 : vector<16xi32>
      %lt3A_126 = arith.constant 5120 : i32
      %lt3A_127 = vector.broadcast %lt3A_126 : i32 to vector<16xi32>
      %lt3A_128 = arith.cmpi slt, %sub3A_122, %lt3A_127 : vector<16xi32>
      %and3A_129 = arith.andi %ge3A_125, %lt3A_128 : vector<16xi1>
      %mul3A_130 = arith.constant 5 : i32
      %mul3A_131 = arith.muli %add3A_51, %mul3A_130 : i32
      %add3A_132 = arith.constant 2 : i32
      %add3A_133 = arith.addi %mul3A_131, %add3A_132 : i32
      %and3A_134 = arith.constant 15 : i32
      %and3A_135 = arith.andi %add3A_133, %and3A_134 : i32
      %shift_left3A_136 = arith.constant 3 : i32
      %shift_left3A_137 = arith.shli %and3A_135, %shift_left3A_136 : i32
      %add3A_138 = arith.constant 5120 : i32
      %add3A_139 = arith.addi %add3A_138, %shift_left3A_137 : i32
      %broadcast_in_dim3A_140 = vector.broadcast %add3A_139 : i32 to vector<16xi32>
      %select_n3A_141 = arith.select %and3A_129, %sub3A_122, %broadcast_in_dim3A_140 : vector<16xi1>, vector<16xi32>
      %swap3A_142 = arith.constant 32 : index
      %swap3A_143 = tpu.vector_load %arg9[%swap3A_142] {strides = array<i32>} : memref<80xi32, #tpu.memory_space<vmem>>, vector<16xi32>,
      %swap3A_144 = vector.shape_cast %swap3A_143 : vector<16xi32> to vector<16xi32>
      %swap3A_145 = vector.shape_cast %select_n3A_141 : vector<16xi32> to vector<16xi32>
      tpu.vector_store %arg9[%swap3A_142], %swap3A_145 {strides = array<i32>} : memref<80xi32, #tpu.memory_space<vmem>>, vector<16xi32>,
      %get3A_146 = arith.index_cast %add3A_51 : i32 to index
      %get3A_147 = arith.constant 48 : index
      %get3A_148 = tpu.vector_load %arg8[%get3A_146, %get3A_147] {strides = array<i32>} : memref<126x80xi32, #tpu.memory_space<vmem>>, vector<1x16xi32>,
      %get3A_149 = vector.shape_cast %get3A_148 : vector<1x16xi32> to vector<16xi32>
      %sub3A_150 = arith.constant 5120 : i32
      %sub3A_151 = vector.broadcast %sub3A_150 : i32 to vector<16xi32>
      %sub3A_152 = arith.subi %get3A_149, %sub3A_151 : vector<16xi32>
      %ge3A_153 = arith.constant 0 : i32
      %ge3A_154 = vector.broadcast %ge3A_153 : i32 to vector<16xi32>
      %ge3A_155 = arith.cmpi sge, %sub3A_152, %ge3A_154 : vector<16xi32>
      %lt3A_156 = arith.constant 5120 : i32
      %lt3A_157 = vector.broadcast %lt3A_156 : i32 to vector<16xi32>
      %lt3A_158 = arith.cmpi slt, %sub3A_152, %lt3A_157 : vector<16xi32>
      %and3A_159 = arith.andi %ge3A_155, %lt3A_158 : vector<16xi1>
      %mul3A_160 = arith.constant 5 : i32
      %mul3A_161 = arith.muli %add3A_51, %mul3A_160 : i32
      %add3A_162 = arith.constant 3 : i32
      %add3A_163 = arith.addi %mul3A_161, %add3A_162 : i32
      %and3A_164 = arith.constant 15 : i32
      %and3A_165 = arith.andi %add3A_163, %and3A_164 : i32
      %shift_left3A_166 = arith.constant 3 : i32
      %shift_left3A_167 = arith.shli %and3A_165, %shift_left3A_166 : i32
      %add3A_168 = arith.constant 5120 : i32
      %add3A_169 = arith.addi %add3A_168, %shift_left3A_167 : i32
      %broadcast_in_dim3A_170 = vector.broadcast %add3A_169 : i32 to vector<16xi32>
      %select_n3A_171 = arith.select %and3A_159, %sub3A_152, %broadcast_in_dim3A_170 : vector<16xi1>, vector<16xi32>
      %swap3A_172 = arith.constant 48 : index
      %swap3A_173 = tpu.vector_load %arg9[%swap3A_172] {strides = array<i32>} : memref<80xi32, #tpu.memory_space<vmem>>, vector<16xi32>,
      %swap3A_174 = vector.shape_cast %swap3A_173 : vector<16xi32> to vector<16xi32>
      %swap3A_175 = vector.shape_cast %select_n3A_171 : vector<16xi32> to vector<16xi32>
      tpu.vector_store %arg9[%swap3A_172], %swap3A_175 {strides = array<i32>} : memref<80xi32, #tpu.memory_space<vmem>>, vector<16xi32>,
      %get3A_176 = arith.index_cast %add3A_51 : i32 to index
      %get3A_177 = arith.constant 64 : index
      %get3A_178 = tpu.vector_load %arg8[%get3A_176, %get3A_177] {strides = array<i32>} : memref<126x80xi32, #tpu.memory_space<vmem>>, vector<1x16xi32>,
      %get3A_179 = vector.shape_cast %get3A_178 : vector<1x16xi32> to vector<16xi32>
      %sub3A_180 = arith.constant 5120 : i32
      %sub3A_181 = vector.broadcast %sub3A_180 : i32 to vector<16xi32>
      %sub3A_182 = arith.subi %get3A_179, %sub3A_181 : vector<16xi32>
      %ge3A_183 = arith.constant 0 : i32
      %ge3A_184 = vector.broadcast %ge3A_183 : i32 to vector<16xi32>
      %ge3A_185 = arith.cmpi sge, %sub3A_182, %ge3A_184 : vector<16xi32>
      %lt3A_186 = arith.constant 5120 : i32
      %lt3A_187 = vector.broadcast %lt3A_186 : i32 to vector<16xi32>
      %lt3A_188 = arith.cmpi slt, %sub3A_182, %lt3A_187 : vector<16xi32>
      %and3A_189 = arith.andi %ge3A_185, %lt3A_188 : vector<16xi1>
      %mul3A_190 = arith.constant 5 : i32
      %mul3A_191 = arith.muli %add3A_51, %mul3A_190 : i32
      %add3A_192 = arith.constant 4 : i32
      %add3A_193 = arith.addi %mul3A_191, %add3A_192 : i32
      %and3A_194 = arith.constant 15 : i32
      %and3A_195 = arith.andi %add3A_193, %and3A_194 : i32
      %shift_left3A_196 = arith.constant 3 : i32
      %shift_left3A_197 = arith.shli %and3A_195, %shift_left3A_196 : i32
      %add3A_198 = arith.constant 5120 : i32
      %add3A_199 = arith.addi %add3A_198, %shift_left3A_197 : i32
      %broadcast_in_dim3A_200 = vector.broadcast %add3A_199 : i32 to vector<16xi32>
      %select_n3A_201 = arith.select %and3A_189, %sub3A_182, %broadcast_in_dim3A_200 : vector<16xi1>, vector<16xi32>
      %swap3A_202 = arith.constant 64 : index
      %swap3A_203 = tpu.vector_load %arg9[%swap3A_202] {strides = array<i32>} : memref<80xi32, #tpu.memory_space<vmem>>, vector<16xi32>,
      %swap3A_204 = vector.shape_cast %swap3A_203 : vector<16xi32> to vector<16xi32>
      %swap3A_205 = vector.shape_cast %select_n3A_201 : vector<16xi32> to vector<16xi32>
      tpu.vector_store %arg9[%swap3A_202], %swap3A_205 {strides = array<i32>} : memref<80xi32, #tpu.memory_space<vmem>>, vector<16xi32>,
      "tpu.region"() ({
        %run_scoped3A = tpu.sem_alloc : memref<!tpu.dma_semaphore, #tpu.memory_space<semaphore_mem>>
        %dma_start3A_373 = arith.constant 0 : i32
        %dma_start3A_374 = arith.constant 0 : i32
        %dma_start3A_375 = tpu.memref_slice %arg13[%dma_start3A_373, %dma_start3A_374] : memref<5248x128xf32, #tpu.memory_space<vmem_shared>> -> memref<5248x128xf32, #tpu.memory_space<vmem_shared>>
        tpu.enqueue_indirect_dma source(%arg11 : memref<80x128xf32, #tpu.memory_space<vmem>>) target(%dma_start3A_375 : memref<5248x128xf32, #tpu.memory_space<vmem_shared>>) offsets(%arg9 : memref<80xi32, #tpu.memory_space<vmem>>) semaphore(%run_scoped3A : memref<!tpu.dma_semaphore, #tpu.memory_space<semaphore_mem>>) {add = true}
        %dma_wait3A_376 = arith.constant 0 : i32
        %dma_wait3A_377 = arith.constant 0 : i32
        %dma_wait3A_378 = tpu.memref_slice %arg13[%dma_wait3A_376, %dma_wait3A_377] : memref<5248x128xf32, #tpu.memory_space<vmem_shared>> -> memref<5248x128xf32, #tpu.memory_space<vmem_shared>>
        tpu.wait_indirect_dma semaphore(%run_scoped3A : memref<!tpu.dma_semaphore, #tpu.memory_space<semaphore_mem>>) src(%arg11 : memref<80x128xf32, #tpu.memory_space<vmem>>) dst(%dma_wait3A_378 : memref<5248x128xf32, #tpu.memory_space<vmem_shared>>)
        tpu.yield
      }) : () -> ()
      %mul3A_206 = arith.constant 2 : i32
      %mul3A_207 = arith.muli %scan3A_47, %mul3A_206 : i32
      %add3A_208 = arith.constant 1 : i32
      %add3A_209 = arith.addi %mul3A_207, %add3A_208 : i32
      %dma_wait3A_210 = arith.constant 0 : i32
      %dma_wait3A_211 = tpu.memref_slice %arg7[%add3A_209, %dma_wait3A_210] : memref<126x80xi32, #tpu.memory_space<vmem>> -> memref<1x80xi32, #tpu.memory_space<vmem>>
      %dma_wait3A_212 = tpu.memref_squeeze %dma_wait3A_211 : memref<1x80xi32, #tpu.memory_space<vmem>> -> memref<80xi32, #tpu.memory_space<vmem>>
      %dma_wait3A_213 = arith.constant 0 : i32
      %dma_wait3A_214 = arith.constant 0 : i32
      %dma_wait3A_215 = tpu.memref_slice %arg2[%dma_wait3A_213, %dma_wait3A_214] : memref<10240x128xf32, #tpu.memory_space<hbm>> -> memref<10240x128xf32, #tpu.memory_space<hbm>>
      tpu.wait_indirect_dma semaphore(%arg14 : memref<!tpu.dma_semaphore, #tpu.memory_space<semaphore_mem>>) src(%dma_wait3A_215 : memref<10240x128xf32, #tpu.memory_space<hbm>>) dst(%arg12 : memref<80x128xf32, #tpu.memory_space<vmem>>)
      %add3A_216 = arith.constant 1 : i32
      %add3A_217 = arith.addi %add3A_209, %add3A_216 : i32
      %lt3A_218 = arith.constant 126 : i32
      %lt3A_219 = arith.cmpi slt, %add3A_217, %lt3A_218 : i32
      %convert_element_type3A_220 = arith.extui %lt3A_219 : i1 to i32
      %cond3A_221 = arith.constant 0 : i32
      %cond3A_222 = arith.cmpi ne, %convert_element_type3A_220, %cond3A_221 : i32
      scf.if %cond3A_222 {
        %add3A_373 = arith.constant 1 : i32
        %add3A_374 = arith.addi %add3A_209, %add3A_373 : i32
        %dma_start3A_375 = arith.constant 0 : i32
        %dma_start3A_376 = tpu.memref_slice %arg7[%add3A_374, %dma_start3A_375] : memref<126x80xi32, #tpu.memory_space<vmem>> -> memref<1x80xi32, #tpu.memory_space<vmem>>
        %dma_start3A_377 = tpu.memref_squeeze %dma_start3A_376 : memref<1x80xi32, #tpu.memory_space<vmem>> -> memref<80xi32, #tpu.memory_space<vmem>>
        %dma_start3A_378 = arith.constant 0 : i32
        %dma_start3A_379 = arith.constant 0 : i32
        %dma_start3A_380 = tpu.memref_slice %arg2[%dma_start3A_378, %dma_start3A_379] : memref<10240x128xf32, #tpu.memory_space<hbm>> -> memref<10240x128xf32, #tpu.memory_space<hbm>>
        tpu.enqueue_indirect_dma source(%dma_start3A_380 : memref<10240x128xf32, #tpu.memory_space<hbm>>) target(%arg11 : memref<80x128xf32, #tpu.memory_space<vmem>>) offsets(%dma_start3A_377 : memref<80xi32, #tpu.memory_space<vmem>>) semaphore(%arg14 : memref<!tpu.dma_semaphore, #tpu.memory_space<semaphore_mem>>)
      } else {
      }
      %get3A_223 = arith.index_cast %add3A_209 : i32 to index
      %get3A_224 = arith.constant 0 : index
      %get3A_225 = tpu.vector_load %arg8[%get3A_223, %get3A_224] {strides = array<i32>} : memref<126x80xi32, #tpu.memory_space<vmem>>, vector<1x16xi32>,
      %get3A_226 = vector.shape_cast %get3A_225 : vector<1x16xi32> to vector<16xi32>
      %sub3A_227 = arith.constant 5120 : i32
      %sub3A_228 = vector.broadcast %sub3A_227 : i32 to vector<16xi32>
      %sub3A_229 = arith.subi %get3A_226, %sub3A_228 : vector<16xi32>
      %ge3A_230 = arith.constant 0 : i32
      %ge3A_231 = vector.broadcast %ge3A_230 : i32 to vector<16xi32>
      %ge3A_232 = arith.cmpi sge, %sub3A_229, %ge3A_231 : vector<16xi32>
      %lt3A_233 = arith.constant 5120 : i32
      %lt3A_234 = vector.broadcast %lt3A_233 : i32 to vector<16xi32>
      %lt3A_235 = arith.cmpi slt, %sub3A_229, %lt3A_234 : vector<16xi32>
      %and3A_236 = arith.andi %ge3A_232, %lt3A_235 : vector<16xi1>
      %mul3A_237 = arith.constant 5 : i32
      %mul3A_238 = arith.muli %add3A_209, %mul3A_237 : i32
      %add3A_239 = arith.constant 0 : i32
      %add3A_240 = arith.addi %mul3A_238, %add3A_239 : i32
      %and3A_241 = arith.constant 15 : i32
      %and3A_242 = arith.andi %add3A_240, %and3A_241 : i32
      %shift_left3A_243 = arith.constant 3 : i32
      %shift_left3A_244 = arith.shli %and3A_242, %shift_left3A_243 : i32
      %add3A_245 = arith.constant 5120 : i32
      %add3A_246 = arith.addi %add3A_245, %shift_left3A_244 : i32
      %broadcast_in_dim3A_247 = vector.broadcast %add3A_246 : i32 to vector<16xi32>
      %select_n3A_248 = arith.select %and3A_236, %sub3A_229, %broadcast_in_dim3A_247 : vector<16xi1>, vector<16xi32>
      %swap3A_249 = arith.constant 0 : index
      %swap3A_250 = tpu.vector_load %arg10[%swap3A_249] {strides = array<i32>} : memref<80xi32, #tpu.memory_space<vmem>>, vector<16xi32>,
      %swap3A_251 = vector.shape_cast %swap3A_250 : vector<16xi32> to vector<16xi32>
      %swap3A_252 = vector.shape_cast %select_n3A_248 : vector<16xi32> to vector<16xi32>
      tpu.vector_store %arg10[%swap3A_249], %swap3A_252 {strides = array<i32>} : memref<80xi32, #tpu.memory_space<vmem>>, vector<16xi32>,
      %get3A_253 = arith.index_cast %add3A_209 : i32 to index
      %get3A_254 = arith.constant 16 : index
      %get3A_255 = tpu.vector_load %arg8[%get3A_253, %get3A_254] {strides = array<i32>} : memref<126x80xi32, #tpu.memory_space<vmem>>, vector<1x16xi32>,
      %get3A_256 = vector.shape_cast %get3A_255 : vector<1x16xi32> to vector<16xi32>
      %sub3A_257 = arith.constant 5120 : i32
      %sub3A_258 = vector.broadcast %sub3A_257 : i32 to vector<16xi32>
      %sub3A_259 = arith.subi %get3A_256, %sub3A_258 : vector<16xi32>
      %ge3A_260 = arith.constant 0 : i32
      %ge3A_261 = vector.broadcast %ge3A_260 : i32 to vector<16xi32>
      %ge3A_262 = arith.cmpi sge, %sub3A_259, %ge3A_261 : vector<16xi32>
      %lt3A_263 = arith.constant 5120 : i32
      %lt3A_264 = vector.broadcast %lt3A_263 : i32 to vector<16xi32>
      %lt3A_265 = arith.cmpi slt, %sub3A_259, %lt3A_264 : vector<16xi32>
      %and3A_266 = arith.andi %ge3A_262, %lt3A_265 : vector<16xi1>
      %mul3A_267 = arith.constant 5 : i32
      %mul3A_268 = arith.muli %add3A_209, %mul3A_267 : i32
      %add3A_269 = arith.constant 1 : i32
      %add3A_270 = arith.addi %mul3A_268, %add3A_269 : i32
      %and3A_271 = arith.constant 15 : i32
      %and3A_272 = arith.andi %add3A_270, %and3A_271 : i32
      %shift_left3A_273 = arith.constant 3 : i32
      %shift_left3A_274 = arith.shli %and3A_272, %shift_left3A_273 : i32
      %add3A_275 = arith.constant 5120 : i32
      %add3A_276 = arith.addi %add3A_275, %shift_left3A_274 : i32
      %broadcast_in_dim3A_277 = vector.broadcast %add3A_276 : i32 to vector<16xi32>
      %select_n3A_278 = arith.select %and3A_266, %sub3A_259, %broadcast_in_dim3A_277 : vector<16xi1>, vector<16xi32>
      %swap3A_279 = arith.constant 16 : index
      %swap3A_280 = tpu.vector_load %arg10[%swap3A_279] {strides = array<i32>} : memref<80xi32, #tpu.memory_space<vmem>>, vector<16xi32>,
      %swap3A_281 = vector.shape_cast %swap3A_280 : vector<16xi32> to vector<16xi32>
      %swap3A_282 = vector.shape_cast %select_n3A_278 : vector<16xi32> to vector<16xi32>
      tpu.vector_store %arg10[%swap3A_279], %swap3A_282 {strides = array<i32>} : memref<80xi32, #tpu.memory_space<vmem>>, vector<16xi32>,
      %get3A_283 = arith.index_cast %add3A_209 : i32 to index
      %get3A_284 = arith.constant 32 : index
      %get3A_285 = tpu.vector_load %arg8[%get3A_283, %get3A_284] {strides = array<i32>} : memref<126x80xi32, #tpu.memory_space<vmem>>, vector<1x16xi32>,
      %get3A_286 = vector.shape_cast %get3A_285 : vector<1x16xi32> to vector<16xi32>
      %sub3A_287 = arith.constant 5120 : i32
      %sub3A_288 = vector.broadcast %sub3A_287 : i32 to vector<16xi32>
      %sub3A_289 = arith.subi %get3A_286, %sub3A_288 : vector<16xi32>
      %ge3A_290 = arith.constant 0 : i32
      %ge3A_291 = vector.broadcast %ge3A_290 : i32 to vector<16xi32>
      %ge3A_292 = arith.cmpi sge, %sub3A_289, %ge3A_291 : vector<16xi32>
      %lt3A_293 = arith.constant 5120 : i32
      %lt3A_294 = vector.broadcast %lt3A_293 : i32 to vector<16xi32>
      %lt3A_295 = arith.cmpi slt, %sub3A_289, %lt3A_294 : vector<16xi32>
      %and3A_296 = arith.andi %ge3A_292, %lt3A_295 : vector<16xi1>
      %mul3A_297 = arith.constant 5 : i32
      %mul3A_298 = arith.muli %add3A_209, %mul3A_297 : i32
      %add3A_299 = arith.constant 2 : i32
      %add3A_300 = arith.addi %mul3A_298, %add3A_299 : i32
      %and3A_301 = arith.constant 15 : i32
      %and3A_302 = arith.andi %add3A_300, %and3A_301 : i32
      %shift_left3A_303 = arith.constant 3 : i32
      %shift_left3A_304 = arith.shli %and3A_302, %shift_left3A_303 : i32
      %add3A_305 = arith.constant 5120 : i32
      %add3A_306 = arith.addi %add3A_305, %shift_left3A_304 : i32
      %broadcast_in_dim3A_307 = vector.broadcast %add3A_306 : i32 to vector<16xi32>
      %select_n3A_308 = arith.select %and3A_296, %sub3A_289, %broadcast_in_dim3A_307 : vector<16xi1>, vector<16xi32>
      %swap3A_309 = arith.constant 32 : index
      %swap3A_310 = tpu.vector_load %arg10[%swap3A_309] {strides = array<i32>} : memref<80xi32, #tpu.memory_space<vmem>>, vector<16xi32>,
      %swap3A_311 = vector.shape_cast %swap3A_310 : vector<16xi32> to vector<16xi32>
      %swap3A_312 = vector.shape_cast %select_n3A_308 : vector<16xi32> to vector<16xi32>
      tpu.vector_store %arg10[%swap3A_309], %swap3A_312 {strides = array<i32>} : memref<80xi32, #tpu.memory_space<vmem>>, vector<16xi32>,
      %get3A_313 = arith.index_cast %add3A_209 : i32 to index
      %get3A_314 = arith.constant 48 : index
      %get3A_315 = tpu.vector_load %arg8[%get3A_313, %get3A_314] {strides = array<i32>} : memref<126x80xi32, #tpu.memory_space<vmem>>, vector<1x16xi32>,
      %get3A_316 = vector.shape_cast %get3A_315 : vector<1x16xi32> to vector<16xi32>
      %sub3A_317 = arith.constant 5120 : i32
      %sub3A_318 = vector.broadcast %sub3A_317 : i32 to vector<16xi32>
      %sub3A_319 = arith.subi %get3A_316, %sub3A_318 : vector<16xi32>
      %ge3A_320 = arith.constant 0 : i32
      %ge3A_321 = vector.broadcast %ge3A_320 : i32 to vector<16xi32>
      %ge3A_322 = arith.cmpi sge, %sub3A_319, %ge3A_321 : vector<16xi32>
      %lt3A_323 = arith.constant 5120 : i32
      %lt3A_324 = vector.broadcast %lt3A_323 : i32 to vector<16xi32>
      %lt3A_325 = arith.cmpi slt, %sub3A_319, %lt3A_324 : vector<16xi32>
      %and3A_326 = arith.andi %ge3A_322, %lt3A_325 : vector<16xi1>
      %mul3A_327 = arith.constant 5 : i32
      %mul3A_328 = arith.muli %add3A_209, %mul3A_327 : i32
      %add3A_329 = arith.constant 3 : i32
      %add3A_330 = arith.addi %mul3A_328, %add3A_329 : i32
      %and3A_331 = arith.constant 15 : i32
      %and3A_332 = arith.andi %add3A_330, %and3A_331 : i32
      %shift_left3A_333 = arith.constant 3 : i32
      %shift_left3A_334 = arith.shli %and3A_332, %shift_left3A_333 : i32
      %add3A_335 = arith.constant 5120 : i32
      %add3A_336 = arith.addi %add3A_335, %shift_left3A_334 : i32
      %broadcast_in_dim3A_337 = vector.broadcast %add3A_336 : i32 to vector<16xi32>
      %select_n3A_338 = arith.select %and3A_326, %sub3A_319, %broadcast_in_dim3A_337 : vector<16xi1>, vector<16xi32>
      %swap3A_339 = arith.constant 48 : index
      %swap3A_340 = tpu.vector_load %arg10[%swap3A_339] {strides = array<i32>} : memref<80xi32, #tpu.memory_space<vmem>>, vector<16xi32>,
      %swap3A_341 = vector.shape_cast %swap3A_340 : vector<16xi32> to vector<16xi32>
      %swap3A_342 = vector.shape_cast %select_n3A_338 : vector<16xi32> to vector<16xi32>
      tpu.vector_store %arg10[%swap3A_339], %swap3A_342 {strides = array<i32>} : memref<80xi32, #tpu.memory_space<vmem>>, vector<16xi32>,
      %get3A_343 = arith.index_cast %add3A_209 : i32 to index
      %get3A_344 = arith.constant 64 : index
      %get3A_345 = tpu.vector_load %arg8[%get3A_343, %get3A_344] {strides = array<i32>} : memref<126x80xi32, #tpu.memory_space<vmem>>, vector<1x16xi32>,
      %get3A_346 = vector.shape_cast %get3A_345 : vector<1x16xi32> to vector<16xi32>
      %sub3A_347 = arith.constant 5120 : i32
      %sub3A_348 = vector.broadcast %sub3A_347 : i32 to vector<16xi32>
      %sub3A_349 = arith.subi %get3A_346, %sub3A_348 : vector<16xi32>
      %ge3A_350 = arith.constant 0 : i32
      %ge3A_351 = vector.broadcast %ge3A_350 : i32 to vector<16xi32>
      %ge3A_352 = arith.cmpi sge, %sub3A_349, %ge3A_351 : vector<16xi32>
      %lt3A_353 = arith.constant 5120 : i32
      %lt3A_354 = vector.broadcast %lt3A_353 : i32 to vector<16xi32>
      %lt3A_355 = arith.cmpi slt, %sub3A_349, %lt3A_354 : vector<16xi32>
      %and3A_356 = arith.andi %ge3A_352, %lt3A_355 : vector<16xi1>
      %mul3A_357 = arith.constant 5 : i32
      %mul3A_358 = arith.muli %add3A_209, %mul3A_357 : i32
      %add3A_359 = arith.constant 4 : i32
      %add3A_360 = arith.addi %mul3A_358, %add3A_359 : i32
      %and3A_361 = arith.constant 15 : i32
      %and3A_362 = arith.andi %add3A_360, %and3A_361 : i32
      %shift_left3A_363 = arith.constant 3 : i32
      %shift_left3A_364 = arith.shli %and3A_362, %shift_left3A_363 : i32
      %add3A_365 = arith.constant 5120 : i32
      %add3A_366 = arith.addi %add3A_365, %shift_left3A_364 : i32
      %broadcast_in_dim3A_367 = vector.broadcast %add3A_366 : i32 to vector<16xi32>
      %select_n3A_368 = arith.select %and3A_356, %sub3A_349, %broadcast_in_dim3A_367 : vector<16xi1>, vector<16xi32>
      %swap3A_369 = arith.constant 64 : index
      %swap3A_370 = tpu.vector_load %arg10[%swap3A_369] {strides = array<i32>} : memref<80xi32, #tpu.memory_space<vmem>>, vector<16xi32>,
      %swap3A_371 = vector.shape_cast %swap3A_370 : vector<16xi32> to vector<16xi32>
      %swap3A_372 = vector.shape_cast %select_n3A_368 : vector<16xi32> to vector<16xi32>
      tpu.vector_store %arg10[%swap3A_369], %swap3A_372 {strides = array<i32>} : memref<80xi32, #tpu.memory_space<vmem>>, vector<16xi32>,
      "tpu.region"() ({
        %run_scoped3A = tpu.sem_alloc : memref<!tpu.dma_semaphore, #tpu.memory_space<semaphore_mem>>
        %dma_start3A_373 = arith.constant 0 : i32
        %dma_start3A_374 = arith.constant 0 : i32
        %dma_start3A_375 = tpu.memref_slice %arg13[%dma_start3A_373, %dma_start3A_374] : memref<5248x128xf32, #tpu.memory_space<vmem_shared>> -> memref<5248x128xf32, #tpu.memory_space<vmem_shared>>
        tpu.enqueue_indirect_dma source(%arg12 : memref<80x128xf32, #tpu.memory_space<vmem>>) target(%dma_start3A_375 : memref<5248x128xf32, #tpu.memory_space<vmem_shared>>) offsets(%arg10 : memref<80xi32, #tpu.memory_space<vmem>>) semaphore(%run_scoped3A : memref<!tpu.dma_semaphore, #tpu.memory_space<semaphore_mem>>) {add = true}
        %dma_wait3A_376 = arith.constant 0 : i32
        %dma_wait3A_377 = arith.constant 0 : i32
        %dma_wait3A_378 = tpu.memref_slice %arg13[%dma_wait3A_376, %dma_wait3A_377] : memref<5248x128xf32, #tpu.memory_space<vmem_shared>> -> memref<5248x128xf32, #tpu.memory_space<vmem_shared>>
        tpu.wait_indirect_dma semaphore(%run_scoped3A : memref<!tpu.dma_semaphore, #tpu.memory_space<semaphore_mem>>) src(%arg12 : memref<80x128xf32, #tpu.memory_space<vmem>>) dst(%dma_wait3A_378 : memref<5248x128xf32, #tpu.memory_space<vmem_shared>>)
        tpu.yield
      }) : () -> ()
    }
    %scan3A_39 = arith.constant 63 : i32
    %barrier3A_40 = arith.constant 0 : index
    tpu.barrier barrier_id(%barrier3A_40)
    %lt3A_41 = arith.constant 16 : i32
    %lt3A_42 = arith.cmpi slt, %arg1, %lt3A_41 : i32
    %convert_element_type3A_43 = arith.extui %lt3A_42 : i1 to i32
    %cond3A_44 = arith.constant 0 : i32
    %cond3A_45 = arith.cmpi ne, %convert_element_type3A_43, %cond3A_44 : i32
    scf.if %cond3A_45 {
      %mul3A_47 = arith.constant 320 : i32
      %mul3A_48 = arith.muli %arg1, %mul3A_47 : i32
      %add3A_49 = arith.constant 5120 : i32
      %add3A_50 = arith.addi %add3A_49, %mul3A_48 : i32
      "tpu.region"() ({
        %run_scoped3A = tpu.sem_alloc : memref<!tpu.dma_semaphore, #tpu.memory_space<semaphore_mem>>
        %dma_start3A_51 = arith.constant 0 : i32
        %dma_start3A_52 = tpu.memref_slice %arg6[%arg0, %add3A_50, %dma_start3A_51] : memref<2x10240x128xf32, #tpu.memory_space<hbm>> -> memref<1x320x128xf32, #tpu.memory_space<hbm>>
        %dma_start3A_53 = tpu.memref_squeeze %dma_start3A_52 : memref<1x320x128xf32, #tpu.memory_space<hbm>> -> memref<320x128xf32, #tpu.memory_space<hbm>>
        %dma_start3A_54 = arith.constant 0 : i32
        %dma_start3A_55 = tpu.memref_slice %arg13[%mul3A_48, %dma_start3A_54] : memref<5248x128xf32, #tpu.memory_space<vmem_shared>> -> memref<320x128xf32, #tpu.memory_space<vmem_shared>>
        tpu.enqueue_dma source(%dma_start3A_55 : memref<320x128xf32, #tpu.memory_space<vmem_shared>>) target(%dma_start3A_53 : memref<320x128xf32, #tpu.memory_space<hbm>>) target_semaphore(%run_scoped3A : memref<!tpu.dma_semaphore, #tpu.memory_space<semaphore_mem>>)
        %dma_wait3A = arith.constant 0 : i32
        %dma_wait3A_56 = tpu.memref_slice %arg6[%arg0, %add3A_50, %dma_wait3A] : memref<2x10240x128xf32, #tpu.memory_space<hbm>> -> memref<1x320x128xf32, #tpu.memory_space<hbm>>
        %dma_wait3A_57 = tpu.memref_squeeze %dma_wait3A_56 : memref<1x320x128xf32, #tpu.memory_space<hbm>> -> memref<320x128xf32, #tpu.memory_space<hbm>>
        %dma_wait3A_58 = arith.constant 0 : i32
        %dma_wait3A_59 = tpu.memref_slice %arg13[%mul3A_48, %dma_wait3A_58] : memref<5248x128xf32, #tpu.memory_space<vmem_shared>> -> memref<320x128xf32, #tpu.memory_space<vmem_shared>>
        tpu.wait_dma2 semaphore(%run_scoped3A : memref<!tpu.dma_semaphore, #tpu.memory_space<semaphore_mem>>) src(%dma_wait3A_59 : memref<320x128xf32, #tpu.memory_space<vmem_shared>>) dst(%dma_wait3A_57 : memref<320x128xf32, #tpu.memory_space<hbm>>)
        tpu.yield
      }) : () -> ()
    } else {
    }
    %barrier3A_46 = arith.constant 0 : index
    tpu.barrier barrier_id(%barrier3A_46)
    return
  }
}

#map = affine_map<(d0, d1) -> (0, 0)>
#map1 = affine_map<(d0, d1) -> (0, 0, 0)>
module attributes {stable_mosaic.version = 14 : i64} {
  func.func @prop(%arg0: i32, %arg1: i32, %arg2: memref<512x128xf32, #tpu.memory_space<hbm>>, %arg3: memref<32x126x80xi32, #tpu.memory_space<hbm>>, %arg4: memref<32x126x80xi32, #tpu.memory_space<hbm>>, %arg5: memref<40x128xf32, #tpu.memory_space<hbm>>, %arg6: memref<2x320x128xf32, #tpu.memory_space<hbm>>, %arg7: memref<126x80xi32, #tpu.memory_space<vmem>>, %arg8: memref<126x80xi32, #tpu.memory_space<vmem>>, %arg9: memref<80xi32, #tpu.memory_space<vmem>>, %arg10: memref<80xi32, #tpu.memory_space<vmem>>, %arg11: memref<80x128xf32, #tpu.memory_space<vmem>>, %arg12: memref<80x128xf32, #tpu.memory_space<vmem>>, %arg13: memref<320x128xf32, #tpu.memory_space<vmem_shared>>, %arg14: memref<!tpu.dma_semaphore, #tpu.memory_space<semaphore_mem>>, %arg15: memref<!tpu.dma_semaphore, #tpu.memory_space<semaphore_mem>>) attributes {dimension_semantics = [#tpu.dimension_semantics<core_parallel>, #tpu.dimension_semantics<subcore_parallel>], iteration_bounds = array<i64: 2, 16>, scalar_prefetch = 0 : i64, scratch_operands = 9 : i64, tpu.core_type = #tpu.core_type<sc_vector_subcore>, window_params = [{transform_indices = #map}, {transform_indices = #map1}, {transform_indices = #map1}, {transform_indices = #map}, {transform_indices = #map1}]} {
    %mul3A = arith.constant 16 : i32
    %mul3A_0 = arith.muli %arg0, %mul3A : i32
    %add3A = arith.addi %mul3A_0, %arg1 : i32
    "tpu.region"() ({
      %run_scoped3A = tpu.sem_alloc : memref<!tpu.dma_semaphore, #tpu.memory_space<semaphore_mem>>
      %dma_start3A_21 = arith.constant 0 : i32
      %dma_start3A_22 = arith.constant 0 : i32
      %dma_start3A_23 = tpu.memref_slice %arg3[%add3A, %dma_start3A_21, %dma_start3A_22] : memref<32x126x80xi32, #tpu.memory_space<hbm>> -> memref<1x126x80xi32, #tpu.memory_space<hbm>>
      %dma_start3A_24 = tpu.memref_squeeze %dma_start3A_23 : memref<1x126x80xi32, #tpu.memory_space<hbm>> -> memref<126x80xi32, #tpu.memory_space<hbm>>
      %dma_start3A_25 = arith.constant 0 : i32
      %dma_start3A_26 = arith.constant 0 : i32
      %dma_start3A_27 = tpu.memref_slice %arg3[%add3A, %dma_start3A_25, %dma_start3A_26] : memref<32x126x80xi32, #tpu.memory_space<hbm>> -> memref<1x126x80xi32, #tpu.memory_space<hbm>>
      %dma_start3A_28 = tpu.memref_squeeze %dma_start3A_27 : memref<1x126x80xi32, #tpu.memory_space<hbm>> -> memref<126x80xi32, #tpu.memory_space<hbm>>
      tpu.enqueue_dma source(%dma_start3A_28 : memref<126x80xi32, #tpu.memory_space<hbm>>) target(%arg7 : memref<126x80xi32, #tpu.memory_space<vmem>>) target_semaphore(%run_scoped3A : memref<!tpu.dma_semaphore, #tpu.memory_space<semaphore_mem>>)
      %dma_wait3A = arith.constant 0 : i32
      %dma_wait3A_29 = arith.constant 0 : i32
      %dma_wait3A_30 = tpu.memref_slice %arg3[%add3A, %dma_wait3A, %dma_wait3A_29] : memref<32x126x80xi32, #tpu.memory_space<hbm>> -> memref<1x126x80xi32, #tpu.memory_space<hbm>>
      %dma_wait3A_31 = tpu.memref_squeeze %dma_wait3A_30 : memref<1x126x80xi32, #tpu.memory_space<hbm>> -> memref<126x80xi32, #tpu.memory_space<hbm>>
      %dma_wait3A_32 = arith.constant 0 : i32
      %dma_wait3A_33 = arith.constant 0 : i32
      %dma_wait3A_34 = tpu.memref_slice %arg3[%add3A, %dma_wait3A_32, %dma_wait3A_33] : memref<32x126x80xi32, #tpu.memory_space<hbm>> -> memref<1x126x80xi32, #tpu.memory_space<hbm>>
      %dma_wait3A_35 = tpu.memref_squeeze %dma_wait3A_34 : memref<1x126x80xi32, #tpu.memory_space<hbm>> -> memref<126x80xi32, #tpu.memory_space<hbm>>
      tpu.wait_dma2 semaphore(%run_scoped3A : memref<!tpu.dma_semaphore, #tpu.memory_space<semaphore_mem>>) src(%dma_wait3A_35 : memref<126x80xi32, #tpu.memory_space<hbm>>) dst(%arg7 : memref<126x80xi32, #tpu.memory_space<vmem>>)
      tpu.yield
    }) : () -> ()
    "tpu.region"() ({
      %run_scoped3A = tpu.sem_alloc : memref<!tpu.dma_semaphore, #tpu.memory_space<semaphore_mem>>
      %dma_start3A_21 = arith.constant 0 : i32
      %dma_start3A_22 = arith.constant 0 : i32
      %dma_start3A_23 = tpu.memref_slice %arg4[%add3A, %dma_start3A_21, %dma_start3A_22] : memref<32x126x80xi32, #tpu.memory_space<hbm>> -> memref<1x126x80xi32, #tpu.memory_space<hbm>>
      %dma_start3A_24 = tpu.memref_squeeze %dma_start3A_23 : memref<1x126x80xi32, #tpu.memory_space<hbm>> -> memref<126x80xi32, #tpu.memory_space<hbm>>
      %dma_start3A_25 = arith.constant 0 : i32
      %dma_start3A_26 = arith.constant 0 : i32
      %dma_start3A_27 = tpu.memref_slice %arg4[%add3A, %dma_start3A_25, %dma_start3A_26] : memref<32x126x80xi32, #tpu.memory_space<hbm>> -> memref<1x126x80xi32, #tpu.memory_space<hbm>>
      %dma_start3A_28 = tpu.memref_squeeze %dma_start3A_27 : memref<1x126x80xi32, #tpu.memory_space<hbm>> -> memref<126x80xi32, #tpu.memory_space<hbm>>
      tpu.enqueue_dma source(%dma_start3A_28 : memref<126x80xi32, #tpu.memory_space<hbm>>) target(%arg8 : memref<126x80xi32, #tpu.memory_space<vmem>>) target_semaphore(%run_scoped3A : memref<!tpu.dma_semaphore, #tpu.memory_space<semaphore_mem>>)
      %dma_wait3A = arith.constant 0 : i32
      %dma_wait3A_29 = arith.constant 0 : i32
      %dma_wait3A_30 = tpu.memref_slice %arg4[%add3A, %dma_wait3A, %dma_wait3A_29] : memref<32x126x80xi32, #tpu.memory_space<hbm>> -> memref<1x126x80xi32, #tpu.memory_space<hbm>>
      %dma_wait3A_31 = tpu.memref_squeeze %dma_wait3A_30 : memref<1x126x80xi32, #tpu.memory_space<hbm>> -> memref<126x80xi32, #tpu.memory_space<hbm>>
      %dma_wait3A_32 = arith.constant 0 : i32
      %dma_wait3A_33 = arith.constant 0 : i32
      %dma_wait3A_34 = tpu.memref_slice %arg4[%add3A, %dma_wait3A_32, %dma_wait3A_33] : memref<32x126x80xi32, #tpu.memory_space<hbm>> -> memref<1x126x80xi32, #tpu.memory_space<hbm>>
      %dma_wait3A_35 = tpu.memref_squeeze %dma_wait3A_34 : memref<1x126x80xi32, #tpu.memory_space<hbm>> -> memref<126x80xi32, #tpu.memory_space<hbm>>
      tpu.wait_dma2 semaphore(%run_scoped3A : memref<!tpu.dma_semaphore, #tpu.memory_space<semaphore_mem>>) src(%dma_wait3A_35 : memref<126x80xi32, #tpu.memory_space<hbm>>) dst(%arg8 : memref<126x80xi32, #tpu.memory_space<vmem>>)
      tpu.yield
    }) : () -> ()
    %lt3A = arith.constant 8 : i32
    %lt3A_1 = arith.cmpi slt, %arg1, %lt3A : i32
    %convert_element_type3A = arith.extui %lt3A_1 : i1 to i32
    %cond3A = arith.constant 0 : i32
    %cond3A_2 = arith.cmpi ne, %convert_element_type3A, %cond3A : i32
    scf.if %cond3A_2 {
      %mul3A_21 = arith.constant 40 : i32
      %mul3A_22 = arith.muli %arg1, %mul3A_21 : i32
      "tpu.region"() ({
        %run_scoped3A = tpu.sem_alloc : memref<!tpu.dma_semaphore, #tpu.memory_space<semaphore_mem>>
        %dma_start3A_23 = arith.constant 0 : i32
        %dma_start3A_24 = tpu.memref_slice %arg13[%mul3A_22, %dma_start3A_23] : memref<320x128xf32, #tpu.memory_space<vmem_shared>> -> memref<40x128xf32, #tpu.memory_space<vmem_shared>>
        tpu.enqueue_dma source(%arg5 : memref<40x128xf32, #tpu.memory_space<hbm>>) target(%dma_start3A_24 : memref<40x128xf32, #tpu.memory_space<vmem_shared>>) target_semaphore(%run_scoped3A : memref<!tpu.dma_semaphore, #tpu.memory_space<semaphore_mem>>)
        %dma_wait3A = arith.constant 0 : i32
        %dma_wait3A_25 = tpu.memref_slice %arg13[%mul3A_22, %dma_wait3A] : memref<320x128xf32, #tpu.memory_space<vmem_shared>> -> memref<40x128xf32, #tpu.memory_space<vmem_shared>>
        tpu.wait_dma2 semaphore(%run_scoped3A : memref<!tpu.dma_semaphore, #tpu.memory_space<semaphore_mem>>) src(%arg5 : memref<40x128xf32, #tpu.memory_space<hbm>>) dst(%dma_wait3A_25 : memref<40x128xf32, #tpu.memory_space<vmem_shared>>)
        tpu.yield
      }) : () -> ()
    } else {
    }
    %barrier3A = arith.constant 0 : index
    tpu.barrier barrier_id(%barrier3A)
    %dma_start3A = arith.constant 0 : i32
    %dma_start3A_3 = arith.constant 0 : i32
    %dma_start3A_4 = tpu.memref_slice %arg7[%dma_start3A, %dma_start3A_3] : memref<126x80xi32, #tpu.memory_space<vmem>> -> memref<1x80xi32, #tpu.memory_space<vmem>>
    %dma_start3A_5 = tpu.memref_squeeze %dma_start3A_4 : memref<1x80xi32, #tpu.memory_space<vmem>> -> memref<80xi32, #tpu.memory_space<vmem>>
    %dma_start3A_6 = arith.constant 0 : i32
    %dma_start3A_7 = arith.constant 0 : i32
    %dma_start3A_8 = tpu.memref_slice %arg2[%dma_start3A_6, %dma_start3A_7] : memref<512x128xf32, #tpu.memory_space<hbm>> -> memref<512x128xf32, #tpu.memory_space<hbm>>
    tpu.enqueue_indirect_dma source(%dma_start3A_8 : memref<512x128xf32, #tpu.memory_space<hbm>>) target(%arg11 : memref<80x128xf32, #tpu.memory_space<vmem>>) offsets(%dma_start3A_5 : memref<80xi32, #tpu.memory_space<vmem>>) semaphore(%arg14 : memref<!tpu.dma_semaphore, #tpu.memory_space<semaphore_mem>>)
    %scan3A = arith.constant 0 : i32
    %scan3A_9 = arith.constant 0 : i32
    %scan3A_10 = arith.constant 63 : i32
    %scan3A_11 = arith.addi %scan3A_9, %scan3A_10 : i32
    %scan3A_12 = arith.constant 1 : i32
    scf.for %scan3A_21 = %scan3A_9 to %scan3A_11 step %scan3A_12  : i32 {
      %mul3A_22 = arith.constant 2 : i32
      %mul3A_23 = arith.muli %scan3A_21, %mul3A_22 : i32
      %add3A_24 = arith.constant 0 : i32
      %add3A_25 = arith.addi %mul3A_23, %add3A_24 : i32
      %dma_wait3A = arith.constant 0 : i32
      %dma_wait3A_26 = tpu.memref_slice %arg7[%add3A_25, %dma_wait3A] : memref<126x80xi32, #tpu.memory_space<vmem>> -> memref<1x80xi32, #tpu.memory_space<vmem>>
      %dma_wait3A_27 = tpu.memref_squeeze %dma_wait3A_26 : memref<1x80xi32, #tpu.memory_space<vmem>> -> memref<80xi32, #tpu.memory_space<vmem>>
      %dma_wait3A_28 = arith.constant 0 : i32
      %dma_wait3A_29 = arith.constant 0 : i32
      %dma_wait3A_30 = tpu.memref_slice %arg2[%dma_wait3A_28, %dma_wait3A_29] : memref<512x128xf32, #tpu.memory_space<hbm>> -> memref<512x128xf32, #tpu.memory_space<hbm>>
      tpu.wait_indirect_dma semaphore(%arg14 : memref<!tpu.dma_semaphore, #tpu.memory_space<semaphore_mem>>) src(%dma_wait3A_30 : memref<512x128xf32, #tpu.memory_space<hbm>>) dst(%arg11 : memref<80x128xf32, #tpu.memory_space<vmem>>)
      %add3A_31 = arith.constant 1 : i32
      %add3A_32 = arith.addi %add3A_25, %add3A_31 : i32
      %lt3A_33 = arith.constant 126 : i32
      %lt3A_34 = arith.cmpi slt, %add3A_32, %lt3A_33 : i32
      %convert_element_type3A_35 = arith.extui %lt3A_34 : i1 to i32
      %cond3A_36 = arith.constant 0 : i32
      %cond3A_37 = arith.cmpi ne, %convert_element_type3A_35, %cond3A_36 : i32
      scf.if %cond3A_37 {
        %add3A_347 = arith.constant 1 : i32
        %add3A_348 = arith.addi %add3A_25, %add3A_347 : i32
        %dma_start3A_349 = arith.constant 0 : i32
        %dma_start3A_350 = tpu.memref_slice %arg7[%add3A_348, %dma_start3A_349] : memref<126x80xi32, #tpu.memory_space<vmem>> -> memref<1x80xi32, #tpu.memory_space<vmem>>
        %dma_start3A_351 = tpu.memref_squeeze %dma_start3A_350 : memref<1x80xi32, #tpu.memory_space<vmem>> -> memref<80xi32, #tpu.memory_space<vmem>>
        %dma_start3A_352 = arith.constant 0 : i32
        %dma_start3A_353 = arith.constant 0 : i32
        %dma_start3A_354 = tpu.memref_slice %arg2[%dma_start3A_352, %dma_start3A_353] : memref<512x128xf32, #tpu.memory_space<hbm>> -> memref<512x128xf32, #tpu.memory_space<hbm>>
        tpu.enqueue_indirect_dma source(%dma_start3A_354 : memref<512x128xf32, #tpu.memory_space<hbm>>) target(%arg12 : memref<80x128xf32, #tpu.memory_space<vmem>>) offsets(%dma_start3A_351 : memref<80xi32, #tpu.memory_space<vmem>>) semaphore(%arg14 : memref<!tpu.dma_semaphore, #tpu.memory_space<semaphore_mem>>)
      } else {
      }
      %get3A = arith.index_cast %add3A_25 : i32 to index
      %get3A_38 = arith.constant 0 : index
      %get3A_39 = tpu.vector_load %arg8[%get3A, %get3A_38] {strides = array<i32>} : memref<126x80xi32, #tpu.memory_space<vmem>>, vector<1x16xi32>,
      %get3A_40 = vector.shape_cast %get3A_39 : vector<1x16xi32> to vector<16xi32>
      %sub3A = arith.constant 0 : i32
      %sub3A_41 = vector.broadcast %sub3A : i32 to vector<16xi32>
      %sub3A_42 = arith.subi %get3A_40, %sub3A_41 : vector<16xi32>
      %ge3A = arith.constant 0 : i32
      %ge3A_43 = vector.broadcast %ge3A : i32 to vector<16xi32>
      %ge3A_44 = arith.cmpi sge, %sub3A_42, %ge3A_43 : vector<16xi32>
      %lt3A_45 = arith.constant 320 : i32
      %lt3A_46 = vector.broadcast %lt3A_45 : i32 to vector<16xi32>
      %lt3A_47 = arith.cmpi slt, %sub3A_42, %lt3A_46 : vector<16xi32>
      %and3A = arith.andi %ge3A_44, %lt3A_47 : vector<16xi1>
      %mul3A_48 = arith.constant 5 : i32
      %mul3A_49 = arith.muli %add3A_25, %mul3A_48 : i32
      %add3A_50 = arith.constant 0 : i32
      %add3A_51 = arith.addi %mul3A_49, %add3A_50 : i32
      %and3A_52 = arith.constant 15 : i32
      %and3A_53 = arith.andi %add3A_51, %and3A_52 : i32
      %shift_left3A = arith.constant 3 : i32
      %shift_left3A_54 = arith.shli %and3A_53, %shift_left3A : i32
      %add3A_55 = arith.constant 320 : i32
      %add3A_56 = arith.addi %add3A_55, %shift_left3A_54 : i32
      %broadcast_in_dim3A = vector.broadcast %add3A_56 : i32 to vector<16xi32>
      %select_n3A = arith.select %and3A, %sub3A_42, %broadcast_in_dim3A : vector<16xi1>, vector<16xi32>
      %swap3A = arith.constant 0 : index
      %swap3A_57 = tpu.vector_load %arg9[%swap3A] {strides = array<i32>} : memref<80xi32, #tpu.memory_space<vmem>>, vector<16xi32>,
      %swap3A_58 = vector.shape_cast %swap3A_57 : vector<16xi32> to vector<16xi32>
      %swap3A_59 = vector.shape_cast %select_n3A : vector<16xi32> to vector<16xi32>
      tpu.vector_store %arg9[%swap3A], %swap3A_59 {strides = array<i32>} : memref<80xi32, #tpu.memory_space<vmem>>, vector<16xi32>,
      %get3A_60 = arith.index_cast %add3A_25 : i32 to index
      %get3A_61 = arith.constant 16 : index
      %get3A_62 = tpu.vector_load %arg8[%get3A_60, %get3A_61] {strides = array<i32>} : memref<126x80xi32, #tpu.memory_space<vmem>>, vector<1x16xi32>,
      %get3A_63 = vector.shape_cast %get3A_62 : vector<1x16xi32> to vector<16xi32>
      %sub3A_64 = arith.constant 0 : i32
      %sub3A_65 = vector.broadcast %sub3A_64 : i32 to vector<16xi32>
      %sub3A_66 = arith.subi %get3A_63, %sub3A_65 : vector<16xi32>
      %ge3A_67 = arith.constant 0 : i32
      %ge3A_68 = vector.broadcast %ge3A_67 : i32 to vector<16xi32>
      %ge3A_69 = arith.cmpi sge, %sub3A_66, %ge3A_68 : vector<16xi32>
      %lt3A_70 = arith.constant 320 : i32
      %lt3A_71 = vector.broadcast %lt3A_70 : i32 to vector<16xi32>
      %lt3A_72 = arith.cmpi slt, %sub3A_66, %lt3A_71 : vector<16xi32>
      %and3A_73 = arith.andi %ge3A_69, %lt3A_72 : vector<16xi1>
      %mul3A_74 = arith.constant 5 : i32
      %mul3A_75 = arith.muli %add3A_25, %mul3A_74 : i32
      %add3A_76 = arith.constant 1 : i32
      %add3A_77 = arith.addi %mul3A_75, %add3A_76 : i32
      %and3A_78 = arith.constant 15 : i32
      %and3A_79 = arith.andi %add3A_77, %and3A_78 : i32
      %shift_left3A_80 = arith.constant 3 : i32
      %shift_left3A_81 = arith.shli %and3A_79, %shift_left3A_80 : i32
      %add3A_82 = arith.constant 320 : i32
      %add3A_83 = arith.addi %add3A_82, %shift_left3A_81 : i32
      %broadcast_in_dim3A_84 = vector.broadcast %add3A_83 : i32 to vector<16xi32>
      %select_n3A_85 = arith.select %and3A_73, %sub3A_66, %broadcast_in_dim3A_84 : vector<16xi1>, vector<16xi32>
      %swap3A_86 = arith.constant 16 : index
      %swap3A_87 = tpu.vector_load %arg9[%swap3A_86] {strides = array<i32>} : memref<80xi32, #tpu.memory_space<vmem>>, vector<16xi32>,
      %swap3A_88 = vector.shape_cast %swap3A_87 : vector<16xi32> to vector<16xi32>
      %swap3A_89 = vector.shape_cast %select_n3A_85 : vector<16xi32> to vector<16xi32>
      tpu.vector_store %arg9[%swap3A_86], %swap3A_89 {strides = array<i32>} : memref<80xi32, #tpu.memory_space<vmem>>, vector<16xi32>,
      %get3A_90 = arith.index_cast %add3A_25 : i32 to index
      %get3A_91 = arith.constant 32 : index
      %get3A_92 = tpu.vector_load %arg8[%get3A_90, %get3A_91] {strides = array<i32>} : memref<126x80xi32, #tpu.memory_space<vmem>>, vector<1x16xi32>,
      %get3A_93 = vector.shape_cast %get3A_92 : vector<1x16xi32> to vector<16xi32>
      %sub3A_94 = arith.constant 0 : i32
      %sub3A_95 = vector.broadcast %sub3A_94 : i32 to vector<16xi32>
      %sub3A_96 = arith.subi %get3A_93, %sub3A_95 : vector<16xi32>
      %ge3A_97 = arith.constant 0 : i32
      %ge3A_98 = vector.broadcast %ge3A_97 : i32 to vector<16xi32>
      %ge3A_99 = arith.cmpi sge, %sub3A_96, %ge3A_98 : vector<16xi32>
      %lt3A_100 = arith.constant 320 : i32
      %lt3A_101 = vector.broadcast %lt3A_100 : i32 to vector<16xi32>
      %lt3A_102 = arith.cmpi slt, %sub3A_96, %lt3A_101 : vector<16xi32>
      %and3A_103 = arith.andi %ge3A_99, %lt3A_102 : vector<16xi1>
      %mul3A_104 = arith.constant 5 : i32
      %mul3A_105 = arith.muli %add3A_25, %mul3A_104 : i32
      %add3A_106 = arith.constant 2 : i32
      %add3A_107 = arith.addi %mul3A_105, %add3A_106 : i32
      %and3A_108 = arith.constant 15 : i32
      %and3A_109 = arith.andi %add3A_107, %and3A_108 : i32
      %shift_left3A_110 = arith.constant 3 : i32
      %shift_left3A_111 = arith.shli %and3A_109, %shift_left3A_110 : i32
      %add3A_112 = arith.constant 320 : i32
      %add3A_113 = arith.addi %add3A_112, %shift_left3A_111 : i32
      %broadcast_in_dim3A_114 = vector.broadcast %add3A_113 : i32 to vector<16xi32>
      %select_n3A_115 = arith.select %and3A_103, %sub3A_96, %broadcast_in_dim3A_114 : vector<16xi1>, vector<16xi32>
      %swap3A_116 = arith.constant 32 : index
      %swap3A_117 = tpu.vector_load %arg9[%swap3A_116] {strides = array<i32>} : memref<80xi32, #tpu.memory_space<vmem>>, vector<16xi32>,
      %swap3A_118 = vector.shape_cast %swap3A_117 : vector<16xi32> to vector<16xi32>
      %swap3A_119 = vector.shape_cast %select_n3A_115 : vector<16xi32> to vector<16xi32>
      tpu.vector_store %arg9[%swap3A_116], %swap3A_119 {strides = array<i32>} : memref<80xi32, #tpu.memory_space<vmem>>, vector<16xi32>,
      %get3A_120 = arith.index_cast %add3A_25 : i32 to index
      %get3A_121 = arith.constant 48 : index
      %get3A_122 = tpu.vector_load %arg8[%get3A_120, %get3A_121] {strides = array<i32>} : memref<126x80xi32, #tpu.memory_space<vmem>>, vector<1x16xi32>,
      %get3A_123 = vector.shape_cast %get3A_122 : vector<1x16xi32> to vector<16xi32>
      %sub3A_124 = arith.constant 0 : i32
      %sub3A_125 = vector.broadcast %sub3A_124 : i32 to vector<16xi32>
      %sub3A_126 = arith.subi %get3A_123, %sub3A_125 : vector<16xi32>
      %ge3A_127 = arith.constant 0 : i32
      %ge3A_128 = vector.broadcast %ge3A_127 : i32 to vector<16xi32>
      %ge3A_129 = arith.cmpi sge, %sub3A_126, %ge3A_128 : vector<16xi32>
      %lt3A_130 = arith.constant 320 : i32
      %lt3A_131 = vector.broadcast %lt3A_130 : i32 to vector<16xi32>
      %lt3A_132 = arith.cmpi slt, %sub3A_126, %lt3A_131 : vector<16xi32>
      %and3A_133 = arith.andi %ge3A_129, %lt3A_132 : vector<16xi1>
      %mul3A_134 = arith.constant 5 : i32
      %mul3A_135 = arith.muli %add3A_25, %mul3A_134 : i32
      %add3A_136 = arith.constant 3 : i32
      %add3A_137 = arith.addi %mul3A_135, %add3A_136 : i32
      %and3A_138 = arith.constant 15 : i32
      %and3A_139 = arith.andi %add3A_137, %and3A_138 : i32
      %shift_left3A_140 = arith.constant 3 : i32
      %shift_left3A_141 = arith.shli %and3A_139, %shift_left3A_140 : i32
      %add3A_142 = arith.constant 320 : i32
      %add3A_143 = arith.addi %add3A_142, %shift_left3A_141 : i32
      %broadcast_in_dim3A_144 = vector.broadcast %add3A_143 : i32 to vector<16xi32>
      %select_n3A_145 = arith.select %and3A_133, %sub3A_126, %broadcast_in_dim3A_144 : vector<16xi1>, vector<16xi32>
      %swap3A_146 = arith.constant 48 : index
      %swap3A_147 = tpu.vector_load %arg9[%swap3A_146] {strides = array<i32>} : memref<80xi32, #tpu.memory_space<vmem>>, vector<16xi32>,
      %swap3A_148 = vector.shape_cast %swap3A_147 : vector<16xi32> to vector<16xi32>
      %swap3A_149 = vector.shape_cast %select_n3A_145 : vector<16xi32> to vector<16xi32>
      tpu.vector_store %arg9[%swap3A_146], %swap3A_149 {strides = array<i32>} : memref<80xi32, #tpu.memory_space<vmem>>, vector<16xi32>,
      %get3A_150 = arith.index_cast %add3A_25 : i32 to index
      %get3A_151 = arith.constant 64 : index
      %get3A_152 = tpu.vector_load %arg8[%get3A_150, %get3A_151] {strides = array<i32>} : memref<126x80xi32, #tpu.memory_space<vmem>>, vector<1x16xi32>,
      %get3A_153 = vector.shape_cast %get3A_152 : vector<1x16xi32> to vector<16xi32>
      %sub3A_154 = arith.constant 0 : i32
      %sub3A_155 = vector.broadcast %sub3A_154 : i32 to vector<16xi32>
      %sub3A_156 = arith.subi %get3A_153, %sub3A_155 : vector<16xi32>
      %ge3A_157 = arith.constant 0 : i32
      %ge3A_158 = vector.broadcast %ge3A_157 : i32 to vector<16xi32>
      %ge3A_159 = arith.cmpi sge, %sub3A_156, %ge3A_158 : vector<16xi32>
      %lt3A_160 = arith.constant 320 : i32
      %lt3A_161 = vector.broadcast %lt3A_160 : i32 to vector<16xi32>
      %lt3A_162 = arith.cmpi slt, %sub3A_156, %lt3A_161 : vector<16xi32>
      %and3A_163 = arith.andi %ge3A_159, %lt3A_162 : vector<16xi1>
      %mul3A_164 = arith.constant 5 : i32
      %mul3A_165 = arith.muli %add3A_25, %mul3A_164 : i32
      %add3A_166 = arith.constant 4 : i32
      %add3A_167 = arith.addi %mul3A_165, %add3A_166 : i32
      %and3A_168 = arith.constant 15 : i32
      %and3A_169 = arith.andi %add3A_167, %and3A_168 : i32
      %shift_left3A_170 = arith.constant 3 : i32
      %shift_left3A_171 = arith.shli %and3A_169, %shift_left3A_170 : i32
      %add3A_172 = arith.constant 320 : i32
      %add3A_173 = arith.addi %add3A_172, %shift_left3A_171 : i32
      %broadcast_in_dim3A_174 = vector.broadcast %add3A_173 : i32 to vector<16xi32>
      %select_n3A_175 = arith.select %and3A_163, %sub3A_156, %broadcast_in_dim3A_174 : vector<16xi1>, vector<16xi32>
      %swap3A_176 = arith.constant 64 : index
      %swap3A_177 = tpu.vector_load %arg9[%swap3A_176] {strides = array<i32>} : memref<80xi32, #tpu.memory_space<vmem>>, vector<16xi32>,
      %swap3A_178 = vector.shape_cast %swap3A_177 : vector<16xi32> to vector<16xi32>
      %swap3A_179 = vector.shape_cast %select_n3A_175 : vector<16xi32> to vector<16xi32>
      tpu.vector_store %arg9[%swap3A_176], %swap3A_179 {strides = array<i32>} : memref<80xi32, #tpu.memory_space<vmem>>, vector<16xi32>,
      "tpu.region"() ({
        %run_scoped3A = tpu.sem_alloc : memref<!tpu.dma_semaphore, #tpu.memory_space<semaphore_mem>>
        %dma_start3A_347 = arith.constant 0 : i32
        %dma_start3A_348 = arith.constant 0 : i32
        %dma_start3A_349 = tpu.memref_slice %arg13[%dma_start3A_347, %dma_start3A_348] : memref<320x128xf32, #tpu.memory_space<vmem_shared>> -> memref<320x128xf32, #tpu.memory_space<vmem_shared>>
        tpu.enqueue_indirect_dma source(%arg11 : memref<80x128xf32, #tpu.memory_space<vmem>>) target(%dma_start3A_349 : memref<320x128xf32, #tpu.memory_space<vmem_shared>>) offsets(%arg9 : memref<80xi32, #tpu.memory_space<vmem>>) semaphore(%run_scoped3A : memref<!tpu.dma_semaphore, #tpu.memory_space<semaphore_mem>>) {add = true}
        %dma_wait3A_350 = arith.constant 0 : i32
        %dma_wait3A_351 = arith.constant 0 : i32
        %dma_wait3A_352 = tpu.memref_slice %arg13[%dma_wait3A_350, %dma_wait3A_351] : memref<320x128xf32, #tpu.memory_space<vmem_shared>> -> memref<320x128xf32, #tpu.memory_space<vmem_shared>>
        tpu.wait_indirect_dma semaphore(%run_scoped3A : memref<!tpu.dma_semaphore, #tpu.memory_space<semaphore_mem>>) src(%arg11 : memref<80x128xf32, #tpu.memory_space<vmem>>) dst(%dma_wait3A_352 : memref<320x128xf32, #tpu.memory_space<vmem_shared>>)
        tpu.yield
      }) : () -> ()
      %mul3A_180 = arith.constant 2 : i32
      %mul3A_181 = arith.muli %scan3A_21, %mul3A_180 : i32
      %add3A_182 = arith.constant 1 : i32
      %add3A_183 = arith.addi %mul3A_181, %add3A_182 : i32
      %dma_wait3A_184 = arith.constant 0 : i32
      %dma_wait3A_185 = tpu.memref_slice %arg7[%add3A_183, %dma_wait3A_184] : memref<126x80xi32, #tpu.memory_space<vmem>> -> memref<1x80xi32, #tpu.memory_space<vmem>>
      %dma_wait3A_186 = tpu.memref_squeeze %dma_wait3A_185 : memref<1x80xi32, #tpu.memory_space<vmem>> -> memref<80xi32, #tpu.memory_space<vmem>>
      %dma_wait3A_187 = arith.constant 0 : i32
      %dma_wait3A_188 = arith.constant 0 : i32
      %dma_wait3A_189 = tpu.memref_slice %arg2[%dma_wait3A_187, %dma_wait3A_188] : memref<512x128xf32, #tpu.memory_space<hbm>> -> memref<512x128xf32, #tpu.memory_space<hbm>>
      tpu.wait_indirect_dma semaphore(%arg14 : memref<!tpu.dma_semaphore, #tpu.memory_space<semaphore_mem>>) src(%dma_wait3A_189 : memref<512x128xf32, #tpu.memory_space<hbm>>) dst(%arg12 : memref<80x128xf32, #tpu.memory_space<vmem>>)
      %add3A_190 = arith.constant 1 : i32
      %add3A_191 = arith.addi %add3A_183, %add3A_190 : i32
      %lt3A_192 = arith.constant 126 : i32
      %lt3A_193 = arith.cmpi slt, %add3A_191, %lt3A_192 : i32
      %convert_element_type3A_194 = arith.extui %lt3A_193 : i1 to i32
      %cond3A_195 = arith.constant 0 : i32
      %cond3A_196 = arith.cmpi ne, %convert_element_type3A_194, %cond3A_195 : i32
      scf.if %cond3A_196 {
        %add3A_347 = arith.constant 1 : i32
        %add3A_348 = arith.addi %add3A_183, %add3A_347 : i32
        %dma_start3A_349 = arith.constant 0 : i32
        %dma_start3A_350 = tpu.memref_slice %arg7[%add3A_348, %dma_start3A_349] : memref<126x80xi32, #tpu.memory_space<vmem>> -> memref<1x80xi32, #tpu.memory_space<vmem>>
        %dma_start3A_351 = tpu.memref_squeeze %dma_start3A_350 : memref<1x80xi32, #tpu.memory_space<vmem>> -> memref<80xi32, #tpu.memory_space<vmem>>
        %dma_start3A_352 = arith.constant 0 : i32
        %dma_start3A_353 = arith.constant 0 : i32
        %dma_start3A_354 = tpu.memref_slice %arg2[%dma_start3A_352, %dma_start3A_353] : memref<512x128xf32, #tpu.memory_space<hbm>> -> memref<512x128xf32, #tpu.memory_space<hbm>>
        tpu.enqueue_indirect_dma source(%dma_start3A_354 : memref<512x128xf32, #tpu.memory_space<hbm>>) target(%arg11 : memref<80x128xf32, #tpu.memory_space<vmem>>) offsets(%dma_start3A_351 : memref<80xi32, #tpu.memory_space<vmem>>) semaphore(%arg14 : memref<!tpu.dma_semaphore, #tpu.memory_space<semaphore_mem>>)
      } else {
      }
      %get3A_197 = arith.index_cast %add3A_183 : i32 to index
      %get3A_198 = arith.constant 0 : index
      %get3A_199 = tpu.vector_load %arg8[%get3A_197, %get3A_198] {strides = array<i32>} : memref<126x80xi32, #tpu.memory_space<vmem>>, vector<1x16xi32>,
      %get3A_200 = vector.shape_cast %get3A_199 : vector<1x16xi32> to vector<16xi32>
      %sub3A_201 = arith.constant 0 : i32
      %sub3A_202 = vector.broadcast %sub3A_201 : i32 to vector<16xi32>
      %sub3A_203 = arith.subi %get3A_200, %sub3A_202 : vector<16xi32>
      %ge3A_204 = arith.constant 0 : i32
      %ge3A_205 = vector.broadcast %ge3A_204 : i32 to vector<16xi32>
      %ge3A_206 = arith.cmpi sge, %sub3A_203, %ge3A_205 : vector<16xi32>
      %lt3A_207 = arith.constant 320 : i32
      %lt3A_208 = vector.broadcast %lt3A_207 : i32 to vector<16xi32>
      %lt3A_209 = arith.cmpi slt, %sub3A_203, %lt3A_208 : vector<16xi32>
      %and3A_210 = arith.andi %ge3A_206, %lt3A_209 : vector<16xi1>
      %mul3A_211 = arith.constant 5 : i32
      %mul3A_212 = arith.muli %add3A_183, %mul3A_211 : i32
      %add3A_213 = arith.constant 0 : i32
      %add3A_214 = arith.addi %mul3A_212, %add3A_213 : i32
      %and3A_215 = arith.constant 15 : i32
      %and3A_216 = arith.andi %add3A_214, %and3A_215 : i32
      %shift_left3A_217 = arith.constant 3 : i32
      %shift_left3A_218 = arith.shli %and3A_216, %shift_left3A_217 : i32
      %add3A_219 = arith.constant 320 : i32
      %add3A_220 = arith.addi %add3A_219, %shift_left3A_218 : i32
      %broadcast_in_dim3A_221 = vector.broadcast %add3A_220 : i32 to vector<16xi32>
      %select_n3A_222 = arith.select %and3A_210, %sub3A_203, %broadcast_in_dim3A_221 : vector<16xi1>, vector<16xi32>
      %swap3A_223 = arith.constant 0 : index
      %swap3A_224 = tpu.vector_load %arg10[%swap3A_223] {strides = array<i32>} : memref<80xi32, #tpu.memory_space<vmem>>, vector<16xi32>,
      %swap3A_225 = vector.shape_cast %swap3A_224 : vector<16xi32> to vector<16xi32>
      %swap3A_226 = vector.shape_cast %select_n3A_222 : vector<16xi32> to vector<16xi32>
      tpu.vector_store %arg10[%swap3A_223], %swap3A_226 {strides = array<i32>} : memref<80xi32, #tpu.memory_space<vmem>>, vector<16xi32>,
      %get3A_227 = arith.index_cast %add3A_183 : i32 to index
      %get3A_228 = arith.constant 16 : index
      %get3A_229 = tpu.vector_load %arg8[%get3A_227, %get3A_228] {strides = array<i32>} : memref<126x80xi32, #tpu.memory_space<vmem>>, vector<1x16xi32>,
      %get3A_230 = vector.shape_cast %get3A_229 : vector<1x16xi32> to vector<16xi32>
      %sub3A_231 = arith.constant 0 : i32
      %sub3A_232 = vector.broadcast %sub3A_231 : i32 to vector<16xi32>
      %sub3A_233 = arith.subi %get3A_230, %sub3A_232 : vector<16xi32>
      %ge3A_234 = arith.constant 0 : i32
      %ge3A_235 = vector.broadcast %ge3A_234 : i32 to vector<16xi32>
      %ge3A_236 = arith.cmpi sge, %sub3A_233, %ge3A_235 : vector<16xi32>
      %lt3A_237 = arith.constant 320 : i32
      %lt3A_238 = vector.broadcast %lt3A_237 : i32 to vector<16xi32>
      %lt3A_239 = arith.cmpi slt, %sub3A_233, %lt3A_238 : vector<16xi32>
      %and3A_240 = arith.andi %ge3A_236, %lt3A_239 : vector<16xi1>
      %mul3A_241 = arith.constant 5 : i32
      %mul3A_242 = arith.muli %add3A_183, %mul3A_241 : i32
      %add3A_243 = arith.constant 1 : i32
      %add3A_244 = arith.addi %mul3A_242, %add3A_243 : i32
      %and3A_245 = arith.constant 15 : i32
      %and3A_246 = arith.andi %add3A_244, %and3A_245 : i32
      %shift_left3A_247 = arith.constant 3 : i32
      %shift_left3A_248 = arith.shli %and3A_246, %shift_left3A_247 : i32
      %add3A_249 = arith.constant 320 : i32
      %add3A_250 = arith.addi %add3A_249, %shift_left3A_248 : i32
      %broadcast_in_dim3A_251 = vector.broadcast %add3A_250 : i32 to vector<16xi32>
      %select_n3A_252 = arith.select %and3A_240, %sub3A_233, %broadcast_in_dim3A_251 : vector<16xi1>, vector<16xi32>
      %swap3A_253 = arith.constant 16 : index
      %swap3A_254 = tpu.vector_load %arg10[%swap3A_253] {strides = array<i32>} : memref<80xi32, #tpu.memory_space<vmem>>, vector<16xi32>,
      %swap3A_255 = vector.shape_cast %swap3A_254 : vector<16xi32> to vector<16xi32>
      %swap3A_256 = vector.shape_cast %select_n3A_252 : vector<16xi32> to vector<16xi32>
      tpu.vector_store %arg10[%swap3A_253], %swap3A_256 {strides = array<i32>} : memref<80xi32, #tpu.memory_space<vmem>>, vector<16xi32>,
      %get3A_257 = arith.index_cast %add3A_183 : i32 to index
      %get3A_258 = arith.constant 32 : index
      %get3A_259 = tpu.vector_load %arg8[%get3A_257, %get3A_258] {strides = array<i32>} : memref<126x80xi32, #tpu.memory_space<vmem>>, vector<1x16xi32>,
      %get3A_260 = vector.shape_cast %get3A_259 : vector<1x16xi32> to vector<16xi32>
      %sub3A_261 = arith.constant 0 : i32
      %sub3A_262 = vector.broadcast %sub3A_261 : i32 to vector<16xi32>
      %sub3A_263 = arith.subi %get3A_260, %sub3A_262 : vector<16xi32>
      %ge3A_264 = arith.constant 0 : i32
      %ge3A_265 = vector.broadcast %ge3A_264 : i32 to vector<16xi32>
      %ge3A_266 = arith.cmpi sge, %sub3A_263, %ge3A_265 : vector<16xi32>
      %lt3A_267 = arith.constant 320 : i32
      %lt3A_268 = vector.broadcast %lt3A_267 : i32 to vector<16xi32>
      %lt3A_269 = arith.cmpi slt, %sub3A_263, %lt3A_268 : vector<16xi32>
      %and3A_270 = arith.andi %ge3A_266, %lt3A_269 : vector<16xi1>
      %mul3A_271 = arith.constant 5 : i32
      %mul3A_272 = arith.muli %add3A_183, %mul3A_271 : i32
      %add3A_273 = arith.constant 2 : i32
      %add3A_274 = arith.addi %mul3A_272, %add3A_273 : i32
      %and3A_275 = arith.constant 15 : i32
      %and3A_276 = arith.andi %add3A_274, %and3A_275 : i32
      %shift_left3A_277 = arith.constant 3 : i32
      %shift_left3A_278 = arith.shli %and3A_276, %shift_left3A_277 : i32
      %add3A_279 = arith.constant 320 : i32
      %add3A_280 = arith.addi %add3A_279, %shift_left3A_278 : i32
      %broadcast_in_dim3A_281 = vector.broadcast %add3A_280 : i32 to vector<16xi32>
      %select_n3A_282 = arith.select %and3A_270, %sub3A_263, %broadcast_in_dim3A_281 : vector<16xi1>, vector<16xi32>
      %swap3A_283 = arith.constant 32 : index
      %swap3A_284 = tpu.vector_load %arg10[%swap3A_283] {strides = array<i32>} : memref<80xi32, #tpu.memory_space<vmem>>, vector<16xi32>,
      %swap3A_285 = vector.shape_cast %swap3A_284 : vector<16xi32> to vector<16xi32>
      %swap3A_286 = vector.shape_cast %select_n3A_282 : vector<16xi32> to vector<16xi32>
      tpu.vector_store %arg10[%swap3A_283], %swap3A_286 {strides = array<i32>} : memref<80xi32, #tpu.memory_space<vmem>>, vector<16xi32>,
      %get3A_287 = arith.index_cast %add3A_183 : i32 to index
      %get3A_288 = arith.constant 48 : index
      %get3A_289 = tpu.vector_load %arg8[%get3A_287, %get3A_288] {strides = array<i32>} : memref<126x80xi32, #tpu.memory_space<vmem>>, vector<1x16xi32>,
      %get3A_290 = vector.shape_cast %get3A_289 : vector<1x16xi32> to vector<16xi32>
      %sub3A_291 = arith.constant 0 : i32
      %sub3A_292 = vector.broadcast %sub3A_291 : i32 to vector<16xi32>
      %sub3A_293 = arith.subi %get3A_290, %sub3A_292 : vector<16xi32>
      %ge3A_294 = arith.constant 0 : i32
      %ge3A_295 = vector.broadcast %ge3A_294 : i32 to vector<16xi32>
      %ge3A_296 = arith.cmpi sge, %sub3A_293, %ge3A_295 : vector<16xi32>
      %lt3A_297 = arith.constant 320 : i32
      %lt3A_298 = vector.broadcast %lt3A_297 : i32 to vector<16xi32>
      %lt3A_299 = arith.cmpi slt, %sub3A_293, %lt3A_298 : vector<16xi32>
      %and3A_300 = arith.andi %ge3A_296, %lt3A_299 : vector<16xi1>
      %mul3A_301 = arith.constant 5 : i32
      %mul3A_302 = arith.muli %add3A_183, %mul3A_301 : i32
      %add3A_303 = arith.constant 3 : i32
      %add3A_304 = arith.addi %mul3A_302, %add3A_303 : i32
      %and3A_305 = arith.constant 15 : i32
      %and3A_306 = arith.andi %add3A_304, %and3A_305 : i32
      %shift_left3A_307 = arith.constant 3 : i32
      %shift_left3A_308 = arith.shli %and3A_306, %shift_left3A_307 : i32
      %add3A_309 = arith.constant 320 : i32
      %add3A_310 = arith.addi %add3A_309, %shift_left3A_308 : i32
      %broadcast_in_dim3A_311 = vector.broadcast %add3A_310 : i32 to vector<16xi32>
      %select_n3A_312 = arith.select %and3A_300, %sub3A_293, %broadcast_in_dim3A_311 : vector<16xi1>, vector<16xi32>
      %swap3A_313 = arith.constant 48 : index
      %swap3A_314 = tpu.vector_load %arg10[%swap3A_313] {strides = array<i32>} : memref<80xi32, #tpu.memory_space<vmem>>, vector<16xi32>,
      %swap3A_315 = vector.shape_cast %swap3A_314 : vector<16xi32> to vector<16xi32>
      %swap3A_316 = vector.shape_cast %select_n3A_312 : vector<16xi32> to vector<16xi32>
      tpu.vector_store %arg10[%swap3A_313], %swap3A_316 {strides = array<i32>} : memref<80xi32, #tpu.memory_space<vmem>>, vector<16xi32>,
      %get3A_317 = arith.index_cast %add3A_183 : i32 to index
      %get3A_318 = arith.constant 64 : index
      %get3A_319 = tpu.vector_load %arg8[%get3A_317, %get3A_318] {strides = array<i32>} : memref<126x80xi32, #tpu.memory_space<vmem>>, vector<1x16xi32>,
      %get3A_320 = vector.shape_cast %get3A_319 : vector<1x16xi32> to vector<16xi32>
      %sub3A_321 = arith.constant 0 : i32
      %sub3A_322 = vector.broadcast %sub3A_321 : i32 to vector<16xi32>
      %sub3A_323 = arith.subi %get3A_320, %sub3A_322 : vector<16xi32>
      %ge3A_324 = arith.constant 0 : i32
      %ge3A_325 = vector.broadcast %ge3A_324 : i32 to vector<16xi32>
      %ge3A_326 = arith.cmpi sge, %sub3A_323, %ge3A_325 : vector<16xi32>
      %lt3A_327 = arith.constant 320 : i32
      %lt3A_328 = vector.broadcast %lt3A_327 : i32 to vector<16xi32>
      %lt3A_329 = arith.cmpi slt, %sub3A_323, %lt3A_328 : vector<16xi32>
      %and3A_330 = arith.andi %ge3A_326, %lt3A_329 : vector<16xi1>
      %mul3A_331 = arith.constant 5 : i32
      %mul3A_332 = arith.muli %add3A_183, %mul3A_331 : i32
      %add3A_333 = arith.constant 4 : i32
      %add3A_334 = arith.addi %mul3A_332, %add3A_333 : i32
      %and3A_335 = arith.constant 15 : i32
      %and3A_336 = arith.andi %add3A_334, %and3A_335 : i32
      %shift_left3A_337 = arith.constant 3 : i32
      %shift_left3A_338 = arith.shli %and3A_336, %shift_left3A_337 : i32
      %add3A_339 = arith.constant 320 : i32
      %add3A_340 = arith.addi %add3A_339, %shift_left3A_338 : i32
      %broadcast_in_dim3A_341 = vector.broadcast %add3A_340 : i32 to vector<16xi32>
      %select_n3A_342 = arith.select %and3A_330, %sub3A_323, %broadcast_in_dim3A_341 : vector<16xi1>, vector<16xi32>
      %swap3A_343 = arith.constant 64 : index
      %swap3A_344 = tpu.vector_load %arg10[%swap3A_343] {strides = array<i32>} : memref<80xi32, #tpu.memory_space<vmem>>, vector<16xi32>,
      %swap3A_345 = vector.shape_cast %swap3A_344 : vector<16xi32> to vector<16xi32>
      %swap3A_346 = vector.shape_cast %select_n3A_342 : vector<16xi32> to vector<16xi32>
      tpu.vector_store %arg10[%swap3A_343], %swap3A_346 {strides = array<i32>} : memref<80xi32, #tpu.memory_space<vmem>>, vector<16xi32>,
      "tpu.region"() ({
        %run_scoped3A = tpu.sem_alloc : memref<!tpu.dma_semaphore, #tpu.memory_space<semaphore_mem>>
        %dma_start3A_347 = arith.constant 0 : i32
        %dma_start3A_348 = arith.constant 0 : i32
        %dma_start3A_349 = tpu.memref_slice %arg13[%dma_start3A_347, %dma_start3A_348] : memref<320x128xf32, #tpu.memory_space<vmem_shared>> -> memref<320x128xf32, #tpu.memory_space<vmem_shared>>
        tpu.enqueue_indirect_dma source(%arg12 : memref<80x128xf32, #tpu.memory_space<vmem>>) target(%dma_start3A_349 : memref<320x128xf32, #tpu.memory_space<vmem_shared>>) offsets(%arg10 : memref<80xi32, #tpu.memory_space<vmem>>) semaphore(%run_scoped3A : memref<!tpu.dma_semaphore, #tpu.memory_space<semaphore_mem>>) {add = true}
        %dma_wait3A_350 = arith.constant 0 : i32
        %dma_wait3A_351 = arith.constant 0 : i32
        %dma_wait3A_352 = tpu.memref_slice %arg13[%dma_wait3A_350, %dma_wait3A_351] : memref<320x128xf32, #tpu.memory_space<vmem_shared>> -> memref<320x128xf32, #tpu.memory_space<vmem_shared>>
        tpu.wait_indirect_dma semaphore(%run_scoped3A : memref<!tpu.dma_semaphore, #tpu.memory_space<semaphore_mem>>) src(%arg12 : memref<80x128xf32, #tpu.memory_space<vmem>>) dst(%dma_wait3A_352 : memref<320x128xf32, #tpu.memory_space<vmem_shared>>)
        tpu.yield
      }) : () -> ()
    }
    %scan3A_13 = arith.constant 63 : i32
    %barrier3A_14 = arith.constant 0 : index
    tpu.barrier barrier_id(%barrier3A_14)
    %lt3A_15 = arith.constant 8 : i32
    %lt3A_16 = arith.cmpi slt, %arg1, %lt3A_15 : i32
    %convert_element_type3A_17 = arith.extui %lt3A_16 : i1 to i32
    %cond3A_18 = arith.constant 0 : i32
    %cond3A_19 = arith.cmpi ne, %convert_element_type3A_17, %cond3A_18 : i32
    scf.if %cond3A_19 {
      %mul3A_21 = arith.constant 40 : i32
      %mul3A_22 = arith.muli %arg1, %mul3A_21 : i32
      %add3A_23 = arith.constant 0 : i32
      %add3A_24 = arith.addi %add3A_23, %mul3A_22 : i32
      "tpu.region"() ({
        %run_scoped3A = tpu.sem_alloc : memref<!tpu.dma_semaphore, #tpu.memory_space<semaphore_mem>>
        %dma_start3A_25 = arith.constant 0 : i32
        %dma_start3A_26 = tpu.memref_slice %arg6[%arg0, %add3A_24, %dma_start3A_25] : memref<2x320x128xf32, #tpu.memory_space<hbm>> -> memref<1x40x128xf32, #tpu.memory_space<hbm>>
        %dma_start3A_27 = tpu.memref_squeeze %dma_start3A_26 : memref<1x40x128xf32, #tpu.memory_space<hbm>> -> memref<40x128xf32, #tpu.memory_space<hbm>>
        %dma_start3A_28 = arith.constant 0 : i32
        %dma_start3A_29 = tpu.memref_slice %arg13[%mul3A_22, %dma_start3A_28] : memref<320x128xf32, #tpu.memory_space<vmem_shared>> -> memref<40x128xf32, #tpu.memory_space<vmem_shared>>
        tpu.enqueue_dma source(%dma_start3A_29 : memref<40x128xf32, #tpu.memory_space<vmem_shared>>) target(%dma_start3A_27 : memref<40x128xf32, #tpu.memory_space<hbm>>) target_semaphore(%run_scoped3A : memref<!tpu.dma_semaphore, #tpu.memory_space<semaphore_mem>>)
        %dma_wait3A = arith.constant 0 : i32
        %dma_wait3A_30 = tpu.memref_slice %arg6[%arg0, %add3A_24, %dma_wait3A] : memref<2x320x128xf32, #tpu.memory_space<hbm>> -> memref<1x40x128xf32, #tpu.memory_space<hbm>>
        %dma_wait3A_31 = tpu.memref_squeeze %dma_wait3A_30 : memref<1x40x128xf32, #tpu.memory_space<hbm>> -> memref<40x128xf32, #tpu.memory_space<hbm>>
        %dma_wait3A_32 = arith.constant 0 : i32
        %dma_wait3A_33 = tpu.memref_slice %arg13[%mul3A_22, %dma_wait3A_32] : memref<320x128xf32, #tpu.memory_space<vmem_shared>> -> memref<40x128xf32, #tpu.memory_space<vmem_shared>>
        tpu.wait_dma2 semaphore(%run_scoped3A : memref<!tpu.dma_semaphore, #tpu.memory_space<semaphore_mem>>) src(%dma_wait3A_33 : memref<40x128xf32, #tpu.memory_space<vmem_shared>>) dst(%dma_wait3A_31 : memref<40x128xf32, #tpu.memory_space<hbm>>)
        tpu.yield
      }) : () -> ()
    } else {
    }
    %barrier3A_20 = arith.constant 0 : index
    tpu.barrier barrier_id(%barrier3A_20)
    return
  }
}

#map = affine_map<(d0, d1) -> (0, 0)>
#map1 = affine_map<(d0, d1) -> (0, 0, 0)>
module attributes {stable_mosaic.version = 14 : i64} {
  func.func @prop(%arg0: i32, %arg1: i32, %arg2: memref<10240x128xf32, #tpu.memory_space<hbm>>, %arg3: memref<32x126x80xi32, #tpu.memory_space<hbm>>, %arg4: memref<32x126x80xi32, #tpu.memory_space<hbm>>, %arg5: memref<328x128xf32, #tpu.memory_space<hbm>>, %arg6: memref<2x10240x128xf32, #tpu.memory_space<hbm>>, %arg7: memref<126x80xi32, #tpu.memory_space<vmem>>, %arg8: memref<126x80xi32, #tpu.memory_space<vmem>>, %arg9: memref<80xi32, #tpu.memory_space<vmem>>, %arg10: memref<80xi32, #tpu.memory_space<vmem>>, %arg11: memref<80x128xf32, #tpu.memory_space<vmem>>, %arg12: memref<80x128xf32, #tpu.memory_space<vmem>>, %arg13: memref<5248x128xf32, #tpu.memory_space<vmem_shared>>, %arg14: memref<!tpu.dma_semaphore, #tpu.memory_space<semaphore_mem>>, %arg15: memref<!tpu.dma_semaphore, #tpu.memory_space<semaphore_mem>>) attributes {dimension_semantics = [#tpu.dimension_semantics<core_parallel>, #tpu.dimension_semantics<subcore_parallel>], iteration_bounds = array<i64: 2, 16>, scalar_prefetch = 0 : i64, scratch_operands = 9 : i64, tpu.core_type = #tpu.core_type<sc_vector_subcore>, window_params = [{transform_indices = #map}, {transform_indices = #map1}, {transform_indices = #map1}, {transform_indices = #map}, {transform_indices = #map1}]} {
    %mul3A = arith.constant 16 : i32
    %mul3A_0 = arith.muli %arg0, %mul3A : i32
    %add3A = arith.addi %mul3A_0, %arg1 : i32
    "tpu.region"() ({
      %run_scoped3A = tpu.sem_alloc : memref<!tpu.dma_semaphore, #tpu.memory_space<semaphore_mem>>
      %dma_start3A_47 = arith.constant 0 : i32
      %dma_start3A_48 = arith.constant 0 : i32
      %dma_start3A_49 = tpu.memref_slice %arg3[%add3A, %dma_start3A_47, %dma_start3A_48] : memref<32x126x80xi32, #tpu.memory_space<hbm>> -> memref<1x126x80xi32, #tpu.memory_space<hbm>>
      %dma_start3A_50 = tpu.memref_squeeze %dma_start3A_49 : memref<1x126x80xi32, #tpu.memory_space<hbm>> -> memref<126x80xi32, #tpu.memory_space<hbm>>
      %dma_start3A_51 = arith.constant 0 : i32
      %dma_start3A_52 = arith.constant 0 : i32
      %dma_start3A_53 = tpu.memref_slice %arg3[%add3A, %dma_start3A_51, %dma_start3A_52] : memref<32x126x80xi32, #tpu.memory_space<hbm>> -> memref<1x126x80xi32, #tpu.memory_space<hbm>>
      %dma_start3A_54 = tpu.memref_squeeze %dma_start3A_53 : memref<1x126x80xi32, #tpu.memory_space<hbm>> -> memref<126x80xi32, #tpu.memory_space<hbm>>
      tpu.enqueue_dma source(%dma_start3A_54 : memref<126x80xi32, #tpu.memory_space<hbm>>) target(%arg7 : memref<126x80xi32, #tpu.memory_space<vmem>>) target_semaphore(%run_scoped3A : memref<!tpu.dma_semaphore, #tpu.memory_space<semaphore_mem>>)
      %dma_wait3A = arith.constant 0 : i32
      %dma_wait3A_55 = arith.constant 0 : i32
      %dma_wait3A_56 = tpu.memref_slice %arg3[%add3A, %dma_wait3A, %dma_wait3A_55] : memref<32x126x80xi32, #tpu.memory_space<hbm>> -> memref<1x126x80xi32, #tpu.memory_space<hbm>>
      %dma_wait3A_57 = tpu.memref_squeeze %dma_wait3A_56 : memref<1x126x80xi32, #tpu.memory_space<hbm>> -> memref<126x80xi32, #tpu.memory_space<hbm>>
      %dma_wait3A_58 = arith.constant 0 : i32
      %dma_wait3A_59 = arith.constant 0 : i32
      %dma_wait3A_60 = tpu.memref_slice %arg3[%add3A, %dma_wait3A_58, %dma_wait3A_59] : memref<32x126x80xi32, #tpu.memory_space<hbm>> -> memref<1x126x80xi32, #tpu.memory_space<hbm>>
      %dma_wait3A_61 = tpu.memref_squeeze %dma_wait3A_60 : memref<1x126x80xi32, #tpu.memory_space<hbm>> -> memref<126x80xi32, #tpu.memory_space<hbm>>
      tpu.wait_dma2 semaphore(%run_scoped3A : memref<!tpu.dma_semaphore, #tpu.memory_space<semaphore_mem>>) src(%dma_wait3A_61 : memref<126x80xi32, #tpu.memory_space<hbm>>) dst(%arg7 : memref<126x80xi32, #tpu.memory_space<vmem>>)
      tpu.yield
    }) : () -> ()
    "tpu.region"() ({
      %run_scoped3A = tpu.sem_alloc : memref<!tpu.dma_semaphore, #tpu.memory_space<semaphore_mem>>
      %dma_start3A_47 = arith.constant 0 : i32
      %dma_start3A_48 = arith.constant 0 : i32
      %dma_start3A_49 = tpu.memref_slice %arg4[%add3A, %dma_start3A_47, %dma_start3A_48] : memref<32x126x80xi32, #tpu.memory_space<hbm>> -> memref<1x126x80xi32, #tpu.memory_space<hbm>>
      %dma_start3A_50 = tpu.memref_squeeze %dma_start3A_49 : memref<1x126x80xi32, #tpu.memory_space<hbm>> -> memref<126x80xi32, #tpu.memory_space<hbm>>
      %dma_start3A_51 = arith.constant 0 : i32
      %dma_start3A_52 = arith.constant 0 : i32
      %dma_start3A_53 = tpu.memref_slice %arg4[%add3A, %dma_start3A_51, %dma_start3A_52] : memref<32x126x80xi32, #tpu.memory_space<hbm>> -> memref<1x126x80xi32, #tpu.memory_space<hbm>>
      %dma_start3A_54 = tpu.memref_squeeze %dma_start3A_53 : memref<1x126x80xi32, #tpu.memory_space<hbm>> -> memref<126x80xi32, #tpu.memory_space<hbm>>
      tpu.enqueue_dma source(%dma_start3A_54 : memref<126x80xi32, #tpu.memory_space<hbm>>) target(%arg8 : memref<126x80xi32, #tpu.memory_space<vmem>>) target_semaphore(%run_scoped3A : memref<!tpu.dma_semaphore, #tpu.memory_space<semaphore_mem>>)
      %dma_wait3A = arith.constant 0 : i32
      %dma_wait3A_55 = arith.constant 0 : i32
      %dma_wait3A_56 = tpu.memref_slice %arg4[%add3A, %dma_wait3A, %dma_wait3A_55] : memref<32x126x80xi32, #tpu.memory_space<hbm>> -> memref<1x126x80xi32, #tpu.memory_space<hbm>>
      %dma_wait3A_57 = tpu.memref_squeeze %dma_wait3A_56 : memref<1x126x80xi32, #tpu.memory_space<hbm>> -> memref<126x80xi32, #tpu.memory_space<hbm>>
      %dma_wait3A_58 = arith.constant 0 : i32
      %dma_wait3A_59 = arith.constant 0 : i32
      %dma_wait3A_60 = tpu.memref_slice %arg4[%add3A, %dma_wait3A_58, %dma_wait3A_59] : memref<32x126x80xi32, #tpu.memory_space<hbm>> -> memref<1x126x80xi32, #tpu.memory_space<hbm>>
      %dma_wait3A_61 = tpu.memref_squeeze %dma_wait3A_60 : memref<1x126x80xi32, #tpu.memory_space<hbm>> -> memref<126x80xi32, #tpu.memory_space<hbm>>
      tpu.wait_dma2 semaphore(%run_scoped3A : memref<!tpu.dma_semaphore, #tpu.memory_space<semaphore_mem>>) src(%dma_wait3A_61 : memref<126x80xi32, #tpu.memory_space<hbm>>) dst(%arg8 : memref<126x80xi32, #tpu.memory_space<vmem>>)
      tpu.yield
    }) : () -> ()
    %lt3A = arith.constant 16 : i32
    %lt3A_1 = arith.cmpi slt, %arg1, %lt3A : i32
    %convert_element_type3A = arith.extui %lt3A_1 : i1 to i32
    %cond3A = arith.constant 0 : i32
    %cond3A_2 = arith.cmpi ne, %convert_element_type3A, %cond3A : i32
    scf.if %cond3A_2 {
      %mul3A_47 = arith.constant 328 : i32
      %mul3A_48 = arith.muli %arg1, %mul3A_47 : i32
      "tpu.region"() ({
        %run_scoped3A = tpu.sem_alloc : memref<!tpu.dma_semaphore, #tpu.memory_space<semaphore_mem>>
        %dma_start3A_49 = arith.constant 0 : i32
        %dma_start3A_50 = tpu.memref_slice %arg13[%mul3A_48, %dma_start3A_49] : memref<5248x128xf32, #tpu.memory_space<vmem_shared>> -> memref<328x128xf32, #tpu.memory_space<vmem_shared>>
        tpu.enqueue_dma source(%arg5 : memref<328x128xf32, #tpu.memory_space<hbm>>) target(%dma_start3A_50 : memref<328x128xf32, #tpu.memory_space<vmem_shared>>) target_semaphore(%run_scoped3A : memref<!tpu.dma_semaphore, #tpu.memory_space<semaphore_mem>>)
        %dma_wait3A = arith.constant 0 : i32
        %dma_wait3A_51 = tpu.memref_slice %arg13[%mul3A_48, %dma_wait3A] : memref<5248x128xf32, #tpu.memory_space<vmem_shared>> -> memref<328x128xf32, #tpu.memory_space<vmem_shared>>
        tpu.wait_dma2 semaphore(%run_scoped3A : memref<!tpu.dma_semaphore, #tpu.memory_space<semaphore_mem>>) src(%arg5 : memref<328x128xf32, #tpu.memory_space<hbm>>) dst(%dma_wait3A_51 : memref<328x128xf32, #tpu.memory_space<vmem_shared>>)
        tpu.yield
      }) : () -> ()
    } else {
    }
    %barrier3A = arith.constant 0 : index
    tpu.barrier barrier_id(%barrier3A)
    %dma_start3A = arith.constant 0 : i32
    %dma_start3A_3 = arith.constant 0 : i32
    %dma_start3A_4 = tpu.memref_slice %arg7[%dma_start3A, %dma_start3A_3] : memref<126x80xi32, #tpu.memory_space<vmem>> -> memref<1x80xi32, #tpu.memory_space<vmem>>
    %dma_start3A_5 = tpu.memref_squeeze %dma_start3A_4 : memref<1x80xi32, #tpu.memory_space<vmem>> -> memref<80xi32, #tpu.memory_space<vmem>>
    %dma_start3A_6 = arith.constant 0 : i32
    %dma_start3A_7 = arith.constant 0 : i32
    %dma_start3A_8 = tpu.memref_slice %arg2[%dma_start3A_6, %dma_start3A_7] : memref<10240x128xf32, #tpu.memory_space<hbm>> -> memref<10240x128xf32, #tpu.memory_space<hbm>>
    tpu.enqueue_indirect_dma source(%dma_start3A_8 : memref<10240x128xf32, #tpu.memory_space<hbm>>) target(%arg11 : memref<80x128xf32, #tpu.memory_space<vmem>>) offsets(%dma_start3A_5 : memref<80xi32, #tpu.memory_space<vmem>>) semaphore(%arg14 : memref<!tpu.dma_semaphore, #tpu.memory_space<semaphore_mem>>)
    %scan3A = arith.constant 0 : i32
    %scan3A_9 = arith.constant 0 : i32
    %scan3A_10 = arith.constant 63 : i32
    %scan3A_11 = arith.addi %scan3A_9, %scan3A_10 : i32
    %scan3A_12 = arith.constant 1 : i32
    scf.for %scan3A_47 = %scan3A_9 to %scan3A_11 step %scan3A_12  : i32 {
      %mul3A_48 = arith.constant 2 : i32
      %mul3A_49 = arith.muli %scan3A_47, %mul3A_48 : i32
      %add3A_50 = arith.constant 0 : i32
      %add3A_51 = arith.addi %mul3A_49, %add3A_50 : i32
      %dma_wait3A = arith.constant 0 : i32
      %dma_wait3A_52 = tpu.memref_slice %arg7[%add3A_51, %dma_wait3A] : memref<126x80xi32, #tpu.memory_space<vmem>> -> memref<1x80xi32, #tpu.memory_space<vmem>>
      %dma_wait3A_53 = tpu.memref_squeeze %dma_wait3A_52 : memref<1x80xi32, #tpu.memory_space<vmem>> -> memref<80xi32, #tpu.memory_space<vmem>>
      %dma_wait3A_54 = arith.constant 0 : i32
      %dma_wait3A_55 = arith.constant 0 : i32
      %dma_wait3A_56 = tpu.memref_slice %arg2[%dma_wait3A_54, %dma_wait3A_55] : memref<10240x128xf32, #tpu.memory_space<hbm>> -> memref<10240x128xf32, #tpu.memory_space<hbm>>
      tpu.wait_indirect_dma semaphore(%arg14 : memref<!tpu.dma_semaphore, #tpu.memory_space<semaphore_mem>>) src(%dma_wait3A_56 : memref<10240x128xf32, #tpu.memory_space<hbm>>) dst(%arg11 : memref<80x128xf32, #tpu.memory_space<vmem>>)
      %add3A_57 = arith.constant 1 : i32
      %add3A_58 = arith.addi %add3A_51, %add3A_57 : i32
      %lt3A_59 = arith.constant 126 : i32
      %lt3A_60 = arith.cmpi slt, %add3A_58, %lt3A_59 : i32
      %convert_element_type3A_61 = arith.extui %lt3A_60 : i1 to i32
      %cond3A_62 = arith.constant 0 : i32
      %cond3A_63 = arith.cmpi ne, %convert_element_type3A_61, %cond3A_62 : i32
      scf.if %cond3A_63 {
        %add3A_373 = arith.constant 1 : i32
        %add3A_374 = arith.addi %add3A_51, %add3A_373 : i32
        %dma_start3A_375 = arith.constant 0 : i32
        %dma_start3A_376 = tpu.memref_slice %arg7[%add3A_374, %dma_start3A_375] : memref<126x80xi32, #tpu.memory_space<vmem>> -> memref<1x80xi32, #tpu.memory_space<vmem>>
        %dma_start3A_377 = tpu.memref_squeeze %dma_start3A_376 : memref<1x80xi32, #tpu.memory_space<vmem>> -> memref<80xi32, #tpu.memory_space<vmem>>
        %dma_start3A_378 = arith.constant 0 : i32
        %dma_start3A_379 = arith.constant 0 : i32
        %dma_start3A_380 = tpu.memref_slice %arg2[%dma_start3A_378, %dma_start3A_379] : memref<10240x128xf32, #tpu.memory_space<hbm>> -> memref<10240x128xf32, #tpu.memory_space<hbm>>
        tpu.enqueue_indirect_dma source(%dma_start3A_380 : memref<10240x128xf32, #tpu.memory_space<hbm>>) target(%arg12 : memref<80x128xf32, #tpu.memory_space<vmem>>) offsets(%dma_start3A_377 : memref<80xi32, #tpu.memory_space<vmem>>) semaphore(%arg14 : memref<!tpu.dma_semaphore, #tpu.memory_space<semaphore_mem>>)
      } else {
      }
      %get3A = arith.index_cast %add3A_51 : i32 to index
      %get3A_64 = arith.constant 0 : index
      %get3A_65 = tpu.vector_load %arg8[%get3A, %get3A_64] {strides = array<i32>} : memref<126x80xi32, #tpu.memory_space<vmem>>, vector<1x16xi32>,
      %get3A_66 = vector.shape_cast %get3A_65 : vector<1x16xi32> to vector<16xi32>
      %sub3A = arith.constant 0 : i32
      %sub3A_67 = vector.broadcast %sub3A : i32 to vector<16xi32>
      %sub3A_68 = arith.subi %get3A_66, %sub3A_67 : vector<16xi32>
      %ge3A = arith.constant 0 : i32
      %ge3A_69 = vector.broadcast %ge3A : i32 to vector<16xi32>
      %ge3A_70 = arith.cmpi sge, %sub3A_68, %ge3A_69 : vector<16xi32>
      %lt3A_71 = arith.constant 5120 : i32
      %lt3A_72 = vector.broadcast %lt3A_71 : i32 to vector<16xi32>
      %lt3A_73 = arith.cmpi slt, %sub3A_68, %lt3A_72 : vector<16xi32>
      %and3A = arith.andi %ge3A_70, %lt3A_73 : vector<16xi1>
      %mul3A_74 = arith.constant 5 : i32
      %mul3A_75 = arith.muli %add3A_51, %mul3A_74 : i32
      %add3A_76 = arith.constant 0 : i32
      %add3A_77 = arith.addi %mul3A_75, %add3A_76 : i32
      %and3A_78 = arith.constant 15 : i32
      %and3A_79 = arith.andi %add3A_77, %and3A_78 : i32
      %shift_left3A = arith.constant 3 : i32
      %shift_left3A_80 = arith.shli %and3A_79, %shift_left3A : i32
      %add3A_81 = arith.constant 5120 : i32
      %add3A_82 = arith.addi %add3A_81, %shift_left3A_80 : i32
      %broadcast_in_dim3A = vector.broadcast %add3A_82 : i32 to vector<16xi32>
      %select_n3A = arith.select %and3A, %sub3A_68, %broadcast_in_dim3A : vector<16xi1>, vector<16xi32>
      %swap3A = arith.constant 0 : index
      %swap3A_83 = tpu.vector_load %arg9[%swap3A] {strides = array<i32>} : memref<80xi32, #tpu.memory_space<vmem>>, vector<16xi32>,
      %swap3A_84 = vector.shape_cast %swap3A_83 : vector<16xi32> to vector<16xi32>
      %swap3A_85 = vector.shape_cast %select_n3A : vector<16xi32> to vector<16xi32>
      tpu.vector_store %arg9[%swap3A], %swap3A_85 {strides = array<i32>} : memref<80xi32, #tpu.memory_space<vmem>>, vector<16xi32>,
      %get3A_86 = arith.index_cast %add3A_51 : i32 to index
      %get3A_87 = arith.constant 16 : index
      %get3A_88 = tpu.vector_load %arg8[%get3A_86, %get3A_87] {strides = array<i32>} : memref<126x80xi32, #tpu.memory_space<vmem>>, vector<1x16xi32>,
      %get3A_89 = vector.shape_cast %get3A_88 : vector<1x16xi32> to vector<16xi32>
      %sub3A_90 = arith.constant 0 : i32
      %sub3A_91 = vector.broadcast %sub3A_90 : i32 to vector<16xi32>
      %sub3A_92 = arith.subi %get3A_89, %sub3A_91 : vector<16xi32>
      %ge3A_93 = arith.constant 0 : i32
      %ge3A_94 = vector.broadcast %ge3A_93 : i32 to vector<16xi32>
      %ge3A_95 = arith.cmpi sge, %sub3A_92, %ge3A_94 : vector<16xi32>
      %lt3A_96 = arith.constant 5120 : i32
      %lt3A_97 = vector.broadcast %lt3A_96 : i32 to vector<16xi32>
      %lt3A_98 = arith.cmpi slt, %sub3A_92, %lt3A_97 : vector<16xi32>
      %and3A_99 = arith.andi %ge3A_95, %lt3A_98 : vector<16xi1>
      %mul3A_100 = arith.constant 5 : i32
      %mul3A_101 = arith.muli %add3A_51, %mul3A_100 : i32
      %add3A_102 = arith.constant 1 : i32
      %add3A_103 = arith.addi %mul3A_101, %add3A_102 : i32
      %and3A_104 = arith.constant 15 : i32
      %and3A_105 = arith.andi %add3A_103, %and3A_104 : i32
      %shift_left3A_106 = arith.constant 3 : i32
      %shift_left3A_107 = arith.shli %and3A_105, %shift_left3A_106 : i32
      %add3A_108 = arith.constant 5120 : i32
      %add3A_109 = arith.addi %add3A_108, %shift_left3A_107 : i32
      %broadcast_in_dim3A_110 = vector.broadcast %add3A_109 : i32 to vector<16xi32>
      %select_n3A_111 = arith.select %and3A_99, %sub3A_92, %broadcast_in_dim3A_110 : vector<16xi1>, vector<16xi32>
      %swap3A_112 = arith.constant 16 : index
      %swap3A_113 = tpu.vector_load %arg9[%swap3A_112] {strides = array<i32>} : memref<80xi32, #tpu.memory_space<vmem>>, vector<16xi32>,
      %swap3A_114 = vector.shape_cast %swap3A_113 : vector<16xi32> to vector<16xi32>
      %swap3A_115 = vector.shape_cast %select_n3A_111 : vector<16xi32> to vector<16xi32>
      tpu.vector_store %arg9[%swap3A_112], %swap3A_115 {strides = array<i32>} : memref<80xi32, #tpu.memory_space<vmem>>, vector<16xi32>,
      %get3A_116 = arith.index_cast %add3A_51 : i32 to index
      %get3A_117 = arith.constant 32 : index
      %get3A_118 = tpu.vector_load %arg8[%get3A_116, %get3A_117] {strides = array<i32>} : memref<126x80xi32, #tpu.memory_space<vmem>>, vector<1x16xi32>,
      %get3A_119 = vector.shape_cast %get3A_118 : vector<1x16xi32> to vector<16xi32>
      %sub3A_120 = arith.constant 0 : i32
      %sub3A_121 = vector.broadcast %sub3A_120 : i32 to vector<16xi32>
      %sub3A_122 = arith.subi %get3A_119, %sub3A_121 : vector<16xi32>
      %ge3A_123 = arith.constant 0 : i32
      %ge3A_124 = vector.broadcast %ge3A_123 : i32 to vector<16xi32>
      %ge3A_125 = arith.cmpi sge, %sub3A_122, %ge3A_124 : vector<16xi32>
      %lt3A_126 = arith.constant 5120 : i32
      %lt3A_127 = vector.broadcast %lt3A_126 : i32 to vector<16xi32>
      %lt3A_128 = arith.cmpi slt, %sub3A_122, %lt3A_127 : vector<16xi32>
      %and3A_129 = arith.andi %ge3A_125, %lt3A_128 : vector<16xi1>
      %mul3A_130 = arith.constant 5 : i32
      %mul3A_131 = arith.muli %add3A_51, %mul3A_130 : i32
      %add3A_132 = arith.constant 2 : i32
      %add3A_133 = arith.addi %mul3A_131, %add3A_132 : i32
      %and3A_134 = arith.constant 15 : i32
      %and3A_135 = arith.andi %add3A_133, %and3A_134 : i32
      %shift_left3A_136 = arith.constant 3 : i32
      %shift_left3A_137 = arith.shli %and3A_135, %shift_left3A_136 : i32
      %add3A_138 = arith.constant 5120 : i32
      %add3A_139 = arith.addi %add3A_138, %shift_left3A_137 : i32
      %broadcast_in_dim3A_140 = vector.broadcast %add3A_139 : i32 to vector<16xi32>
      %select_n3A_141 = arith.select %and3A_129, %sub3A_122, %broadcast_in_dim3A_140 : vector<16xi1>, vector<16xi32>
      %swap3A_142 = arith.constant 32 : index
      %swap3A_143 = tpu.vector_load %arg9[%swap3A_142] {strides = array<i32>} : memref<80xi32, #tpu.memory_space<vmem>>, vector<16xi32>,
      %swap3A_144 = vector.shape_cast %swap3A_143 : vector<16xi32> to vector<16xi32>
      %swap3A_145 = vector.shape_cast %select_n3A_141 : vector<16xi32> to vector<16xi32>
      tpu.vector_store %arg9[%swap3A_142], %swap3A_145 {strides = array<i32>} : memref<80xi32, #tpu.memory_space<vmem>>, vector<16xi32>,
      %get3A_146 = arith.index_cast %add3A_51 : i32 to index
      %get3A_147 = arith.constant 48 : index
      %get3A_148 = tpu.vector_load %arg8[%get3A_146, %get3A_147] {strides = array<i32>} : memref<126x80xi32, #tpu.memory_space<vmem>>, vector<1x16xi32>,
      %get3A_149 = vector.shape_cast %get3A_148 : vector<1x16xi32> to vector<16xi32>
      %sub3A_150 = arith.constant 0 : i32
      %sub3A_151 = vector.broadcast %sub3A_150 : i32 to vector<16xi32>
      %sub3A_152 = arith.subi %get3A_149, %sub3A_151 : vector<16xi32>
      %ge3A_153 = arith.constant 0 : i32
      %ge3A_154 = vector.broadcast %ge3A_153 : i32 to vector<16xi32>
      %ge3A_155 = arith.cmpi sge, %sub3A_152, %ge3A_154 : vector<16xi32>
      %lt3A_156 = arith.constant 5120 : i32
      %lt3A_157 = vector.broadcast %lt3A_156 : i32 to vector<16xi32>
      %lt3A_158 = arith.cmpi slt, %sub3A_152, %lt3A_157 : vector<16xi32>
      %and3A_159 = arith.andi %ge3A_155, %lt3A_158 : vector<16xi1>
      %mul3A_160 = arith.constant 5 : i32
      %mul3A_161 = arith.muli %add3A_51, %mul3A_160 : i32
      %add3A_162 = arith.constant 3 : i32
      %add3A_163 = arith.addi %mul3A_161, %add3A_162 : i32
      %and3A_164 = arith.constant 15 : i32
      %and3A_165 = arith.andi %add3A_163, %and3A_164 : i32
      %shift_left3A_166 = arith.constant 3 : i32
      %shift_left3A_167 = arith.shli %and3A_165, %shift_left3A_166 : i32
      %add3A_168 = arith.constant 5120 : i32
      %add3A_169 = arith.addi %add3A_168, %shift_left3A_167 : i32
      %broadcast_in_dim3A_170 = vector.broadcast %add3A_169 : i32 to vector<16xi32>
      %select_n3A_171 = arith.select %and3A_159, %sub3A_152, %broadcast_in_dim3A_170 : vector<16xi1>, vector<16xi32>
      %swap3A_172 = arith.constant 48 : index
      %swap3A_173 = tpu.vector_load %arg9[%swap3A_172] {strides = array<i32>} : memref<80xi32, #tpu.memory_space<vmem>>, vector<16xi32>,
      %swap3A_174 = vector.shape_cast %swap3A_173 : vector<16xi32> to vector<16xi32>
      %swap3A_175 = vector.shape_cast %select_n3A_171 : vector<16xi32> to vector<16xi32>
      tpu.vector_store %arg9[%swap3A_172], %swap3A_175 {strides = array<i32>} : memref<80xi32, #tpu.memory_space<vmem>>, vector<16xi32>,
      %get3A_176 = arith.index_cast %add3A_51 : i32 to index
      %get3A_177 = arith.constant 64 : index
      %get3A_178 = tpu.vector_load %arg8[%get3A_176, %get3A_177] {strides = array<i32>} : memref<126x80xi32, #tpu.memory_space<vmem>>, vector<1x16xi32>,
      %get3A_179 = vector.shape_cast %get3A_178 : vector<1x16xi32> to vector<16xi32>
      %sub3A_180 = arith.constant 0 : i32
      %sub3A_181 = vector.broadcast %sub3A_180 : i32 to vector<16xi32>
      %sub3A_182 = arith.subi %get3A_179, %sub3A_181 : vector<16xi32>
      %ge3A_183 = arith.constant 0 : i32
      %ge3A_184 = vector.broadcast %ge3A_183 : i32 to vector<16xi32>
      %ge3A_185 = arith.cmpi sge, %sub3A_182, %ge3A_184 : vector<16xi32>
      %lt3A_186 = arith.constant 5120 : i32
      %lt3A_187 = vector.broadcast %lt3A_186 : i32 to vector<16xi32>
      %lt3A_188 = arith.cmpi slt, %sub3A_182, %lt3A_187 : vector<16xi32>
      %and3A_189 = arith.andi %ge3A_185, %lt3A_188 : vector<16xi1>
      %mul3A_190 = arith.constant 5 : i32
      %mul3A_191 = arith.muli %add3A_51, %mul3A_190 : i32
      %add3A_192 = arith.constant 4 : i32
      %add3A_193 = arith.addi %mul3A_191, %add3A_192 : i32
      %and3A_194 = arith.constant 15 : i32
      %and3A_195 = arith.andi %add3A_193, %and3A_194 : i32
      %shift_left3A_196 = arith.constant 3 : i32
      %shift_left3A_197 = arith.shli %and3A_195, %shift_left3A_196 : i32
      %add3A_198 = arith.constant 5120 : i32
      %add3A_199 = arith.addi %add3A_198, %shift_left3A_197 : i32
      %broadcast_in_dim3A_200 = vector.broadcast %add3A_199 : i32 to vector<16xi32>
      %select_n3A_201 = arith.select %and3A_189, %sub3A_182, %broadcast_in_dim3A_200 : vector<16xi1>, vector<16xi32>
      %swap3A_202 = arith.constant 64 : index
      %swap3A_203 = tpu.vector_load %arg9[%swap3A_202] {strides = array<i32>} : memref<80xi32, #tpu.memory_space<vmem>>, vector<16xi32>,
      %swap3A_204 = vector.shape_cast %swap3A_203 : vector<16xi32> to vector<16xi32>
      %swap3A_205 = vector.shape_cast %select_n3A_201 : vector<16xi32> to vector<16xi32>
      tpu.vector_store %arg9[%swap3A_202], %swap3A_205 {strides = array<i32>} : memref<80xi32, #tpu.memory_space<vmem>>, vector<16xi32>,
      "tpu.region"() ({
        %run_scoped3A = tpu.sem_alloc : memref<!tpu.dma_semaphore, #tpu.memory_space<semaphore_mem>>
        %dma_start3A_373 = arith.constant 0 : i32
        %dma_start3A_374 = arith.constant 0 : i32
        %dma_start3A_375 = tpu.memref_slice %arg13[%dma_start3A_373, %dma_start3A_374] : memref<5248x128xf32, #tpu.memory_space<vmem_shared>> -> memref<5248x128xf32, #tpu.memory_space<vmem_shared>>
        tpu.enqueue_indirect_dma source(%arg11 : memref<80x128xf32, #tpu.memory_space<vmem>>) target(%dma_start3A_375 : memref<5248x128xf32, #tpu.memory_space<vmem_shared>>) offsets(%arg9 : memref<80xi32, #tpu.memory_space<vmem>>) semaphore(%run_scoped3A : memref<!tpu.dma_semaphore, #tpu.memory_space<semaphore_mem>>) {add = true}
        %dma_wait3A_376 = arith.constant 0 : i32
        %dma_wait3A_377 = arith.constant 0 : i32
        %dma_wait3A_378 = tpu.memref_slice %arg13[%dma_wait3A_376, %dma_wait3A_377] : memref<5248x128xf32, #tpu.memory_space<vmem_shared>> -> memref<5248x128xf32, #tpu.memory_space<vmem_shared>>
        tpu.wait_indirect_dma semaphore(%run_scoped3A : memref<!tpu.dma_semaphore, #tpu.memory_space<semaphore_mem>>) src(%arg11 : memref<80x128xf32, #tpu.memory_space<vmem>>) dst(%dma_wait3A_378 : memref<5248x128xf32, #tpu.memory_space<vmem_shared>>)
        tpu.yield
      }) : () -> ()
      %mul3A_206 = arith.constant 2 : i32
      %mul3A_207 = arith.muli %scan3A_47, %mul3A_206 : i32
      %add3A_208 = arith.constant 1 : i32
      %add3A_209 = arith.addi %mul3A_207, %add3A_208 : i32
      %dma_wait3A_210 = arith.constant 0 : i32
      %dma_wait3A_211 = tpu.memref_slice %arg7[%add3A_209, %dma_wait3A_210] : memref<126x80xi32, #tpu.memory_space<vmem>> -> memref<1x80xi32, #tpu.memory_space<vmem>>
      %dma_wait3A_212 = tpu.memref_squeeze %dma_wait3A_211 : memref<1x80xi32, #tpu.memory_space<vmem>> -> memref<80xi32, #tpu.memory_space<vmem>>
      %dma_wait3A_213 = arith.constant 0 : i32
      %dma_wait3A_214 = arith.constant 0 : i32
      %dma_wait3A_215 = tpu.memref_slice %arg2[%dma_wait3A_213, %dma_wait3A_214] : memref<10240x128xf32, #tpu.memory_space<hbm>> -> memref<10240x128xf32, #tpu.memory_space<hbm>>
      tpu.wait_indirect_dma semaphore(%arg14 : memref<!tpu.dma_semaphore, #tpu.memory_space<semaphore_mem>>) src(%dma_wait3A_215 : memref<10240x128xf32, #tpu.memory_space<hbm>>) dst(%arg12 : memref<80x128xf32, #tpu.memory_space<vmem>>)
      %add3A_216 = arith.constant 1 : i32
      %add3A_217 = arith.addi %add3A_209, %add3A_216 : i32
      %lt3A_218 = arith.constant 126 : i32
      %lt3A_219 = arith.cmpi slt, %add3A_217, %lt3A_218 : i32
      %convert_element_type3A_220 = arith.extui %lt3A_219 : i1 to i32
      %cond3A_221 = arith.constant 0 : i32
      %cond3A_222 = arith.cmpi ne, %convert_element_type3A_220, %cond3A_221 : i32
      scf.if %cond3A_222 {
        %add3A_373 = arith.constant 1 : i32
        %add3A_374 = arith.addi %add3A_209, %add3A_373 : i32
        %dma_start3A_375 = arith.constant 0 : i32
        %dma_start3A_376 = tpu.memref_slice %arg7[%add3A_374, %dma_start3A_375] : memref<126x80xi32, #tpu.memory_space<vmem>> -> memref<1x80xi32, #tpu.memory_space<vmem>>
        %dma_start3A_377 = tpu.memref_squeeze %dma_start3A_376 : memref<1x80xi32, #tpu.memory_space<vmem>> -> memref<80xi32, #tpu.memory_space<vmem>>
        %dma_start3A_378 = arith.constant 0 : i32
        %dma_start3A_379 = arith.constant 0 : i32
        %dma_start3A_380 = tpu.memref_slice %arg2[%dma_start3A_378, %dma_start3A_379] : memref<10240x128xf32, #tpu.memory_space<hbm>> -> memref<10240x128xf32, #tpu.memory_space<hbm>>
        tpu.enqueue_indirect_dma source(%dma_start3A_380 : memref<10240x128xf32, #tpu.memory_space<hbm>>) target(%arg11 : memref<80x128xf32, #tpu.memory_space<vmem>>) offsets(%dma_start3A_377 : memref<80xi32, #tpu.memory_space<vmem>>) semaphore(%arg14 : memref<!tpu.dma_semaphore, #tpu.memory_space<semaphore_mem>>)
      } else {
      }
      %get3A_223 = arith.index_cast %add3A_209 : i32 to index
      %get3A_224 = arith.constant 0 : index
      %get3A_225 = tpu.vector_load %arg8[%get3A_223, %get3A_224] {strides = array<i32>} : memref<126x80xi32, #tpu.memory_space<vmem>>, vector<1x16xi32>,
      %get3A_226 = vector.shape_cast %get3A_225 : vector<1x16xi32> to vector<16xi32>
      %sub3A_227 = arith.constant 0 : i32
      %sub3A_228 = vector.broadcast %sub3A_227 : i32 to vector<16xi32>
      %sub3A_229 = arith.subi %get3A_226, %sub3A_228 : vector<16xi32>
      %ge3A_230 = arith.constant 0 : i32
      %ge3A_231 = vector.broadcast %ge3A_230 : i32 to vector<16xi32>
      %ge3A_232 = arith.cmpi sge, %sub3A_229, %ge3A_231 : vector<16xi32>
      %lt3A_233 = arith.constant 5120 : i32
      %lt3A_234 = vector.broadcast %lt3A_233 : i32 to vector<16xi32>
      %lt3A_235 = arith.cmpi slt, %sub3A_229, %lt3A_234 : vector<16xi32>
      %and3A_236 = arith.andi %ge3A_232, %lt3A_235 : vector<16xi1>
      %mul3A_237 = arith.constant 5 : i32
      %mul3A_238 = arith.muli %add3A_209, %mul3A_237 : i32
      %add3A_239 = arith.constant 0 : i32
      %add3A_240 = arith.addi %mul3A_238, %add3A_239 : i32
      %and3A_241 = arith.constant 15 : i32
      %and3A_242 = arith.andi %add3A_240, %and3A_241 : i32
      %shift_left3A_243 = arith.constant 3 : i32
      %shift_left3A_244 = arith.shli %and3A_242, %shift_left3A_243 : i32
      %add3A_245 = arith.constant 5120 : i32
      %add3A_246 = arith.addi %add3A_245, %shift_left3A_244 : i32
      %broadcast_in_dim3A_247 = vector.broadcast %add3A_246 : i32 to vector<16xi32>
      %select_n3A_248 = arith.select %and3A_236, %sub3A_229, %broadcast_in_dim3A_247 : vector<16xi1>, vector<16xi32>
      %swap3A_249 = arith.constant 0 : index
      %swap3A_250 = tpu.vector_load %arg10[%swap3A_249] {strides = array<i32>} : memref<80xi32, #tpu.memory_space<vmem>>, vector<16xi32>,
      %swap3A_251 = vector.shape_cast %swap3A_250 : vector<16xi32> to vector<16xi32>
      %swap3A_252 = vector.shape_cast %select_n3A_248 : vector<16xi32> to vector<16xi32>
      tpu.vector_store %arg10[%swap3A_249], %swap3A_252 {strides = array<i32>} : memref<80xi32, #tpu.memory_space<vmem>>, vector<16xi32>,
      %get3A_253 = arith.index_cast %add3A_209 : i32 to index
      %get3A_254 = arith.constant 16 : index
      %get3A_255 = tpu.vector_load %arg8[%get3A_253, %get3A_254] {strides = array<i32>} : memref<126x80xi32, #tpu.memory_space<vmem>>, vector<1x16xi32>,
      %get3A_256 = vector.shape_cast %get3A_255 : vector<1x16xi32> to vector<16xi32>
      %sub3A_257 = arith.constant 0 : i32
      %sub3A_258 = vector.broadcast %sub3A_257 : i32 to vector<16xi32>
      %sub3A_259 = arith.subi %get3A_256, %sub3A_258 : vector<16xi32>
      %ge3A_260 = arith.constant 0 : i32
      %ge3A_261 = vector.broadcast %ge3A_260 : i32 to vector<16xi32>
      %ge3A_262 = arith.cmpi sge, %sub3A_259, %ge3A_261 : vector<16xi32>
      %lt3A_263 = arith.constant 5120 : i32
      %lt3A_264 = vector.broadcast %lt3A_263 : i32 to vector<16xi32>
      %lt3A_265 = arith.cmpi slt, %sub3A_259, %lt3A_264 : vector<16xi32>
      %and3A_266 = arith.andi %ge3A_262, %lt3A_265 : vector<16xi1>
      %mul3A_267 = arith.constant 5 : i32
      %mul3A_268 = arith.muli %add3A_209, %mul3A_267 : i32
      %add3A_269 = arith.constant 1 : i32
      %add3A_270 = arith.addi %mul3A_268, %add3A_269 : i32
      %and3A_271 = arith.constant 15 : i32
      %and3A_272 = arith.andi %add3A_270, %and3A_271 : i32
      %shift_left3A_273 = arith.constant 3 : i32
      %shift_left3A_274 = arith.shli %and3A_272, %shift_left3A_273 : i32
      %add3A_275 = arith.constant 5120 : i32
      %add3A_276 = arith.addi %add3A_275, %shift_left3A_274 : i32
      %broadcast_in_dim3A_277 = vector.broadcast %add3A_276 : i32 to vector<16xi32>
      %select_n3A_278 = arith.select %and3A_266, %sub3A_259, %broadcast_in_dim3A_277 : vector<16xi1>, vector<16xi32>
      %swap3A_279 = arith.constant 16 : index
      %swap3A_280 = tpu.vector_load %arg10[%swap3A_279] {strides = array<i32>} : memref<80xi32, #tpu.memory_space<vmem>>, vector<16xi32>,
      %swap3A_281 = vector.shape_cast %swap3A_280 : vector<16xi32> to vector<16xi32>
      %swap3A_282 = vector.shape_cast %select_n3A_278 : vector<16xi32> to vector<16xi32>
      tpu.vector_store %arg10[%swap3A_279], %swap3A_282 {strides = array<i32>} : memref<80xi32, #tpu.memory_space<vmem>>, vector<16xi32>,
      %get3A_283 = arith.index_cast %add3A_209 : i32 to index
      %get3A_284 = arith.constant 32 : index
      %get3A_285 = tpu.vector_load %arg8[%get3A_283, %get3A_284] {strides = array<i32>} : memref<126x80xi32, #tpu.memory_space<vmem>>, vector<1x16xi32>,
      %get3A_286 = vector.shape_cast %get3A_285 : vector<1x16xi32> to vector<16xi32>
      %sub3A_287 = arith.constant 0 : i32
      %sub3A_288 = vector.broadcast %sub3A_287 : i32 to vector<16xi32>
      %sub3A_289 = arith.subi %get3A_286, %sub3A_288 : vector<16xi32>
      %ge3A_290 = arith.constant 0 : i32
      %ge3A_291 = vector.broadcast %ge3A_290 : i32 to vector<16xi32>
      %ge3A_292 = arith.cmpi sge, %sub3A_289, %ge3A_291 : vector<16xi32>
      %lt3A_293 = arith.constant 5120 : i32
      %lt3A_294 = vector.broadcast %lt3A_293 : i32 to vector<16xi32>
      %lt3A_295 = arith.cmpi slt, %sub3A_289, %lt3A_294 : vector<16xi32>
      %and3A_296 = arith.andi %ge3A_292, %lt3A_295 : vector<16xi1>
      %mul3A_297 = arith.constant 5 : i32
      %mul3A_298 = arith.muli %add3A_209, %mul3A_297 : i32
      %add3A_299 = arith.constant 2 : i32
      %add3A_300 = arith.addi %mul3A_298, %add3A_299 : i32
      %and3A_301 = arith.constant 15 : i32
      %and3A_302 = arith.andi %add3A_300, %and3A_301 : i32
      %shift_left3A_303 = arith.constant 3 : i32
      %shift_left3A_304 = arith.shli %and3A_302, %shift_left3A_303 : i32
      %add3A_305 = arith.constant 5120 : i32
      %add3A_306 = arith.addi %add3A_305, %shift_left3A_304 : i32
      %broadcast_in_dim3A_307 = vector.broadcast %add3A_306 : i32 to vector<16xi32>
      %select_n3A_308 = arith.select %and3A_296, %sub3A_289, %broadcast_in_dim3A_307 : vector<16xi1>, vector<16xi32>
      %swap3A_309 = arith.constant 32 : index
      %swap3A_310 = tpu.vector_load %arg10[%swap3A_309] {strides = array<i32>} : memref<80xi32, #tpu.memory_space<vmem>>, vector<16xi32>,
      %swap3A_311 = vector.shape_cast %swap3A_310 : vector<16xi32> to vector<16xi32>
      %swap3A_312 = vector.shape_cast %select_n3A_308 : vector<16xi32> to vector<16xi32>
      tpu.vector_store %arg10[%swap3A_309], %swap3A_312 {strides = array<i32>} : memref<80xi32, #tpu.memory_space<vmem>>, vector<16xi32>,
      %get3A_313 = arith.index_cast %add3A_209 : i32 to index
      %get3A_314 = arith.constant 48 : index
      %get3A_315 = tpu.vector_load %arg8[%get3A_313, %get3A_314] {strides = array<i32>} : memref<126x80xi32, #tpu.memory_space<vmem>>, vector<1x16xi32>,
      %get3A_316 = vector.shape_cast %get3A_315 : vector<1x16xi32> to vector<16xi32>
      %sub3A_317 = arith.constant 0 : i32
      %sub3A_318 = vector.broadcast %sub3A_317 : i32 to vector<16xi32>
      %sub3A_319 = arith.subi %get3A_316, %sub3A_318 : vector<16xi32>
      %ge3A_320 = arith.constant 0 : i32
      %ge3A_321 = vector.broadcast %ge3A_320 : i32 to vector<16xi32>
      %ge3A_322 = arith.cmpi sge, %sub3A_319, %ge3A_321 : vector<16xi32>
      %lt3A_323 = arith.constant 5120 : i32
      %lt3A_324 = vector.broadcast %lt3A_323 : i32 to vector<16xi32>
      %lt3A_325 = arith.cmpi slt, %sub3A_319, %lt3A_324 : vector<16xi32>
      %and3A_326 = arith.andi %ge3A_322, %lt3A_325 : vector<16xi1>
      %mul3A_327 = arith.constant 5 : i32
      %mul3A_328 = arith.muli %add3A_209, %mul3A_327 : i32
      %add3A_329 = arith.constant 3 : i32
      %add3A_330 = arith.addi %mul3A_328, %add3A_329 : i32
      %and3A_331 = arith.constant 15 : i32
      %and3A_332 = arith.andi %add3A_330, %and3A_331 : i32
      %shift_left3A_333 = arith.constant 3 : i32
      %shift_left3A_334 = arith.shli %and3A_332, %shift_left3A_333 : i32
      %add3A_335 = arith.constant 5120 : i32
      %add3A_336 = arith.addi %add3A_335, %shift_left3A_334 : i32
      %broadcast_in_dim3A_337 = vector.broadcast %add3A_336 : i32 to vector<16xi32>
      %select_n3A_338 = arith.select %and3A_326, %sub3A_319, %broadcast_in_dim3A_337 : vector<16xi1>, vector<16xi32>
      %swap3A_339 = arith.constant 48 : index
      %swap3A_340 = tpu.vector_load %arg10[%swap3A_339] {strides = array<i32>} : memref<80xi32, #tpu.memory_space<vmem>>, vector<16xi32>,
      %swap3A_341 = vector.shape_cast %swap3A_340 : vector<16xi32> to vector<16xi32>
      %swap3A_342 = vector.shape_cast %select_n3A_338 : vector<16xi32> to vector<16xi32>
      tpu.vector_store %arg10[%swap3A_339], %swap3A_342 {strides = array<i32>} : memref<80xi32, #tpu.memory_space<vmem>>, vector<16xi32>,
      %get3A_343 = arith.index_cast %add3A_209 : i32 to index
      %get3A_344 = arith.constant 64 : index
      %get3A_345 = tpu.vector_load %arg8[%get3A_343, %get3A_344] {strides = array<i32>} : memref<126x80xi32, #tpu.memory_space<vmem>>, vector<1x16xi32>,
      %get3A_346 = vector.shape_cast %get3A_345 : vector<1x16xi32> to vector<16xi32>
      %sub3A_347 = arith.constant 0 : i32
      %sub3A_348 = vector.broadcast %sub3A_347 : i32 to vector<16xi32>
      %sub3A_349 = arith.subi %get3A_346, %sub3A_348 : vector<16xi32>
      %ge3A_350 = arith.constant 0 : i32
      %ge3A_351 = vector.broadcast %ge3A_350 : i32 to vector<16xi32>
      %ge3A_352 = arith.cmpi sge, %sub3A_349, %ge3A_351 : vector<16xi32>
      %lt3A_353 = arith.constant 5120 : i32
      %lt3A_354 = vector.broadcast %lt3A_353 : i32 to vector<16xi32>
      %lt3A_355 = arith.cmpi slt, %sub3A_349, %lt3A_354 : vector<16xi32>
      %and3A_356 = arith.andi %ge3A_352, %lt3A_355 : vector<16xi1>
      %mul3A_357 = arith.constant 5 : i32
      %mul3A_358 = arith.muli %add3A_209, %mul3A_357 : i32
      %add3A_359 = arith.constant 4 : i32
      %add3A_360 = arith.addi %mul3A_358, %add3A_359 : i32
      %and3A_361 = arith.constant 15 : i32
      %and3A_362 = arith.andi %add3A_360, %and3A_361 : i32
      %shift_left3A_363 = arith.constant 3 : i32
      %shift_left3A_364 = arith.shli %and3A_362, %shift_left3A_363 : i32
      %add3A_365 = arith.constant 5120 : i32
      %add3A_366 = arith.addi %add3A_365, %shift_left3A_364 : i32
      %broadcast_in_dim3A_367 = vector.broadcast %add3A_366 : i32 to vector<16xi32>
      %select_n3A_368 = arith.select %and3A_356, %sub3A_349, %broadcast_in_dim3A_367 : vector<16xi1>, vector<16xi32>
      %swap3A_369 = arith.constant 64 : index
      %swap3A_370 = tpu.vector_load %arg10[%swap3A_369] {strides = array<i32>} : memref<80xi32, #tpu.memory_space<vmem>>, vector<16xi32>,
      %swap3A_371 = vector.shape_cast %swap3A_370 : vector<16xi32> to vector<16xi32>
      %swap3A_372 = vector.shape_cast %select_n3A_368 : vector<16xi32> to vector<16xi32>
      tpu.vector_store %arg10[%swap3A_369], %swap3A_372 {strides = array<i32>} : memref<80xi32, #tpu.memory_space<vmem>>, vector<16xi32>,
      "tpu.region"() ({
        %run_scoped3A = tpu.sem_alloc : memref<!tpu.dma_semaphore, #tpu.memory_space<semaphore_mem>>
        %dma_start3A_373 = arith.constant 0 : i32
        %dma_start3A_374 = arith.constant 0 : i32
        %dma_start3A_375 = tpu.memref_slice %arg13[%dma_start3A_373, %dma_start3A_374] : memref<5248x128xf32, #tpu.memory_space<vmem_shared>> -> memref<5248x128xf32, #tpu.memory_space<vmem_shared>>
        tpu.enqueue_indirect_dma source(%arg12 : memref<80x128xf32, #tpu.memory_space<vmem>>) target(%dma_start3A_375 : memref<5248x128xf32, #tpu.memory_space<vmem_shared>>) offsets(%arg10 : memref<80xi32, #tpu.memory_space<vmem>>) semaphore(%run_scoped3A : memref<!tpu.dma_semaphore, #tpu.memory_space<semaphore_mem>>) {add = true}
        %dma_wait3A_376 = arith.constant 0 : i32
        %dma_wait3A_377 = arith.constant 0 : i32
        %dma_wait3A_378 = tpu.memref_slice %arg13[%dma_wait3A_376, %dma_wait3A_377] : memref<5248x128xf32, #tpu.memory_space<vmem_shared>> -> memref<5248x128xf32, #tpu.memory_space<vmem_shared>>
        tpu.wait_indirect_dma semaphore(%run_scoped3A : memref<!tpu.dma_semaphore, #tpu.memory_space<semaphore_mem>>) src(%arg12 : memref<80x128xf32, #tpu.memory_space<vmem>>) dst(%dma_wait3A_378 : memref<5248x128xf32, #tpu.memory_space<vmem_shared>>)
        tpu.yield
      }) : () -> ()
    }
    %scan3A_13 = arith.constant 63 : i32
    %barrier3A_14 = arith.constant 0 : index
    tpu.barrier barrier_id(%barrier3A_14)
    %lt3A_15 = arith.constant 16 : i32
    %lt3A_16 = arith.cmpi slt, %arg1, %lt3A_15 : i32
    %convert_element_type3A_17 = arith.extui %lt3A_16 : i1 to i32
    %cond3A_18 = arith.constant 0 : i32
    %cond3A_19 = arith.cmpi ne, %convert_element_type3A_17, %cond3A_18 : i32
    scf.if %cond3A_19 {
      %mul3A_47 = arith.constant 320 : i32
      %mul3A_48 = arith.muli %arg1, %mul3A_47 : i32
      %add3A_49 = arith.constant 0 : i32
      %add3A_50 = arith.addi %add3A_49, %mul3A_48 : i32
      "tpu.region"() ({
        %run_scoped3A = tpu.sem_alloc : memref<!tpu.dma_semaphore, #tpu.memory_space<semaphore_mem>>
        %dma_start3A_51 = arith.constant 0 : i32
        %dma_start3A_52 = tpu.memref_slice %arg6[%arg0, %add3A_50, %dma_start3A_51] : memref<2x10240x128xf32, #tpu.memory_space<hbm>> -> memref<1x320x128xf32, #tpu.memory_space<hbm>>
        %dma_start3A_53 = tpu.memref_squeeze %dma_start3A_52 : memref<1x320x128xf32, #tpu.memory_space<hbm>> -> memref<320x128xf32, #tpu.memory_space<hbm>>
        %dma_start3A_54 = arith.constant 0 : i32
        %dma_start3A_55 = tpu.memref_slice %arg13[%mul3A_48, %dma_start3A_54] : memref<5248x128xf32, #tpu.memory_space<vmem_shared>> -> memref<320x128xf32, #tpu.memory_space<vmem_shared>>
        tpu.enqueue_dma source(%dma_start3A_55 : memref<320x128xf32, #tpu.memory_space<vmem_shared>>) target(%dma_start3A_53 : memref<320x128xf32, #tpu.memory_space<hbm>>) target_semaphore(%run_scoped3A : memref<!tpu.dma_semaphore, #tpu.memory_space<semaphore_mem>>)
        %dma_wait3A = arith.constant 0 : i32
        %dma_wait3A_56 = tpu.memref_slice %arg6[%arg0, %add3A_50, %dma_wait3A] : memref<2x10240x128xf32, #tpu.memory_space<hbm>> -> memref<1x320x128xf32, #tpu.memory_space<hbm>>
        %dma_wait3A_57 = tpu.memref_squeeze %dma_wait3A_56 : memref<1x320x128xf32, #tpu.memory_space<hbm>> -> memref<320x128xf32, #tpu.memory_space<hbm>>
        %dma_wait3A_58 = arith.constant 0 : i32
        %dma_wait3A_59 = tpu.memref_slice %arg13[%mul3A_48, %dma_wait3A_58] : memref<5248x128xf32, #tpu.memory_space<vmem_shared>> -> memref<320x128xf32, #tpu.memory_space<vmem_shared>>
        tpu.wait_dma2 semaphore(%run_scoped3A : memref<!tpu.dma_semaphore, #tpu.memory_space<semaphore_mem>>) src(%dma_wait3A_59 : memref<320x128xf32, #tpu.memory_space<vmem_shared>>) dst(%dma_wait3A_57 : memref<320x128xf32, #tpu.memory_space<hbm>>)
        tpu.yield
      }) : () -> ()
    } else {
    }
    %barrier3A_20 = arith.constant 0 : index
    tpu.barrier barrier_id(%barrier3A_20)
    %lt3A_21 = arith.constant 16 : i32
    %lt3A_22 = arith.cmpi slt, %arg1, %lt3A_21 : i32
    %convert_element_type3A_23 = arith.extui %lt3A_22 : i1 to i32
    %cond3A_24 = arith.constant 0 : i32
    %cond3A_25 = arith.cmpi ne, %convert_element_type3A_23, %cond3A_24 : i32
    scf.if %cond3A_25 {
      %mul3A_47 = arith.constant 328 : i32
      %mul3A_48 = arith.muli %arg1, %mul3A_47 : i32
      "tpu.region"() ({
        %run_scoped3A = tpu.sem_alloc : memref<!tpu.dma_semaphore, #tpu.memory_space<semaphore_mem>>
        %dma_start3A_49 = arith.constant 0 : i32
        %dma_start3A_50 = tpu.memref_slice %arg13[%mul3A_48, %dma_start3A_49] : memref<5248x128xf32, #tpu.memory_space<vmem_shared>> -> memref<328x128xf32, #tpu.memory_space<vmem_shared>>
        tpu.enqueue_dma source(%arg5 : memref<328x128xf32, #tpu.memory_space<hbm>>) target(%dma_start3A_50 : memref<328x128xf32, #tpu.memory_space<vmem_shared>>) target_semaphore(%run_scoped3A : memref<!tpu.dma_semaphore, #tpu.memory_space<semaphore_mem>>)
        %dma_wait3A = arith.constant 0 : i32
        %dma_wait3A_51 = tpu.memref_slice %arg13[%mul3A_48, %dma_wait3A] : memref<5248x128xf32, #tpu.memory_space<vmem_shared>> -> memref<328x128xf32, #tpu.memory_space<vmem_shared>>
        tpu.wait_dma2 semaphore(%run_scoped3A : memref<!tpu.dma_semaphore, #tpu.memory_space<semaphore_mem>>) src(%arg5 : memref<328x128xf32, #tpu.memory_space<hbm>>) dst(%dma_wait3A_51 : memref<328x128xf32, #tpu.memory_space<vmem_shared>>)
        tpu.yield
      }) : () -> ()
    } else {
    }
    %barrier3A_26 = arith.constant 0 : index
    tpu.barrier barrier_id(%barrier3A_26)
    %dma_start3A_27 = arith.constant 0 : i32
    %dma_start3A_28 = arith.constant 0 : i32
    %dma_start3A_29 = tpu.memref_slice %arg7[%dma_start3A_27, %dma_start3A_28] : memref<126x80xi32, #tpu.memory_space<vmem>> -> memref<1x80xi32, #tpu.memory_space<vmem>>
    %dma_start3A_30 = tpu.memref_squeeze %dma_start3A_29 : memref<1x80xi32, #tpu.memory_space<vmem>> -> memref<80xi32, #tpu.memory_space<vmem>>
    %dma_start3A_31 = arith.constant 0 : i32
    %dma_start3A_32 = arith.constant 0 : i32
    %dma_start3A_33 = tpu.memref_slice %arg2[%dma_start3A_31, %dma_start3A_32] : memref<10240x128xf32, #tpu.memory_space<hbm>> -> memref<10240x128xf32, #tpu.memory_space<hbm>>
    tpu.enqueue_indirect_dma source(%dma_start3A_33 : memref<10240x128xf32, #tpu.memory_space<hbm>>) target(%arg11 : memref<80x128xf32, #tpu.memory_space<vmem>>) offsets(%dma_start3A_30 : memref<80xi32, #tpu.memory_space<vmem>>) semaphore(%arg14 : memref<!tpu.dma_semaphore, #tpu.memory_space<semaphore_mem>>)
    %scan3A_34 = arith.constant 0 : i32
    %scan3A_35 = arith.constant 0 : i32
    %scan3A_36 = arith.constant 63 : i32
    %scan3A_37 = arith.addi %scan3A_35, %scan3A_36 : i32
    %scan3A_38 = arith.constant 1 : i32
    scf.for %scan3A_47 = %scan3A_35 to %scan3A_37 step %scan3A_38  : i32 {
      %mul3A_48 = arith.constant 2 : i32
      %mul3A_49 = arith.muli %scan3A_47, %mul3A_48 : i32
      %add3A_50 = arith.constant 0 : i32
      %add3A_51 = arith.addi %mul3A_49, %add3A_50 : i32
      %dma_wait3A = arith.constant 0 : i32
      %dma_wait3A_52 = tpu.memref_slice %arg7[%add3A_51, %dma_wait3A] : memref<126x80xi32, #tpu.memory_space<vmem>> -> memref<1x80xi32, #tpu.memory_space<vmem>>
      %dma_wait3A_53 = tpu.memref_squeeze %dma_wait3A_52 : memref<1x80xi32, #tpu.memory_space<vmem>> -> memref<80xi32, #tpu.memory_space<vmem>>
      %dma_wait3A_54 = arith.constant 0 : i32
      %dma_wait3A_55 = arith.constant 0 : i32
      %dma_wait3A_56 = tpu.memref_slice %arg2[%dma_wait3A_54, %dma_wait3A_55] : memref<10240x128xf32, #tpu.memory_space<hbm>> -> memref<10240x128xf32, #tpu.memory_space<hbm>>
      tpu.wait_indirect_dma semaphore(%arg14 : memref<!tpu.dma_semaphore, #tpu.memory_space<semaphore_mem>>) src(%dma_wait3A_56 : memref<10240x128xf32, #tpu.memory_space<hbm>>) dst(%arg11 : memref<80x128xf32, #tpu.memory_space<vmem>>)
      %add3A_57 = arith.constant 1 : i32
      %add3A_58 = arith.addi %add3A_51, %add3A_57 : i32
      %lt3A_59 = arith.constant 126 : i32
      %lt3A_60 = arith.cmpi slt, %add3A_58, %lt3A_59 : i32
      %convert_element_type3A_61 = arith.extui %lt3A_60 : i1 to i32
      %cond3A_62 = arith.constant 0 : i32
      %cond3A_63 = arith.cmpi ne, %convert_element_type3A_61, %cond3A_62 : i32
      scf.if %cond3A_63 {
        %add3A_373 = arith.constant 1 : i32
        %add3A_374 = arith.addi %add3A_51, %add3A_373 : i32
        %dma_start3A_375 = arith.constant 0 : i32
        %dma_start3A_376 = tpu.memref_slice %arg7[%add3A_374, %dma_start3A_375] : memref<126x80xi32, #tpu.memory_space<vmem>> -> memref<1x80xi32, #tpu.memory_space<vmem>>
        %dma_start3A_377 = tpu.memref_squeeze %dma_start3A_376 : memref<1x80xi32, #tpu.memory_space<vmem>> -> memref<80xi32, #tpu.memory_space<vmem>>
        %dma_start3A_378 = arith.constant 0 : i32
        %dma_start3A_379 = arith.constant 0 : i32
        %dma_start3A_380 = tpu.memref_slice %arg2[%dma_start3A_378, %dma_start3A_379] : memref<10240x128xf32, #tpu.memory_space<hbm>> -> memref<10240x128xf32, #tpu.memory_space<hbm>>
        tpu.enqueue_indirect_dma source(%dma_start3A_380 : memref<10240x128xf32, #tpu.memory_space<hbm>>) target(%arg12 : memref<80x128xf32, #tpu.memory_space<vmem>>) offsets(%dma_start3A_377 : memref<80xi32, #tpu.memory_space<vmem>>) semaphore(%arg14 : memref<!tpu.dma_semaphore, #tpu.memory_space<semaphore_mem>>)
      } else {
      }
      %get3A = arith.index_cast %add3A_51 : i32 to index
      %get3A_64 = arith.constant 0 : index
      %get3A_65 = tpu.vector_load %arg8[%get3A, %get3A_64] {strides = array<i32>} : memref<126x80xi32, #tpu.memory_space<vmem>>, vector<1x16xi32>,
      %get3A_66 = vector.shape_cast %get3A_65 : vector<1x16xi32> to vector<16xi32>
      %sub3A = arith.constant 5120 : i32
      %sub3A_67 = vector.broadcast %sub3A : i32 to vector<16xi32>
      %sub3A_68 = arith.subi %get3A_66, %sub3A_67 : vector<16xi32>
      %ge3A = arith.constant 0 : i32
      %ge3A_69 = vector.broadcast %ge3A : i32 to vector<16xi32>
      %ge3A_70 = arith.cmpi sge, %sub3A_68, %ge3A_69 : vector<16xi32>
      %lt3A_71 = arith.constant 5120 : i32
      %lt3A_72 = vector.broadcast %lt3A_71 : i32 to vector<16xi32>
      %lt3A_73 = arith.cmpi slt, %sub3A_68, %lt3A_72 : vector<16xi32>
      %and3A = arith.andi %ge3A_70, %lt3A_73 : vector<16xi1>
      %mul3A_74 = arith.constant 5 : i32
      %mul3A_75 = arith.muli %add3A_51, %mul3A_74 : i32
      %add3A_76 = arith.constant 0 : i32
      %add3A_77 = arith.addi %mul3A_75, %add3A_76 : i32
      %and3A_78 = arith.constant 15 : i32
      %and3A_79 = arith.andi %add3A_77, %and3A_78 : i32
      %shift_left3A = arith.constant 3 : i32
      %shift_left3A_80 = arith.shli %and3A_79, %shift_left3A : i32
      %add3A_81 = arith.constant 5120 : i32
      %add3A_82 = arith.addi %add3A_81, %shift_left3A_80 : i32
      %broadcast_in_dim3A = vector.broadcast %add3A_82 : i32 to vector<16xi32>
      %select_n3A = arith.select %and3A, %sub3A_68, %broadcast_in_dim3A : vector<16xi1>, vector<16xi32>
      %swap3A = arith.constant 0 : index
      %swap3A_83 = tpu.vector_load %arg9[%swap3A] {strides = array<i32>} : memref<80xi32, #tpu.memory_space<vmem>>, vector<16xi32>,
      %swap3A_84 = vector.shape_cast %swap3A_83 : vector<16xi32> to vector<16xi32>
      %swap3A_85 = vector.shape_cast %select_n3A : vector<16xi32> to vector<16xi32>
      tpu.vector_store %arg9[%swap3A], %swap3A_85 {strides = array<i32>} : memref<80xi32, #tpu.memory_space<vmem>>, vector<16xi32>,
      %get3A_86 = arith.index_cast %add3A_51 : i32 to index
      %get3A_87 = arith.constant 16 : index
      %get3A_88 = tpu.vector_load %arg8[%get3A_86, %get3A_87] {strides = array<i32>} : memref<126x80xi32, #tpu.memory_space<vmem>>, vector<1x16xi32>,
      %get3A_89 = vector.shape_cast %get3A_88 : vector<1x16xi32> to vector<16xi32>
      %sub3A_90 = arith.constant 5120 : i32
      %sub3A_91 = vector.broadcast %sub3A_90 : i32 to vector<16xi32>
      %sub3A_92 = arith.subi %get3A_89, %sub3A_91 : vector<16xi32>
      %ge3A_93 = arith.constant 0 : i32
      %ge3A_94 = vector.broadcast %ge3A_93 : i32 to vector<16xi32>
      %ge3A_95 = arith.cmpi sge, %sub3A_92, %ge3A_94 : vector<16xi32>
      %lt3A_96 = arith.constant 5120 : i32
      %lt3A_97 = vector.broadcast %lt3A_96 : i32 to vector<16xi32>
      %lt3A_98 = arith.cmpi slt, %sub3A_92, %lt3A_97 : vector<16xi32>
      %and3A_99 = arith.andi %ge3A_95, %lt3A_98 : vector<16xi1>
      %mul3A_100 = arith.constant 5 : i32
      %mul3A_101 = arith.muli %add3A_51, %mul3A_100 : i32
      %add3A_102 = arith.constant 1 : i32
      %add3A_103 = arith.addi %mul3A_101, %add3A_102 : i32
      %and3A_104 = arith.constant 15 : i32
      %and3A_105 = arith.andi %add3A_103, %and3A_104 : i32
      %shift_left3A_106 = arith.constant 3 : i32
      %shift_left3A_107 = arith.shli %and3A_105, %shift_left3A_106 : i32
      %add3A_108 = arith.constant 5120 : i32
      %add3A_109 = arith.addi %add3A_108, %shift_left3A_107 : i32
      %broadcast_in_dim3A_110 = vector.broadcast %add3A_109 : i32 to vector<16xi32>
      %select_n3A_111 = arith.select %and3A_99, %sub3A_92, %broadcast_in_dim3A_110 : vector<16xi1>, vector<16xi32>
      %swap3A_112 = arith.constant 16 : index
      %swap3A_113 = tpu.vector_load %arg9[%swap3A_112] {strides = array<i32>} : memref<80xi32, #tpu.memory_space<vmem>>, vector<16xi32>,
      %swap3A_114 = vector.shape_cast %swap3A_113 : vector<16xi32> to vector<16xi32>
      %swap3A_115 = vector.shape_cast %select_n3A_111 : vector<16xi32> to vector<16xi32>
      tpu.vector_store %arg9[%swap3A_112], %swap3A_115 {strides = array<i32>} : memref<80xi32, #tpu.memory_space<vmem>>, vector<16xi32>,
      %get3A_116 = arith.index_cast %add3A_51 : i32 to index
      %get3A_117 = arith.constant 32 : index
      %get3A_118 = tpu.vector_load %arg8[%get3A_116, %get3A_117] {strides = array<i32>} : memref<126x80xi32, #tpu.memory_space<vmem>>, vector<1x16xi32>,
      %get3A_119 = vector.shape_cast %get3A_118 : vector<1x16xi32> to vector<16xi32>
      %sub3A_120 = arith.constant 5120 : i32
      %sub3A_121 = vector.broadcast %sub3A_120 : i32 to vector<16xi32>
      %sub3A_122 = arith.subi %get3A_119, %sub3A_121 : vector<16xi32>
      %ge3A_123 = arith.constant 0 : i32
      %ge3A_124 = vector.broadcast %ge3A_123 : i32 to vector<16xi32>
      %ge3A_125 = arith.cmpi sge, %sub3A_122, %ge3A_124 : vector<16xi32>
      %lt3A_126 = arith.constant 5120 : i32
      %lt3A_127 = vector.broadcast %lt3A_126 : i32 to vector<16xi32>
      %lt3A_128 = arith.cmpi slt, %sub3A_122, %lt3A_127 : vector<16xi32>
      %and3A_129 = arith.andi %ge3A_125, %lt3A_128 : vector<16xi1>
      %mul3A_130 = arith.constant 5 : i32
      %mul3A_131 = arith.muli %add3A_51, %mul3A_130 : i32
      %add3A_132 = arith.constant 2 : i32
      %add3A_133 = arith.addi %mul3A_131, %add3A_132 : i32
      %and3A_134 = arith.constant 15 : i32
      %and3A_135 = arith.andi %add3A_133, %and3A_134 : i32
      %shift_left3A_136 = arith.constant 3 : i32
      %shift_left3A_137 = arith.shli %and3A_135, %shift_left3A_136 : i32
      %add3A_138 = arith.constant 5120 : i32
      %add3A_139 = arith.addi %add3A_138, %shift_left3A_137 : i32
      %broadcast_in_dim3A_140 = vector.broadcast %add3A_139 : i32 to vector<16xi32>
      %select_n3A_141 = arith.select %and3A_129, %sub3A_122, %broadcast_in_dim3A_140 : vector<16xi1>, vector<16xi32>
      %swap3A_142 = arith.constant 32 : index
      %swap3A_143 = tpu.vector_load %arg9[%swap3A_142] {strides = array<i32>} : memref<80xi32, #tpu.memory_space<vmem>>, vector<16xi32>,
      %swap3A_144 = vector.shape_cast %swap3A_143 : vector<16xi32> to vector<16xi32>
      %swap3A_145 = vector.shape_cast %select_n3A_141 : vector<16xi32> to vector<16xi32>
      tpu.vector_store %arg9[%swap3A_142], %swap3A_145 {strides = array<i32>} : memref<80xi32, #tpu.memory_space<vmem>>, vector<16xi32>,
      %get3A_146 = arith.index_cast %add3A_51 : i32 to index
      %get3A_147 = arith.constant 48 : index
      %get3A_148 = tpu.vector_load %arg8[%get3A_146, %get3A_147] {strides = array<i32>} : memref<126x80xi32, #tpu.memory_space<vmem>>, vector<1x16xi32>,
      %get3A_149 = vector.shape_cast %get3A_148 : vector<1x16xi32> to vector<16xi32>
      %sub3A_150 = arith.constant 5120 : i32
      %sub3A_151 = vector.broadcast %sub3A_150 : i32 to vector<16xi32>
      %sub3A_152 = arith.subi %get3A_149, %sub3A_151 : vector<16xi32>
      %ge3A_153 = arith.constant 0 : i32
      %ge3A_154 = vector.broadcast %ge3A_153 : i32 to vector<16xi32>
      %ge3A_155 = arith.cmpi sge, %sub3A_152, %ge3A_154 : vector<16xi32>
      %lt3A_156 = arith.constant 5120 : i32
      %lt3A_157 = vector.broadcast %lt3A_156 : i32 to vector<16xi32>
      %lt3A_158 = arith.cmpi slt, %sub3A_152, %lt3A_157 : vector<16xi32>
      %and3A_159 = arith.andi %ge3A_155, %lt3A_158 : vector<16xi1>
      %mul3A_160 = arith.constant 5 : i32
      %mul3A_161 = arith.muli %add3A_51, %mul3A_160 : i32
      %add3A_162 = arith.constant 3 : i32
      %add3A_163 = arith.addi %mul3A_161, %add3A_162 : i32
      %and3A_164 = arith.constant 15 : i32
      %and3A_165 = arith.andi %add3A_163, %and3A_164 : i32
      %shift_left3A_166 = arith.constant 3 : i32
      %shift_left3A_167 = arith.shli %and3A_165, %shift_left3A_166 : i32
      %add3A_168 = arith.constant 5120 : i32
      %add3A_169 = arith.addi %add3A_168, %shift_left3A_167 : i32
      %broadcast_in_dim3A_170 = vector.broadcast %add3A_169 : i32 to vector<16xi32>
      %select_n3A_171 = arith.select %and3A_159, %sub3A_152, %broadcast_in_dim3A_170 : vector<16xi1>, vector<16xi32>
      %swap3A_172 = arith.constant 48 : index
      %swap3A_173 = tpu.vector_load %arg9[%swap3A_172] {strides = array<i32>} : memref<80xi32, #tpu.memory_space<vmem>>, vector<16xi32>,
      %swap3A_174 = vector.shape_cast %swap3A_173 : vector<16xi32> to vector<16xi32>
      %swap3A_175 = vector.shape_cast %select_n3A_171 : vector<16xi32> to vector<16xi32>
      tpu.vector_store %arg9[%swap3A_172], %swap3A_175 {strides = array<i32>} : memref<80xi32, #tpu.memory_space<vmem>>, vector<16xi32>,
      %get3A_176 = arith.index_cast %add3A_51 : i32 to index
      %get3A_177 = arith.constant 64 : index
      %get3A_178 = tpu.vector_load %arg8[%get3A_176, %get3A_177] {strides = array<i32>} : memref<126x80xi32, #tpu.memory_space<vmem>>, vector<1x16xi32>,
      %get3A_179 = vector.shape_cast %get3A_178 : vector<1x16xi32> to vector<16xi32>
      %sub3A_180 = arith.constant 5120 : i32
      %sub3A_181 = vector.broadcast %sub3A_180 : i32 to vector<16xi32>
      %sub3A_182 = arith.subi %get3A_179, %sub3A_181 : vector<16xi32>
      %ge3A_183 = arith.constant 0 : i32
      %ge3A_184 = vector.broadcast %ge3A_183 : i32 to vector<16xi32>
      %ge3A_185 = arith.cmpi sge, %sub3A_182, %ge3A_184 : vector<16xi32>
      %lt3A_186 = arith.constant 5120 : i32
      %lt3A_187 = vector.broadcast %lt3A_186 : i32 to vector<16xi32>
      %lt3A_188 = arith.cmpi slt, %sub3A_182, %lt3A_187 : vector<16xi32>
      %and3A_189 = arith.andi %ge3A_185, %lt3A_188 : vector<16xi1>
      %mul3A_190 = arith.constant 5 : i32
      %mul3A_191 = arith.muli %add3A_51, %mul3A_190 : i32
      %add3A_192 = arith.constant 4 : i32
      %add3A_193 = arith.addi %mul3A_191, %add3A_192 : i32
      %and3A_194 = arith.constant 15 : i32
      %and3A_195 = arith.andi %add3A_193, %and3A_194 : i32
      %shift_left3A_196 = arith.constant 3 : i32
      %shift_left3A_197 = arith.shli %and3A_195, %shift_left3A_196 : i32
      %add3A_198 = arith.constant 5120 : i32
      %add3A_199 = arith.addi %add3A_198, %shift_left3A_197 : i32
      %broadcast_in_dim3A_200 = vector.broadcast %add3A_199 : i32 to vector<16xi32>
      %select_n3A_201 = arith.select %and3A_189, %sub3A_182, %broadcast_in_dim3A_200 : vector<16xi1>, vector<16xi32>
      %swap3A_202 = arith.constant 64 : index
      %swap3A_203 = tpu.vector_load %arg9[%swap3A_202] {strides = array<i32>} : memref<80xi32, #tpu.memory_space<vmem>>, vector<16xi32>,
      %swap3A_204 = vector.shape_cast %swap3A_203 : vector<16xi32> to vector<16xi32>
      %swap3A_205 = vector.shape_cast %select_n3A_201 : vector<16xi32> to vector<16xi32>
      tpu.vector_store %arg9[%swap3A_202], %swap3A_205 {strides = array<i32>} : memref<80xi32, #tpu.memory_space<vmem>>, vector<16xi32>,
      "tpu.region"() ({
        %run_scoped3A = tpu.sem_alloc : memref<!tpu.dma_semaphore, #tpu.memory_space<semaphore_mem>>
        %dma_start3A_373 = arith.constant 0 : i32
        %dma_start3A_374 = arith.constant 0 : i32
        %dma_start3A_375 = tpu.memref_slice %arg13[%dma_start3A_373, %dma_start3A_374] : memref<5248x128xf32, #tpu.memory_space<vmem_shared>> -> memref<5248x128xf32, #tpu.memory_space<vmem_shared>>
        tpu.enqueue_indirect_dma source(%arg11 : memref<80x128xf32, #tpu.memory_space<vmem>>) target(%dma_start3A_375 : memref<5248x128xf32, #tpu.memory_space<vmem_shared>>) offsets(%arg9 : memref<80xi32, #tpu.memory_space<vmem>>) semaphore(%run_scoped3A : memref<!tpu.dma_semaphore, #tpu.memory_space<semaphore_mem>>) {add = true}
        %dma_wait3A_376 = arith.constant 0 : i32
        %dma_wait3A_377 = arith.constant 0 : i32
        %dma_wait3A_378 = tpu.memref_slice %arg13[%dma_wait3A_376, %dma_wait3A_377] : memref<5248x128xf32, #tpu.memory_space<vmem_shared>> -> memref<5248x128xf32, #tpu.memory_space<vmem_shared>>
        tpu.wait_indirect_dma semaphore(%run_scoped3A : memref<!tpu.dma_semaphore, #tpu.memory_space<semaphore_mem>>) src(%arg11 : memref<80x128xf32, #tpu.memory_space<vmem>>) dst(%dma_wait3A_378 : memref<5248x128xf32, #tpu.memory_space<vmem_shared>>)
        tpu.yield
      }) : () -> ()
      %mul3A_206 = arith.constant 2 : i32
      %mul3A_207 = arith.muli %scan3A_47, %mul3A_206 : i32
      %add3A_208 = arith.constant 1 : i32
      %add3A_209 = arith.addi %mul3A_207, %add3A_208 : i32
      %dma_wait3A_210 = arith.constant 0 : i32
      %dma_wait3A_211 = tpu.memref_slice %arg7[%add3A_209, %dma_wait3A_210] : memref<126x80xi32, #tpu.memory_space<vmem>> -> memref<1x80xi32, #tpu.memory_space<vmem>>
      %dma_wait3A_212 = tpu.memref_squeeze %dma_wait3A_211 : memref<1x80xi32, #tpu.memory_space<vmem>> -> memref<80xi32, #tpu.memory_space<vmem>>
      %dma_wait3A_213 = arith.constant 0 : i32
      %dma_wait3A_214 = arith.constant 0 : i32
      %dma_wait3A_215 = tpu.memref_slice %arg2[%dma_wait3A_213, %dma_wait3A_214] : memref<10240x128xf32, #tpu.memory_space<hbm>> -> memref<10240x128xf32, #tpu.memory_space<hbm>>
      tpu.wait_indirect_dma semaphore(%arg14 : memref<!tpu.dma_semaphore, #tpu.memory_space<semaphore_mem>>) src(%dma_wait3A_215 : memref<10240x128xf32, #tpu.memory_space<hbm>>) dst(%arg12 : memref<80x128xf32, #tpu.memory_space<vmem>>)
      %add3A_216 = arith.constant 1 : i32
      %add3A_217 = arith.addi %add3A_209, %add3A_216 : i32
      %lt3A_218 = arith.constant 126 : i32
      %lt3A_219 = arith.cmpi slt, %add3A_217, %lt3A_218 : i32
      %convert_element_type3A_220 = arith.extui %lt3A_219 : i1 to i32
      %cond3A_221 = arith.constant 0 : i32
      %cond3A_222 = arith.cmpi ne, %convert_element_type3A_220, %cond3A_221 : i32
      scf.if %cond3A_222 {
        %add3A_373 = arith.constant 1 : i32
        %add3A_374 = arith.addi %add3A_209, %add3A_373 : i32
        %dma_start3A_375 = arith.constant 0 : i32
        %dma_start3A_376 = tpu.memref_slice %arg7[%add3A_374, %dma_start3A_375] : memref<126x80xi32, #tpu.memory_space<vmem>> -> memref<1x80xi32, #tpu.memory_space<vmem>>
        %dma_start3A_377 = tpu.memref_squeeze %dma_start3A_376 : memref<1x80xi32, #tpu.memory_space<vmem>> -> memref<80xi32, #tpu.memory_space<vmem>>
        %dma_start3A_378 = arith.constant 0 : i32
        %dma_start3A_379 = arith.constant 0 : i32
        %dma_start3A_380 = tpu.memref_slice %arg2[%dma_start3A_378, %dma_start3A_379] : memref<10240x128xf32, #tpu.memory_space<hbm>> -> memref<10240x128xf32, #tpu.memory_space<hbm>>
        tpu.enqueue_indirect_dma source(%dma_start3A_380 : memref<10240x128xf32, #tpu.memory_space<hbm>>) target(%arg11 : memref<80x128xf32, #tpu.memory_space<vmem>>) offsets(%dma_start3A_377 : memref<80xi32, #tpu.memory_space<vmem>>) semaphore(%arg14 : memref<!tpu.dma_semaphore, #tpu.memory_space<semaphore_mem>>)
      } else {
      }
      %get3A_223 = arith.index_cast %add3A_209 : i32 to index
      %get3A_224 = arith.constant 0 : index
      %get3A_225 = tpu.vector_load %arg8[%get3A_223, %get3A_224] {strides = array<i32>} : memref<126x80xi32, #tpu.memory_space<vmem>>, vector<1x16xi32>,
      %get3A_226 = vector.shape_cast %get3A_225 : vector<1x16xi32> to vector<16xi32>
      %sub3A_227 = arith.constant 5120 : i32
      %sub3A_228 = vector.broadcast %sub3A_227 : i32 to vector<16xi32>
      %sub3A_229 = arith.subi %get3A_226, %sub3A_228 : vector<16xi32>
      %ge3A_230 = arith.constant 0 : i32
      %ge3A_231 = vector.broadcast %ge3A_230 : i32 to vector<16xi32>
      %ge3A_232 = arith.cmpi sge, %sub3A_229, %ge3A_231 : vector<16xi32>
      %lt3A_233 = arith.constant 5120 : i32
      %lt3A_234 = vector.broadcast %lt3A_233 : i32 to vector<16xi32>
      %lt3A_235 = arith.cmpi slt, %sub3A_229, %lt3A_234 : vector<16xi32>
      %and3A_236 = arith.andi %ge3A_232, %lt3A_235 : vector<16xi1>
      %mul3A_237 = arith.constant 5 : i32
      %mul3A_238 = arith.muli %add3A_209, %mul3A_237 : i32
      %add3A_239 = arith.constant 0 : i32
      %add3A_240 = arith.addi %mul3A_238, %add3A_239 : i32
      %and3A_241 = arith.constant 15 : i32
      %and3A_242 = arith.andi %add3A_240, %and3A_241 : i32
      %shift_left3A_243 = arith.constant 3 : i32
      %shift_left3A_244 = arith.shli %and3A_242, %shift_left3A_243 : i32
      %add3A_245 = arith.constant 5120 : i32
      %add3A_246 = arith.addi %add3A_245, %shift_left3A_244 : i32
      %broadcast_in_dim3A_247 = vector.broadcast %add3A_246 : i32 to vector<16xi32>
      %select_n3A_248 = arith.select %and3A_236, %sub3A_229, %broadcast_in_dim3A_247 : vector<16xi1>, vector<16xi32>
      %swap3A_249 = arith.constant 0 : index
      %swap3A_250 = tpu.vector_load %arg10[%swap3A_249] {strides = array<i32>} : memref<80xi32, #tpu.memory_space<vmem>>, vector<16xi32>,
      %swap3A_251 = vector.shape_cast %swap3A_250 : vector<16xi32> to vector<16xi32>
      %swap3A_252 = vector.shape_cast %select_n3A_248 : vector<16xi32> to vector<16xi32>
      tpu.vector_store %arg10[%swap3A_249], %swap3A_252 {strides = array<i32>} : memref<80xi32, #tpu.memory_space<vmem>>, vector<16xi32>,
      %get3A_253 = arith.index_cast %add3A_209 : i32 to index
      %get3A_254 = arith.constant 16 : index
      %get3A_255 = tpu.vector_load %arg8[%get3A_253, %get3A_254] {strides = array<i32>} : memref<126x80xi32, #tpu.memory_space<vmem>>, vector<1x16xi32>,
      %get3A_256 = vector.shape_cast %get3A_255 : vector<1x16xi32> to vector<16xi32>
      %sub3A_257 = arith.constant 5120 : i32
      %sub3A_258 = vector.broadcast %sub3A_257 : i32 to vector<16xi32>
      %sub3A_259 = arith.subi %get3A_256, %sub3A_258 : vector<16xi32>
      %ge3A_260 = arith.constant 0 : i32
      %ge3A_261 = vector.broadcast %ge3A_260 : i32 to vector<16xi32>
      %ge3A_262 = arith.cmpi sge, %sub3A_259, %ge3A_261 : vector<16xi32>
      %lt3A_263 = arith.constant 5120 : i32
      %lt3A_264 = vector.broadcast %lt3A_263 : i32 to vector<16xi32>
      %lt3A_265 = arith.cmpi slt, %sub3A_259, %lt3A_264 : vector<16xi32>
      %and3A_266 = arith.andi %ge3A_262, %lt3A_265 : vector<16xi1>
      %mul3A_267 = arith.constant 5 : i32
      %mul3A_268 = arith.muli %add3A_209, %mul3A_267 : i32
      %add3A_269 = arith.constant 1 : i32
      %add3A_270 = arith.addi %mul3A_268, %add3A_269 : i32
      %and3A_271 = arith.constant 15 : i32
      %and3A_272 = arith.andi %add3A_270, %and3A_271 : i32
      %shift_left3A_273 = arith.constant 3 : i32
      %shift_left3A_274 = arith.shli %and3A_272, %shift_left3A_273 : i32
      %add3A_275 = arith.constant 5120 : i32
      %add3A_276 = arith.addi %add3A_275, %shift_left3A_274 : i32
      %broadcast_in_dim3A_277 = vector.broadcast %add3A_276 : i32 to vector<16xi32>
      %select_n3A_278 = arith.select %and3A_266, %sub3A_259, %broadcast_in_dim3A_277 : vector<16xi1>, vector<16xi32>
      %swap3A_279 = arith.constant 16 : index
      %swap3A_280 = tpu.vector_load %arg10[%swap3A_279] {strides = array<i32>} : memref<80xi32, #tpu.memory_space<vmem>>, vector<16xi32>,
      %swap3A_281 = vector.shape_cast %swap3A_280 : vector<16xi32> to vector<16xi32>
      %swap3A_282 = vector.shape_cast %select_n3A_278 : vector<16xi32> to vector<16xi32>
      tpu.vector_store %arg10[%swap3A_279], %swap3A_282 {strides = array<i32>} : memref<80xi32, #tpu.memory_space<vmem>>, vector<16xi32>,
      %get3A_283 = arith.index_cast %add3A_209 : i32 to index
      %get3A_284 = arith.constant 32 : index
      %get3A_285 = tpu.vector_load %arg8[%get3A_283, %get3A_284] {strides = array<i32>} : memref<126x80xi32, #tpu.memory_space<vmem>>, vector<1x16xi32>,
      %get3A_286 = vector.shape_cast %get3A_285 : vector<1x16xi32> to vector<16xi32>
      %sub3A_287 = arith.constant 5120 : i32
      %sub3A_288 = vector.broadcast %sub3A_287 : i32 to vector<16xi32>
      %sub3A_289 = arith.subi %get3A_286, %sub3A_288 : vector<16xi32>
      %ge3A_290 = arith.constant 0 : i32
      %ge3A_291 = vector.broadcast %ge3A_290 : i32 to vector<16xi32>
      %ge3A_292 = arith.cmpi sge, %sub3A_289, %ge3A_291 : vector<16xi32>
      %lt3A_293 = arith.constant 5120 : i32
      %lt3A_294 = vector.broadcast %lt3A_293 : i32 to vector<16xi32>
      %lt3A_295 = arith.cmpi slt, %sub3A_289, %lt3A_294 : vector<16xi32>
      %and3A_296 = arith.andi %ge3A_292, %lt3A_295 : vector<16xi1>
      %mul3A_297 = arith.constant 5 : i32
      %mul3A_298 = arith.muli %add3A_209, %mul3A_297 : i32
      %add3A_299 = arith.constant 2 : i32
      %add3A_300 = arith.addi %mul3A_298, %add3A_299 : i32
      %and3A_301 = arith.constant 15 : i32
      %and3A_302 = arith.andi %add3A_300, %and3A_301 : i32
      %shift_left3A_303 = arith.constant 3 : i32
      %shift_left3A_304 = arith.shli %and3A_302, %shift_left3A_303 : i32
      %add3A_305 = arith.constant 5120 : i32
      %add3A_306 = arith.addi %add3A_305, %shift_left3A_304 : i32
      %broadcast_in_dim3A_307 = vector.broadcast %add3A_306 : i32 to vector<16xi32>
      %select_n3A_308 = arith.select %and3A_296, %sub3A_289, %broadcast_in_dim3A_307 : vector<16xi1>, vector<16xi32>
      %swap3A_309 = arith.constant 32 : index
      %swap3A_310 = tpu.vector_load %arg10[%swap3A_309] {strides = array<i32>} : memref<80xi32, #tpu.memory_space<vmem>>, vector<16xi32>,
      %swap3A_311 = vector.shape_cast %swap3A_310 : vector<16xi32> to vector<16xi32>
      %swap3A_312 = vector.shape_cast %select_n3A_308 : vector<16xi32> to vector<16xi32>
      tpu.vector_store %arg10[%swap3A_309], %swap3A_312 {strides = array<i32>} : memref<80xi32, #tpu.memory_space<vmem>>, vector<16xi32>,
      %get3A_313 = arith.index_cast %add3A_209 : i32 to index
      %get3A_314 = arith.constant 48 : index
      %get3A_315 = tpu.vector_load %arg8[%get3A_313, %get3A_314] {strides = array<i32>} : memref<126x80xi32, #tpu.memory_space<vmem>>, vector<1x16xi32>,
      %get3A_316 = vector.shape_cast %get3A_315 : vector<1x16xi32> to vector<16xi32>
      %sub3A_317 = arith.constant 5120 : i32
      %sub3A_318 = vector.broadcast %sub3A_317 : i32 to vector<16xi32>
      %sub3A_319 = arith.subi %get3A_316, %sub3A_318 : vector<16xi32>
      %ge3A_320 = arith.constant 0 : i32
      %ge3A_321 = vector.broadcast %ge3A_320 : i32 to vector<16xi32>
      %ge3A_322 = arith.cmpi sge, %sub3A_319, %ge3A_321 : vector<16xi32>
      %lt3A_323 = arith.constant 5120 : i32
      %lt3A_324 = vector.broadcast %lt3A_323 : i32 to vector<16xi32>
      %lt3A_325 = arith.cmpi slt, %sub3A_319, %lt3A_324 : vector<16xi32>
      %and3A_326 = arith.andi %ge3A_322, %lt3A_325 : vector<16xi1>
      %mul3A_327 = arith.constant 5 : i32
      %mul3A_328 = arith.muli %add3A_209, %mul3A_327 : i32
      %add3A_329 = arith.constant 3 : i32
      %add3A_330 = arith.addi %mul3A_328, %add3A_329 : i32
      %and3A_331 = arith.constant 15 : i32
      %and3A_332 = arith.andi %add3A_330, %and3A_331 : i32
      %shift_left3A_333 = arith.constant 3 : i32
      %shift_left3A_334 = arith.shli %and3A_332, %shift_left3A_333 : i32
      %add3A_335 = arith.constant 5120 : i32
      %add3A_336 = arith.addi %add3A_335, %shift_left3A_334 : i32
      %broadcast_in_dim3A_337 = vector.broadcast %add3A_336 : i32 to vector<16xi32>
      %select_n3A_338 = arith.select %and3A_326, %sub3A_319, %broadcast_in_dim3A_337 : vector<16xi1>, vector<16xi32>
      %swap3A_339 = arith.constant 48 : index
      %swap3A_340 = tpu.vector_load %arg10[%swap3A_339] {strides = array<i32>} : memref<80xi32, #tpu.memory_space<vmem>>, vector<16xi32>,
      %swap3A_341 = vector.shape_cast %swap3A_340 : vector<16xi32> to vector<16xi32>
      %swap3A_342 = vector.shape_cast %select_n3A_338 : vector<16xi32> to vector<16xi32>
      tpu.vector_store %arg10[%swap3A_339], %swap3A_342 {strides = array<i32>} : memref<80xi32, #tpu.memory_space<vmem>>, vector<16xi32>,
      %get3A_343 = arith.index_cast %add3A_209 : i32 to index
      %get3A_344 = arith.constant 64 : index
      %get3A_345 = tpu.vector_load %arg8[%get3A_343, %get3A_344] {strides = array<i32>} : memref<126x80xi32, #tpu.memory_space<vmem>>, vector<1x16xi32>,
      %get3A_346 = vector.shape_cast %get3A_345 : vector<1x16xi32> to vector<16xi32>
      %sub3A_347 = arith.constant 5120 : i32
      %sub3A_348 = vector.broadcast %sub3A_347 : i32 to vector<16xi32>
      %sub3A_349 = arith.subi %get3A_346, %sub3A_348 : vector<16xi32>
      %ge3A_350 = arith.constant 0 : i32
      %ge3A_351 = vector.broadcast %ge3A_350 : i32 to vector<16xi32>
      %ge3A_352 = arith.cmpi sge, %sub3A_349, %ge3A_351 : vector<16xi32>
      %lt3A_353 = arith.constant 5120 : i32
      %lt3A_354 = vector.broadcast %lt3A_353 : i32 to vector<16xi32>
      %lt3A_355 = arith.cmpi slt, %sub3A_349, %lt3A_354 : vector<16xi32>
      %and3A_356 = arith.andi %ge3A_352, %lt3A_355 : vector<16xi1>
      %mul3A_357 = arith.constant 5 : i32
      %mul3A_358 = arith.muli %add3A_209, %mul3A_357 : i32
      %add3A_359 = arith.constant 4 : i32
      %add3A_360 = arith.addi %mul3A_358, %add3A_359 : i32
      %and3A_361 = arith.constant 15 : i32
      %and3A_362 = arith.andi %add3A_360, %and3A_361 : i32
      %shift_left3A_363 = arith.constant 3 : i32
      %shift_left3A_364 = arith.shli %and3A_362, %shift_left3A_363 : i32
      %add3A_365 = arith.constant 5120 : i32
      %add3A_366 = arith.addi %add3A_365, %shift_left3A_364 : i32
      %broadcast_in_dim3A_367 = vector.broadcast %add3A_366 : i32 to vector<16xi32>
      %select_n3A_368 = arith.select %and3A_356, %sub3A_349, %broadcast_in_dim3A_367 : vector<16xi1>, vector<16xi32>
      %swap3A_369 = arith.constant 64 : index
      %swap3A_370 = tpu.vector_load %arg10[%swap3A_369] {strides = array<i32>} : memref<80xi32, #tpu.memory_space<vmem>>, vector<16xi32>,
      %swap3A_371 = vector.shape_cast %swap3A_370 : vector<16xi32> to vector<16xi32>
      %swap3A_372 = vector.shape_cast %select_n3A_368 : vector<16xi32> to vector<16xi32>
      tpu.vector_store %arg10[%swap3A_369], %swap3A_372 {strides = array<i32>} : memref<80xi32, #tpu.memory_space<vmem>>, vector<16xi32>,
      "tpu.region"() ({
        %run_scoped3A = tpu.sem_alloc : memref<!tpu.dma_semaphore, #tpu.memory_space<semaphore_mem>>
        %dma_start3A_373 = arith.constant 0 : i32
        %dma_start3A_374 = arith.constant 0 : i32
        %dma_start3A_375 = tpu.memref_slice %arg13[%dma_start3A_373, %dma_start3A_374] : memref<5248x128xf32, #tpu.memory_space<vmem_shared>> -> memref<5248x128xf32, #tpu.memory_space<vmem_shared>>
        tpu.enqueue_indirect_dma source(%arg12 : memref<80x128xf32, #tpu.memory_space<vmem>>) target(%dma_start3A_375 : memref<5248x128xf32, #tpu.memory_space<vmem_shared>>) offsets(%arg10 : memref<80xi32, #tpu.memory_space<vmem>>) semaphore(%run_scoped3A : memref<!tpu.dma_semaphore, #tpu.memory_space<semaphore_mem>>) {add = true}
        %dma_wait3A_376 = arith.constant 0 : i32
        %dma_wait3A_377 = arith.constant 0 : i32
        %dma_wait3A_378 = tpu.memref_slice %arg13[%dma_wait3A_376, %dma_wait3A_377] : memref<5248x128xf32, #tpu.memory_space<vmem_shared>> -> memref<5248x128xf32, #tpu.memory_space<vmem_shared>>
        tpu.wait_indirect_dma semaphore(%run_scoped3A : memref<!tpu.dma_semaphore, #tpu.memory_space<semaphore_mem>>) src(%arg12 : memref<80x128xf32, #tpu.memory_space<vmem>>) dst(%dma_wait3A_378 : memref<5248x128xf32, #tpu.memory_space<vmem_shared>>)
        tpu.yield
      }) : () -> ()
    }
    %scan3A_39 = arith.constant 63 : i32
    %barrier3A_40 = arith.constant 0 : index
    tpu.barrier barrier_id(%barrier3A_40)
    %lt3A_41 = arith.constant 16 : i32
    %lt3A_42 = arith.cmpi slt, %arg1, %lt3A_41 : i32
    %convert_element_type3A_43 = arith.extui %lt3A_42 : i1 to i32
    %cond3A_44 = arith.constant 0 : i32
    %cond3A_45 = arith.cmpi ne, %convert_element_type3A_43, %cond3A_44 : i32
    scf.if %cond3A_45 {
      %mul3A_47 = arith.constant 320 : i32
      %mul3A_48 = arith.muli %arg1, %mul3A_47 : i32
      %add3A_49 = arith.constant 5120 : i32
      %add3A_50 = arith.addi %add3A_49, %mul3A_48 : i32
      "tpu.region"() ({
        %run_scoped3A = tpu.sem_alloc : memref<!tpu.dma_semaphore, #tpu.memory_space<semaphore_mem>>
        %dma_start3A_51 = arith.constant 0 : i32
        %dma_start3A_52 = tpu.memref_slice %arg6[%arg0, %add3A_50, %dma_start3A_51] : memref<2x10240x128xf32, #tpu.memory_space<hbm>> -> memref<1x320x128xf32, #tpu.memory_space<hbm>>
        %dma_start3A_53 = tpu.memref_squeeze %dma_start3A_52 : memref<1x320x128xf32, #tpu.memory_space<hbm>> -> memref<320x128xf32, #tpu.memory_space<hbm>>
        %dma_start3A_54 = arith.constant 0 : i32
        %dma_start3A_55 = tpu.memref_slice %arg13[%mul3A_48, %dma_start3A_54] : memref<5248x128xf32, #tpu.memory_space<vmem_shared>> -> memref<320x128xf32, #tpu.memory_space<vmem_shared>>
        tpu.enqueue_dma source(%dma_start3A_55 : memref<320x128xf32, #tpu.memory_space<vmem_shared>>) target(%dma_start3A_53 : memref<320x128xf32, #tpu.memory_space<hbm>>) target_semaphore(%run_scoped3A : memref<!tpu.dma_semaphore, #tpu.memory_space<semaphore_mem>>)
        %dma_wait3A = arith.constant 0 : i32
        %dma_wait3A_56 = tpu.memref_slice %arg6[%arg0, %add3A_50, %dma_wait3A] : memref<2x10240x128xf32, #tpu.memory_space<hbm>> -> memref<1x320x128xf32, #tpu.memory_space<hbm>>
        %dma_wait3A_57 = tpu.memref_squeeze %dma_wait3A_56 : memref<1x320x128xf32, #tpu.memory_space<hbm>> -> memref<320x128xf32, #tpu.memory_space<hbm>>
        %dma_wait3A_58 = arith.constant 0 : i32
        %dma_wait3A_59 = tpu.memref_slice %arg13[%mul3A_48, %dma_wait3A_58] : memref<5248x128xf32, #tpu.memory_space<vmem_shared>> -> memref<320x128xf32, #tpu.memory_space<vmem_shared>>
        tpu.wait_dma2 semaphore(%run_scoped3A : memref<!tpu.dma_semaphore, #tpu.memory_space<semaphore_mem>>) src(%dma_wait3A_59 : memref<320x128xf32, #tpu.memory_space<vmem_shared>>) dst(%dma_wait3A_57 : memref<320x128xf32, #tpu.memory_space<hbm>>)
        tpu.yield
      }) : () -> ()
    } else {
    }
    %barrier3A_46 = arith.constant 0 : index
    tpu.barrier barrier_id(%barrier3A_46)
    return
  }
}

module attributes {stable_mosaic.version = 14 : i64} {
  func.func @body(%arg0: i32, %arg1: memref<2048x4xf32, #tpu.memory_space<vmem>>, %arg2: memref<2048x4xf32, #tpu.memory_space<vmem>>, %arg3: memref<2048x128xf32, #tpu.memory_space<vmem>>, %arg4: memref<2048x128xf32, #tpu.memory_space<vmem>>, %arg5: memref<2048x16xf32, #tpu.memory_space<vmem>>) attributes {dimension_semantics = [#tpu.dimension_semantics<arbitrary>], iteration_bounds = array<i64: 5>, scalar_prefetch = 0 : i64, scratch_operands = 0 : i64, tpu.core_type = #tpu.core_type<tc>, window_params = [{transform_indices = @transform_0, window_bounds = array<i64: 2048, 4>}, {transform_indices = @transform_1, window_bounds = array<i64: 2048, 4>}, {transform_indices = @transform_2, window_bounds = array<i64: 2048, 128>}, {transform_indices = @transform_3, window_bounds = array<i64: 2048, 128>}, {transform_indices = @transform_4, window_bounds = array<i64: 2048, 16>}]} {
    %get3A = arith.constant 0 : index
    %get3A_0 = arith.constant 0 : index
    %get3A_1 = vector.load %arg1[%get3A, %get3A_0] : memref<2048x4xf32, #tpu.memory_space<vmem>>, vector<2048x4xf32>
    %slice3A = vector.extract_strided_slice %get3A_1 {offsets = [0, 0], sizes = [2048, 1], strides = [1, 1]} : vector<2048x4xf32> to vector<2048x1xf32>
    %get3A_2 = arith.constant 0 : index
    %get3A_3 = arith.constant 0 : index
    %get3A_4 = vector.load %arg2[%get3A_2, %get3A_3] : memref<2048x4xf32, #tpu.memory_space<vmem>>, vector<2048x4xf32>
    %slice3A_5 = vector.extract_strided_slice %get3A_4 {offsets = [0, 0], sizes = [2048, 1], strides = [1, 1]} : vector<2048x4xf32> to vector<2048x1xf32>
    %add3A = arith.addf %slice3A, %slice3A_5 : vector<2048x1xf32>
    %add3A_6 = arith.constant 1.000000e+00 : f32
    %add3A_7 = vector.broadcast %add3A_6 : f32 to vector<2048x1xf32>
    %add3A_8 = arith.addf %add3A, %add3A_7 : vector<2048x1xf32>
    %rsqrt3A = math.rsqrt %add3A_8 : vector<2048x1xf32>
    %get3A_9 = arith.constant 0 : index
    %get3A_10 = arith.constant 0 : index
    %get3A_11 = vector.load %arg3[%get3A_9, %get3A_10] : memref<2048x128xf32, #tpu.memory_space<vmem>>, vector<2048x128xf32>
    %mul3A = vector.broadcast %rsqrt3A : vector<2048x1xf32> to vector<2048x128xf32>
    %mul3A_12 = arith.mulf %get3A_11, %mul3A : vector<2048x128xf32>
    %swap3A = arith.constant 0 : index
    %swap3A_13 = arith.constant 0 : index
    %swap3A_14 = vector.load %arg4[%swap3A, %swap3A_13] : memref<2048x128xf32, #tpu.memory_space<vmem>>, vector<2048x128xf32>
    tpu.vector_store %arg4[%swap3A, %swap3A_13], %mul3A_12 {strides = array<i32>} : memref<2048x128xf32, #tpu.memory_space<vmem>>, vector<2048x128xf32>,
    %broadcast_in_dim3A = vector.shape_cast %rsqrt3A : vector<2048x1xf32> to vector<2048x1xf32>
    %broadcast_in_dim3A_15 = vector.broadcast %broadcast_in_dim3A : vector<2048x1xf32> to vector<2048x16xf32>
    %swap3A_16 = arith.constant 0 : index
    %swap3A_17 = arith.constant 0 : index
    %swap3A_18 = vector.load %arg5[%swap3A_16, %swap3A_17] : memref<2048x16xf32, #tpu.memory_space<vmem>>, vector<2048x16xf32>
    tpu.vector_store %arg5[%swap3A_16, %swap3A_17], %broadcast_in_dim3A_15 {strides = array<i32>} : memref<2048x16xf32, #tpu.memory_space<vmem>>, vector<2048x16xf32>,
    return
  }
  func.func @transform_0(%arg0: i32) -> (i32, i32) {
    %c0_i32 = arith.constant 0 : i32
    %c0_i32_0 = arith.constant 0 : i32
    return %arg0, %c0_i32 : i32, i32
  }
  func.func @transform_1(%arg0: i32) -> (i32, i32) {
    %c0_i32 = arith.constant 0 : i32
    %c0_i32_0 = arith.constant 0 : i32
    return %arg0, %c0_i32 : i32, i32
  }
  func.func @transform_2(%arg0: i32) -> (i32, i32) {
    %c0_i32 = arith.constant 0 : i32
    %c0_i32_0 = arith.constant 0 : i32
    return %arg0, %c0_i32 : i32, i32
  }
  func.func @transform_3(%arg0: i32) -> (i32, i32) {
    %c0_i32 = arith.constant 0 : i32
    %c0_i32_0 = arith.constant 0 : i32
    return %arg0, %c0_i32 : i32, i32
  }
  func.func @transform_4(%arg0: i32) -> (i32, i32) {
    %c0_i32 = arith.constant 0 : i32
    %c0_i32_0 = arith.constant 0 : i32
    return %arg0, %c0_i32 : i32, i32
  }
}

module attributes {stable_mosaic.version = 14 : i64} {
  func.func @body(%arg0: i32, %arg1: memref<2x2048x128xf32, #tpu.memory_space<vmem>>, %arg2: memref<2048x128xf32, #tpu.memory_space<vmem>>, %arg3: memref<2048x16xf32, #tpu.memory_space<vmem>>, %arg4: memref<1x128xf32, #tpu.memory_space<vmem>>, %arg5: memref<128x128xf32, #tpu.memory_space<vmem>>, %arg6: memref<2048x128xf32, #tpu.memory_space<vmem>>) attributes {dimension_semantics = [#tpu.dimension_semantics<arbitrary>], iteration_bounds = array<i64: 5>, scalar_prefetch = 0 : i64, scratch_operands = 0 : i64, tpu.core_type = #tpu.core_type<tc>, window_params = [{transform_indices = @transform_0, window_bounds = array<i64: 2, 2048, 128>}, {transform_indices = @transform_1, window_bounds = array<i64: 2048, 128>}, {transform_indices = @transform_2, window_bounds = array<i64: 2048, 16>}, {pipeline_mode = #tpu.pipeline_mode<synchronous>, transform_indices = @transform_3, window_bounds = array<i64: 1, 128>}, {pipeline_mode = #tpu.pipeline_mode<synchronous>, transform_indices = @transform_4, window_bounds = array<i64: 128, 128>}, {transform_indices = @transform_5, window_bounds = array<i64: 2048, 128>}]} {
    %get3A = arith.constant 0 : index
    %get3A_0 = arith.constant 0 : index
    %get3A_1 = vector.load %arg3[%get3A, %get3A_0] : memref<2048x16xf32, #tpu.memory_space<vmem>>, vector<2048x16xf32>
    %slice3A = vector.extract_strided_slice %get3A_1 {offsets = [0, 0], sizes = [2048, 1], strides = [1, 1]} : vector<2048x16xf32> to vector<2048x1xf32>
    %get3A_2 = arith.constant 0 : index
    %get3A_3 = arith.constant 0 : index
    %get3A_4 = arith.constant 0 : index
    %get3A_5 = vector.load %arg1[%get3A_2, %get3A_3, %get3A_4] : memref<2x2048x128xf32, #tpu.memory_space<vmem>>, vector<1x2048x128xf32>
    %get3A_6 = vector.shape_cast %get3A_5 : vector<1x2048x128xf32> to vector<2048x128xf32>
    %get3A_7 = arith.constant 1 : index
    %get3A_8 = arith.constant 0 : index
    %get3A_9 = arith.constant 0 : index
    %get3A_10 = vector.load %arg1[%get3A_7, %get3A_8, %get3A_9] : memref<2x2048x128xf32, #tpu.memory_space<vmem>>, vector<1x2048x128xf32>
    %get3A_11 = vector.shape_cast %get3A_10 : vector<1x2048x128xf32> to vector<2048x128xf32>
    %add3A = arith.addf %get3A_6, %get3A_11 : vector<2048x128xf32>
    %get3A_12 = arith.constant 0 : index
    %get3A_13 = arith.constant 0 : index
    %get3A_14 = vector.load %arg2[%get3A_12, %get3A_13] : memref<2048x128xf32, #tpu.memory_space<vmem>>, vector<2048x128xf32>
    %add3A_15 = arith.addf %add3A, %get3A_14 : vector<2048x128xf32>
    %mul3A = vector.broadcast %slice3A : vector<2048x1xf32> to vector<2048x128xf32>
    %mul3A_16 = arith.mulf %add3A_15, %mul3A : vector<2048x128xf32>
    %get3A_17 = arith.constant 0 : index
    %get3A_18 = arith.constant 0 : index
    %get3A_19 = vector.load %arg5[%get3A_17, %get3A_18] : memref<128x128xf32, #tpu.memory_space<vmem>>, vector<128x128xf32>
    %dot_general3A = arith.constant dense<0.000000e+00> : vector<2048x128xf32>
    %dot_general3A_20 = tpu.matmul %mul3A_16, %get3A_19, %dot_general3A {dimension_numbers = #tpu.dot_dimension_numbers<[1], [0], [0], [1], [0, 0, 1, 1], [], []>, transpose_lhs_hint = false} : vector<2048x128xf32>, vector<128x128xf32>, vector<2048x128xf32> -> vector<2048x128xf32>
    %get3A_21 = arith.constant 0 : index
    %get3A_22 = arith.constant 0 : index
    %get3A_23 = vector.load %arg4[%get3A_21, %get3A_22] : memref<1x128xf32, #tpu.memory_space<vmem>>, vector<1x128xf32>
    %add3A_24 = vector.broadcast %get3A_23 : vector<1x128xf32> to vector<2048x128xf32>
    %add3A_25 = arith.addf %dot_general3A_20, %add3A_24 : vector<2048x128xf32>
    %max3A = arith.constant 0.000000e+00 : f32
    %max3A_26 = vector.broadcast %max3A : f32 to vector<2048x128xf32>
    %max3A_27 = arith.maximumf %add3A_25, %max3A_26 : vector<2048x128xf32>
    %mul3A_28 = vector.broadcast %slice3A : vector<2048x1xf32> to vector<2048x128xf32>
    %mul3A_29 = arith.mulf %max3A_27, %mul3A_28 : vector<2048x128xf32>
    %swap3A = arith.constant 0 : index
    %swap3A_30 = arith.constant 0 : index
    %swap3A_31 = vector.load %arg6[%swap3A, %swap3A_30] : memref<2048x128xf32, #tpu.memory_space<vmem>>, vector<2048x128xf32>
    tpu.vector_store %arg6[%swap3A, %swap3A_30], %mul3A_29 {strides = array<i32>} : memref<2048x128xf32, #tpu.memory_space<vmem>>, vector<2048x128xf32>,
    return
  }
  func.func @transform_0(%arg0: i32) -> (i32, i32, i32) {
    %c0_i32 = arith.constant 0 : i32
    %c0_i32_0 = arith.constant 0 : i32
    %c0_i32_1 = arith.constant 0 : i32
    return %c0_i32, %arg0, %c0_i32_0 : i32, i32, i32
  }
  func.func @transform_1(%arg0: i32) -> (i32, i32) {
    %c0_i32 = arith.constant 0 : i32
    %c0_i32_0 = arith.constant 0 : i32
    return %arg0, %c0_i32 : i32, i32
  }
  func.func @transform_2(%arg0: i32) -> (i32, i32) {
    %c0_i32 = arith.constant 0 : i32
    %c0_i32_0 = arith.constant 0 : i32
    return %arg0, %c0_i32 : i32, i32
  }
  func.func @transform_3(%arg0: i32) -> (i32, i32) {
    %c0_i32 = arith.constant 0 : i32
    %c0_i32_0 = arith.constant 0 : i32
    %c0_i32_1 = arith.constant 0 : i32
    return %c0_i32, %c0_i32_0 : i32, i32
  }
  func.func @transform_4(%arg0: i32) -> (i32, i32) {
    %c0_i32 = arith.constant 0 : i32
    %c0_i32_0 = arith.constant 0 : i32
    %c0_i32_1 = arith.constant 0 : i32
    return %c0_i32, %c0_i32_0 : i32, i32
  }
  func.func @transform_5(%arg0: i32) -> (i32, i32) {
    %c0_i32 = arith.constant 0 : i32
    %c0_i32_0 = arith.constant 0 : i32
    return %arg0, %c0_i32 : i32, i32
  }
}

module attributes {stable_mosaic.version = 14 : i64} {
  func.func @body(%arg0: i32, %arg1: memref<2x2048x128xf32, #tpu.memory_space<vmem>>, %arg2: memref<2048x128xf32, #tpu.memory_space<vmem>>, %arg3: memref<2048x16xf32, #tpu.memory_space<vmem>>, %arg4: memref<1x48xf32, #tpu.memory_space<vmem>>, %arg5: memref<128x48xf32, #tpu.memory_space<vmem>>, %arg6: memref<2048x40xf32, #tpu.memory_space<vmem>>) attributes {dimension_semantics = [#tpu.dimension_semantics<arbitrary>], iteration_bounds = array<i64: 5>, scalar_prefetch = 0 : i64, scratch_operands = 0 : i64, tpu.core_type = #tpu.core_type<tc>, window_params = [{transform_indices = @transform_0, window_bounds = array<i64: 2, 2048, 128>}, {transform_indices = @transform_1, window_bounds = array<i64: 2048, 128>}, {transform_indices = @transform_2, window_bounds = array<i64: 2048, 16>}, {pipeline_mode = #tpu.pipeline_mode<synchronous>, transform_indices = @transform_3, window_bounds = array<i64: 1, 48>}, {pipeline_mode = #tpu.pipeline_mode<synchronous>, transform_indices = @transform_4, window_bounds = array<i64: 128, 48>}, {transform_indices = @transform_5, window_bounds = array<i64: 2048, 40>}]} {
    %get3A = arith.constant 0 : index
    %get3A_0 = arith.constant 0 : index
    %get3A_1 = vector.load %arg3[%get3A, %get3A_0] : memref<2048x16xf32, #tpu.memory_space<vmem>>, vector<2048x16xf32>
    %slice3A = vector.extract_strided_slice %get3A_1 {offsets = [0, 0], sizes = [2048, 1], strides = [1, 1]} : vector<2048x16xf32> to vector<2048x1xf32>
    %get3A_2 = arith.constant 0 : index
    %get3A_3 = arith.constant 0 : index
    %get3A_4 = arith.constant 0 : index
    %get3A_5 = vector.load %arg1[%get3A_2, %get3A_3, %get3A_4] : memref<2x2048x128xf32, #tpu.memory_space<vmem>>, vector<1x2048x128xf32>
    %get3A_6 = vector.shape_cast %get3A_5 : vector<1x2048x128xf32> to vector<2048x128xf32>
    %get3A_7 = arith.constant 1 : index
    %get3A_8 = arith.constant 0 : index
    %get3A_9 = arith.constant 0 : index
    %get3A_10 = vector.load %arg1[%get3A_7, %get3A_8, %get3A_9] : memref<2x2048x128xf32, #tpu.memory_space<vmem>>, vector<1x2048x128xf32>
    %get3A_11 = vector.shape_cast %get3A_10 : vector<1x2048x128xf32> to vector<2048x128xf32>
    %add3A = arith.addf %get3A_6, %get3A_11 : vector<2048x128xf32>
    %get3A_12 = arith.constant 0 : index
    %get3A_13 = arith.constant 0 : index
    %get3A_14 = vector.load %arg2[%get3A_12, %get3A_13] : memref<2048x128xf32, #tpu.memory_space<vmem>>, vector<2048x128xf32>
    %add3A_15 = arith.addf %add3A, %get3A_14 : vector<2048x128xf32>
    %mul3A = vector.broadcast %slice3A : vector<2048x1xf32> to vector<2048x128xf32>
    %mul3A_16 = arith.mulf %add3A_15, %mul3A : vector<2048x128xf32>
    %get3A_17 = arith.constant 0 : index
    %get3A_18 = arith.constant 0 : index
    %get3A_19 = vector.load %arg5[%get3A_17, %get3A_18] : memref<128x48xf32, #tpu.memory_space<vmem>>, vector<128x48xf32>
    %dot_general3A = arith.constant dense<0.000000e+00> : vector<2048x48xf32>
    %dot_general3A_20 = tpu.matmul %mul3A_16, %get3A_19, %dot_general3A {dimension_numbers = #tpu.dot_dimension_numbers<[1], [0], [0], [1], [0, 0, 1, 1], [], []>, transpose_lhs_hint = false} : vector<2048x128xf32>, vector<128x48xf32>, vector<2048x48xf32> -> vector<2048x48xf32>
    %get3A_21 = arith.constant 0 : index
    %get3A_22 = arith.constant 0 : index
    %get3A_23 = vector.load %arg4[%get3A_21, %get3A_22] : memref<1x48xf32, #tpu.memory_space<vmem>>, vector<1x48xf32>
    %add3A_24 = vector.broadcast %get3A_23 : vector<1x48xf32> to vector<2048x48xf32>
    %add3A_25 = arith.addf %dot_general3A_20, %add3A_24 : vector<2048x48xf32>
    %slice3A_26 = vector.extract_strided_slice %add3A_25 {offsets = [0, 0], sizes = [2048, 40], strides = [1, 1]} : vector<2048x48xf32> to vector<2048x40xf32>
    %reduce_max3A = arith.constant dense<0xFF800000> : vector<2048xf32>
    %reduce_max3A_27 = vector.multi_reduction <maximumf>, %slice3A_26, %reduce_max3A [1] : vector<2048x40xf32> to vector<2048xf32>
    %broadcast_in_dim3A = vector.shape_cast %reduce_max3A_27 : vector<2048xf32> to vector<2048x1xf32>
    %sub3A = vector.broadcast %broadcast_in_dim3A : vector<2048x1xf32> to vector<2048x40xf32>
    %sub3A_28 = arith.subf %slice3A_26, %sub3A : vector<2048x40xf32>
    %exp3A = math.exp %sub3A_28 : vector<2048x40xf32>
    %reduce_sum3A = arith.constant dense<0.000000e+00> : vector<2048xf32>
    %reduce_sum3A_29 = vector.multi_reduction <add>, %exp3A, %reduce_sum3A [1] : vector<2048x40xf32> to vector<2048xf32>
    %broadcast_in_dim3A_30 = vector.shape_cast %reduce_sum3A_29 : vector<2048xf32> to vector<2048x1xf32>
    %log3A = math.log %broadcast_in_dim3A_30 : vector<2048x1xf32>
    %add3A_31 = arith.addf %log3A, %broadcast_in_dim3A : vector<2048x1xf32>
    %sub3A_32 = vector.broadcast %add3A_31 : vector<2048x1xf32> to vector<2048x40xf32>
    %sub3A_33 = arith.subf %slice3A_26, %sub3A_32 : vector<2048x40xf32>
    %swap3A = arith.constant 0 : index
    %swap3A_34 = arith.constant 0 : index
    %swap3A_35 = vector.load %arg6[%swap3A, %swap3A_34] : memref<2048x40xf32, #tpu.memory_space<vmem>>, vector<2048x40xf32>
    tpu.vector_store %arg6[%swap3A, %swap3A_34], %sub3A_33 {strides = array<i32>} : memref<2048x40xf32, #tpu.memory_space<vmem>>, vector<2048x40xf32>,
    return
  }
  func.func @transform_0(%arg0: i32) -> (i32, i32, i32) {
    %c0_i32 = arith.constant 0 : i32
    %c0_i32_0 = arith.constant 0 : i32
    %c0_i32_1 = arith.constant 0 : i32
    return %c0_i32, %arg0, %c0_i32_0 : i32, i32, i32
  }
  func.func @transform_1(%arg0: i32) -> (i32, i32) {
    %c0_i32 = arith.constant 0 : i32
    %c0_i32_0 = arith.constant 0 : i32
    return %arg0, %c0_i32 : i32, i32
  }
  func.func @transform_2(%arg0: i32) -> (i32, i32) {
    %c0_i32 = arith.constant 0 : i32
    %c0_i32_0 = arith.constant 0 : i32
    return %arg0, %c0_i32 : i32, i32
  }
  func.func @transform_3(%arg0: i32) -> (i32, i32) {
    %c0_i32 = arith.constant 0 : i32
    %c0_i32_0 = arith.constant 0 : i32
    %c0_i32_1 = arith.constant 0 : i32
    return %c0_i32, %c0_i32_0 : i32, i32
  }
  func.func @transform_4(%arg0: i32) -> (i32, i32) {
    %c0_i32 = arith.constant 0 : i32
    %c0_i32_0 = arith.constant 0 : i32
    %c0_i32_1 = arith.constant 0 : i32
    return %c0_i32, %c0_i32_0 : i32, i32
  }
  func.func @transform_5(%arg0: i32) -> (i32, i32) {
    %c0_i32 = arith.constant 0 : i32
    %c0_i32_0 = arith.constant 0 : i32
    return %arg0, %c0_i32 : i32, i32
  }
}

</mosaic_0001>

<sc_bundles>
// kernel: kernel.11.cloned.1.call-start
scs
__scs_entry_jumppad:
0x0: {  	(pc) =	sbr.rel $0x88, $3  }
0x1: {  	(tag) =	ssettag $0x0;
	lr =	simm.s32 $0x1  }
0x2: {  	[smem:$0x3F9B] =	sst lr;
	_ =	strace $0xD0000000  }
0x3: {  	_ = 	snop  }
0x4: {  	_ = 	snop  }
0x5: {  	_ = 	snop  }
0x6: {  	_ = 	snop  }
0x7: {  	_ = 	snop  }
__scs_overlays_trampoline_lowered:
0x8: {  	[smem:$0x3FAA] =	sst s0  }
0x9: {  	[smem:$0x3FAB] =	sst s1  }
0xa: {  	[smem:$0x3FAC] =	sst s2  }
0xb: {  	[smem:$0x3FAD] =	sst s3  }
0xc: {  	[smem:$0x3FAE] =	sst s4  }
0xd: {  	[smem:$0x3FAF] =	sst s5  }
0xe: {  	[smem:$0x3FB0] =	sst s6  }
0xf: {  	[smem:$0x3FB1] =	sst s7  }
0x10: {  	[smem:$0x3FB2] =	sst s8  }
0x11: {  	[smem:$0x3FB3] =	sst s9;
	s0 =	simm.s32 @!p0 $0x0  }
0x12: {  	s1 =	sld [smem:$0x3F99];
	s0 =	simm.s32 @p0 $0x1  }
0x13: {  	[smem:$0x3FB4] =	sst s0;
	s0 =	simm.s32 @!p1 $0x0  }
0x14: {  	s2 =	sld [smem:$0x3F98];
	s0 =	simm.s32 @p1 $0x1  }
0x15: {  	[smem:$0x3FB5] =	sst s0;
	s0 =	simm.s32 @!p2 $0x0  }
0x16: {  	s3 =	sld [smem:$0x3FDB];
	s0 =	simm.s32 @p2 $0x1  }
0x17: {  	s4 =	simm.s32 $0x1BF5;
	[smem:$0x3FB7] =	sst s0  }
0x18: {  	s0 =	sld [smem:$0x3F9A];
	_ =	swait.ge [sflag:s4], $0x0  }
0x19: {  	s7 =	sld [smem:$0x3F9B]  }
0x1a: {  	s8 =	sadd.s32 $0xFFFFE003, lr  }
0x1b: {  	s9 =	sadd.s32 $0xFFFFFEF7, lr;
	s5 =	simm.s32 $0xFFFFFFFF;
	p2 =	slt.u32 s8, $0xFFFFF086  }
0x1c: {  	p1 =	slt.u32 s9, $0xF7A;
	s5 =	simm.s32 @!p2 $0x0  }
0x1d: {  	s5 =	simm.s32 @p1 $0x1;
	p0 =	seq.s32 s7, s2  }
0x1e: {  	s7 =	smul.u32 @!p0 $0xF7A, s2;
	p2 =	seq.s32 @!p0 s5, $0x0  }
0x1f: {  	s9 =	smul.u32 $0xF7A, s1;
	s8 =	simm.s32 @!p0 $0x1BF5;
	p2 =	por !p2, p0  }
0x20: {  	[sflag:s8] =	ssyncset.s32 @!p0 $0xFFFFF086;
	s6 =	sadd.s32 @!p0 s3, s7;
	s7 =	simm.s32 @!p0 $0x108  }
0x21: {  	s3 =	sadd.s32 s3, s9;
	s6 =	sadd.s32 @!p0 $0x88, s6;
	s7 =	simm.s32 @p2 $0x1082  }
0x22: {  	[simem:s7], [sflag:s8] =	dma.local @!p0 [hbm:s6], $0xF7A  }
0x23: {  	s9 =	sor.u32 $0xD0000000, s2;
	s6 =	simm.s32 $0x108;
	_ =	swait.ge @!p0 [sflag:s8], $0x0  }
0x24: {  	s3 =	sadd.s32 $0x88, s3;
	s6 =	simm.s32 @!p1 $0x1082;
	[sflag:s4] =	ssyncset.s32 $0xFFFFF086  }
0x25: {  	[simem:s6], [sflag:s4] =	dma.local [hbm:s3], $0xF7A  }
0x26: {  	[smem:$0x3F9B] =	sst s1;
	(tag) =	ssettag s2;
	_ =	strace s9  }
0x27: {  	s1 =	sld [smem:$0x3FAB]  }
0x28: {  	s2 =	sld [smem:$0x3FAC]  }
0x29: {  	s4 =	sld [smem:$0x3FAE]  }
0x2a: {  	p0 =	seq.s32 s5, $0x0;
	s5 =	sld [smem:$0x3FAF]  }
0x2b: {  	s6 =	sld [smem:$0x3FB0]  }
0x2c: {  	s7 =	sld [smem:$0x3FB1]  }
0x2d: {  	s3 =	simm.s32 $0x108;
	s8 =	sld [smem:$0x3FB2]  }
0x2e: {  	s3 =	simm.s32 @!p0 $0x1082;
	s9 =	sld [smem:$0x3FB3]  }
0x2f: {  	lr =	sadd.s32 s0, s3;
	s0 =	sld [smem:$0x3FAA]  }
0x30: {  	s3 =	sld [smem:$0x3FAD]  }
0x31: {  	[smem:$0x3FB6] =	sst s10  }
0x32: {  	s10 =	sld [smem:$0x3FB4];
	_ =	sdelay $0x3  }
0x33: {  	p0 =	seq.s32 s10, $0x1;
	s10 =	sld [smem:$0x3FB6];
	_ =	sdelay $0x3  }
0x34: {  	[smem:$0x3FB6] =	sst s10  }
0x35: {  	s10 =	sld [smem:$0x3FB5];
	_ =	sdelay $0x3  }
0x36: {  	p1 =	seq.s32 s10, $0x1;
	s10 =	sld [smem:$0x3FB6];
	_ =	sdelay $0x3  }
0x37: {  	[smem:$0x3FB6] =	sst s10  }
0x38: {  	s10 =	sld [smem:$0x3FB7]  }
0x39: {  	_ = 	snop;
	(pc) =	sbr.ind lr, $3  }
0x3a: {  	_ = 	snop  }
0x3b: {  	_ = 	snop  }
0x3c: {  	p2 =	seq.s32 s10, $0x1;
	s10 =	sld [smem:$0x3FB6]  }
0x3d: {  	_ =	shalt  }
0x3e: {  	_ =	shalt  }
0x3f: {  	_ =	shalt  }
0x40: {  	_ =	shalt  }
0x41: {  	_ =	shalt  }
0x42: {  	_ =	shalt  }
0x43: {  	_ =	shalt  }
0x44: {  	_ =	shalt  }
0x45: {  	_ =	shalt  }
0x46: {  	_ =	shalt  }
0x47: {  	_ =	shalt  }
0x48: {  	_ =	shalt  }
0x49: {  	_ =	shalt  }
0x4a: {  	_ =	shalt  }
0x4b: {  	_ =	shalt  }
0x4c: {  	_ =	shalt  }
0x4d: {  	_ =	shalt  }
0x4e: {  	_ =	shalt  }
0x4f: {  	_ =	shalt  }
0x50: {  	_ =	shalt  }
0x51: {  	_ =	shalt  }
0x52: {  	_ =	shalt  }
0x53: {  	_ =	shalt  }
0x54: {  	_ =	shalt  }
0x55: {  	_ =	shalt  }
0x56: {  	_ =	shalt  }
0x57: {  	_ =	shalt  }
0x58: {  	_ =	shalt  }
0x59: {  	_ =	shalt  }
0x5a: {  	_ =	shalt  }
0x5b: {  	_ =	shalt  }
0x5c: {  	_ =	shalt  }
0x5d: {  	_ =	shalt  }
0x5e: {  	_ =	shalt  }
0x5f: {  	_ =	shalt  }
0x60: {  	_ =	shalt  }
0x61: {  	_ =	shalt  }
0x62: {  	_ =	shalt  }
0x63: {  	_ =	shalt  }
0x64: {  	_ =	shalt  }
0x65: {  	_ =	shalt  }
0x66: {  	_ =	shalt  }
0x67: {  	_ =	shalt  }
0x68: {  	_ =	shalt  }
0x69: {  	_ =	shalt  }
0x6a: {  	_ =	shalt  }
0x6b: {  	_ =	shalt  }
0x6c: {  	_ =	shalt  }
0x6d: {  	_ =	shalt  }
0x6e: {  	_ =	shalt  }
0x6f: {  	_ =	shalt  }
0x70: {  	_ =	shalt  }
0x71: {  	_ =	shalt  }
0x72: {  	_ =	shalt  }
0x73: {  	_ =	shalt  }
0x74: {  	_ =	shalt  }
0x75: {  	_ =	shalt  }
0x76: {  	_ =	shalt  }
0x77: {  	_ =	shalt  }
0x78: {  	_ =	shalt  }
0x79: {  	_ =	shalt  }
0x7a: {  	_ =	shalt  }
0x7b: {  	_ =	shalt  }
0x7c: {  	_ =	shalt  }
0x7d: {  	_ =	shalt  }
0x7e: {  	_ =	shalt  }
0x7f: {  	_ =	shalt  }
0x80: {  	_ =	shalt  }
0x81: {  	_ =	shalt  }
0x82: {  	_ =	shalt  }
0x83: {  	_ =	shalt  }
0x84: {  	_ =	shalt  }
0x85: {  	_ =	shalt  }
0x86: {  	_ =	shalt  }
0x87: {  	_ =	shalt  }
.Lfunc_end0:
.L_simem_size_0:
called_computation.1_lowered:
.L_overlay_start_0:
0x88: {  	s2 =	sld [smem:$0x3FD9]  }
0x89: {  	s3 =	sld [smem:$0x3FFE];
	_ =	sdelay $0x1  }
0x8a: {  	s1 =	srdreg.scid  }
0x8b: {  	s0 =	sand.u32 $0x1, s1  }
0x8c: {  	s17 =	sshll.u32 s0, $0xA;
	s2 =	sadd.s32 s3, s2  }
0x8d: {  	s2 =	sadd.s32 s2, s17  }
0x8e: {  	[smem:$0x3FC2] =	sst s2  }
0x8f: {  	_ = 	snop  }
0x90: {  	s2 =	sld [smem:$0x3FD0];
	(tm) =	ssettm $0x1  }
0x91: {  	s18 =	sld [smem:$0x3FFB];
	_ =	sdelay $0x3  }
0x92: {  	_ =	strace s18  }
0x93: {  	s3 =	sld [smem:$0x3FFC];
	_ =	sdelay $0x3  }
0x94: {  	_ =	strace s3  }
0x95: {  	s3 =	sld [smem:$0x3FFD];
	_ =	sdelay $0x3  }
0x96: {  	_ =	strace s3  }
0x97: {  	_ =	strace $0x8FFFFFFF  }
0x98: {  	s19 =	sld [smem:$0x3FDB];
	_ =	sdelay $0x1  }
0x99: {  	s4 =	simm.s32 $_scs_section_size  }
0x9a: {  	s5 =	simm.s32 $_size__tile_overlayer_lowered;
	s6 =	simm.s32 $_tile_overlayer_lowered  }
0x9b: {  	s22 =	simm.s32 $0x1BFF;
	s21 =	sshll.u32 s6, $0x1;
	s3 =	sadd.s32 s4, s19  }
0x9c: {  	s7 =	simm.s32 $0x0;
	s20 =	sshll.u32 s5, $0x1;
	s5 =	sadd.s32 s21, s3  }
0x9d: {  	[timem:s7], [sflag:s22] =	dma.local [hbm:s5], s20  }
0x9e: {  	_ =	swait.ge [sflag:s22], s20  }
0x9f: {  	s4 =	ssub.s32 $0x0, s20;
	[sflag:s22] =	ssyncset.done $0x0  }
0xa0: {  	[sflag:s22] =	ssyncadd.s32 s4;
	_ =	sdelay $0x1  }
0xa1: {  	s23 =	simm.s32 $0x1B8B  }
0xa2: {  	_ =	swait.ge [sflag:s23], $0x1  }
0xa3: {  	[sflag:s23] =	ssyncset.done $0x0  }
0xa4: {  	s25 =	simm.s32 $0x1B8E;
	s24 =	sld [smem:$0x3FFE];
	[sflag:s23] =	ssyncadd.s32 $0xFFFFFFFF  }
0xa5: {  	s26 =	simm.s32 $execute0_lowered;
	[smem:$0x3FD2] =	sst s25  }
0xa6: {  	s5 =	sshll.u32 s26, $0x1;
	_ =	strace $0x80000049;
	[dreg:$0x1] =	wrdreg $0xFFFFFFFF  }
0xa7: {  	s28 =	simm.s32 $_size_execute0_lowered;
	s3 =	sadd.s32 s3, s5;
	[dreg:$0x0] =	wrdreg $0x0  }
0xa8: {  	s5 =	sshll.u32 s28, $0x1;
	[dreg:$0x2] =	wrdreg s3  }
0xa9: {  	[dreg:$0x3] =	wrdreg s5  }
0xaa: {  	[dreg:$0x4] =	wrdreg $0xC0  }
0xab: {  	_ =	task [dreg:s7], $0x5FFFF  }
0xac: {  	[dreg:$0x1] =	wrdreg $0xFFFFFFFF  }
0xad: {  	[dreg:$0x0] =	wrdreg $0x60  }
0xae: {  	[dreg:$0x2] =	wrdreg s24  }
0xaf: {  	[dreg:$0x3] =	wrdreg s2  }
0xb0: {  	[dreg:$0x4] =	wrdreg $0xD1000  }
0xb1: {  	[dreg:$0x5] =	wrdreg $0x9  }
0xb2: {  	_ =	task.clear_ibuf [dreg:s7], $0x6FFFF;
	_ =	strace $0x90000049  }
0xb3: {  	s29 =	simm.s32 $0x9;
	_ =	strace $0x8000004B  }
0xb4: {  	_ =	swait.ge [sflag:s29], $0x1  }
0xb5: {  	[sflag:s29] =	ssyncadd.s32 $0xFFFFFFFF  }
0xb6: {  	_ =	strace $0x9000004B  }
0xb7: {  	_ =	sfence  }
0xb8: {  	s30 =	sld [smem:$0x0];
	_ =	sdelay $0x2  }
0xb9: {  	s31 =	sshll.u32 s1, $0xD;
	s1 =	sshrl.u32 s1, $0x2  }
0xba: {  	s3 =	sand.u32 $0x4000, s31;
	s1 =	sadd.s32 s1, s30  }
0xbb: {  	s0 =	sor.u32 s3, s0;
	s1 =	sshll.u32 s1, $0x11  }
0xbc: {  	s0 =	sor.u32 s1, s0  }
0xbd: {  	s0 =	sadd.s32 $0x8F2B, s0  }
0xbe: {  	[sflag:s0] =	ssyncadd.remote.s32 $0x1  }
0xbf: {  	_ =	sfence.sel $0xFFFF  }
0xc0: {  	[dreg:$0x0] =	wrdreg $0xFFFFFFFF;
	(pc) =	sbr.abs _section_cstart, $3  }
0xc1: {  	[dreg:$0x1] =	wrdreg $0xFFFFFFFF  }
0xc2: {  	_ =	task.clear_ibuf [dreg:s7], $0x2FFFF;
	_ =	strace $0x9FFFFFFF  }
0xc3: {  	(tm) =	ssettm $0x7FFFFFFF  }
tec
execute0_lowered:
.L_overlay_start_1:
0x0: {  	(tag) =	ssettag $0x1  }
0x1: {  	s6 =	rddreg [dreg:$0x0]  }
0x2: {  	s1 =	rddreg [dreg:$0x1]  }
0x3: {  	s3 =	rddreg [dreg:$0x2]  }
0x4: {  	s0 =	rddreg [dreg:$0x3];
	s5 =	srdreg.scid  }
0x5: {  	s4 =	simm.s32 $0x0;
	s2 =	stileid.u32;
	s15 =	simm.s32 $0x50  }
0x6: {  	s16 =	simm.s32 $0x8100;
	s17 =	simm.s32 $0x1;
	s18 =	simm.s32 $0xA900  }
0x7: {  	s19 =	simm.s32 $0x8000;
	s20 =	simm.s32 $0x8080;
	s10 =	smul.u32 $0xA000, s2  }
0x8: {  	s22 =	simm.s32 $0x0;
	s7 =	sand.u32 $0x1, s5;
	s29 =	smul.u32 $0x29000, s2  }
0x9: {  	s8 =	sshll.u32 s2, $0xB;
	[smem:$0x7FF] =	sst s4;
	s12 =	smul.u32 $0x28000, s2  }
0xa: {  	s13 =	sshll.u32 s2, $0x6;
	s5 =	sshll.u32 s7, $0xF;
	s9 =	smul.u32 $0x140000, s7  }
0xb: {  	_ =	strace $0x8000004A;
	s7 =	ssub.s32 $0x2, s7;
	s13 =	sor.u32 $0x1C02, s13  }
0xc: {  	s8 =	sor.u32 s8, s5;
	s5 =	sadd.s32 $0x2800, s6;
	s11 =	sshrl.u32 s7, $0x1  }
0xd: {  	s30 =	sshrl.u32 s29, $0x2;
	s31 =	sshrl.u32 s12, $0x2;
	s12 =	simm.s32 $0x4000  }
0xe: {  	s8 =	sadd.s32 s8, s6;
	s9 =	sadd.s32 s10, s9;
	s11 =	ssub.s32 s7, s11  }
0xf: {  	s14 =	sadd.s32 s30, s3;
	s21 =	sadd.s32 s31, s3;
	s9 =	sshrl.u32 s9, $0x3  }
0x10: {  	s7 =	sadd.s32 $0x4CC00, s8;
	s10 =	smax.u32 s11, $0x1;
	s11 =	simm.s32 $0x2  }
0x11: {  	s14 =	sshrl.u32 s14, $0x3;
	s21 =	sshrl.u32 s21, $0x3;
	s9 =	sadd.s32 s9, s6  }
0x12: {  	s6 =	sadd.s32 $0x5CC00, s8;
	s8 =	sadd.s32 $0x6CC00, s9;
	s9 =	sadd.s32 $0x80C00, s9  }
.LBB2_1:
0x13: {  	[tilespmem:s4], [sflag:$0x2] =	stream.linear.gather [hbm4b:s6+s4], $0x3F00, $0x38;
	[tilespmem:$0x17500] =	vst v63  }
0x14: {  	_ =	swait.ge [sflag:s11], $0x3F00  }
0x15: {  	[sflag:s11] =	ssyncset.done $0x0  }
0x16: {  	[sflag:s11] =	ssyncadd.s32 $0xFFFFC100  }
0x17: {  	[tilespmem:s12], [sflag:$0x2] =	stream.linear.gather [hbm4b:s7+s4], $0x3F00, $0x38;
	[tilespmem:$0x17500] =	vst v63  }
0x18: {  	_ =	swait.ge [sflag:s11], $0x3F00  }
0x19: {  	[sflag:s11] =	ssyncset.done $0x0  }
0x1a: {  	[sflag:s11] =	ssyncadd.s32 $0xFFFFC100  }
0x1b: {  	[spmem:s14], [sflag:s13] =	dma.local [hbm:s1], $0x1480  }
0x1c: {  	_ =	swait.ge [sflag:s11], $0x1480  }
0x1d: {  	[sflag:s11] =	ssyncset.done $0x0  }
0x1e: {  	[sflag:s11] =	ssyncadd.s32 $0xFFFFEB80  }
0x1f: {  	[bflag:$0x0] =	sbarrier.arrive $0xFFFF  }
0x20: {  	[tilespmem:s16], [sflag:$0x1] =	stream.indirect.gather [hbm4b:s5+s15], $0x80, s4, s15, $0xb8;
	[tilespmem:$0x17500] =	vst v63  }
0x21: {  	_ =	swait.ge [sflag:s17], $0x2800  }
0x22: {  	[sflag:s17] =	ssyncset.done $0x0  }
0x23: {  	s24 =	simm.s32 $0x4080;
	s23 =	simm.s32 $0x80;
	[sflag:s17] =	ssyncadd.s32 $0xFFFFD800  }
0x24: {  	[tilespmem:s18], [sflag:$0x1] =	stream.indirect.gather [hbm4b:s5+s15], $0x80, s23, s15, $0xb8;
	[tilespmem:$0x17500] =	vst v63  }
0x25: {  	v0 =	vld [tilespmem:s24+$0xFFFFFF80];
	_ =	sdelay $0x3  }
0x26: {  	s29 =	sand.u32 $0x70, s4  }
0x27: {  	s25 =	sor.u32 $0x1400, s29;
	vm0 =	vlt.u32 v0, $0x1400  }
0x28: {  	v0 =	vnsel vm0, s25, v0  }
0x29: {  	[tilespmem:$0x8000] =	vst v0  }
0x2a: {  	v0 =	vld [tilespmem:s24+$0xFFFFFF90];
	_ =	sdelay $0x4  }
0x2b: {  	s23 =	sor.u32 $0x1408, s29;
	vm7 =	vlt.u32 v0, $0x1400  }
0x2c: {  	v0 =	vnsel vm7, s23, v0  }
0x2d: {  	[tilespmem:$0x8010] =	vst v0  }
0x2e: {  	v0 =	vld [tilespmem:s24+$0xFFFFFFA0];
	_ =	sdelay $0x2  }
0x2f: {  	s30 =	simm.s32 $0x10  }
0x30: {  	s23 =	sand.u32 $0x70, s30  }
0x31: {  	s23 =	sor.u32 $0x1400, s23;
	vm8 =	vlt.u32 v0, $0x1400  }
0x32: {  	v0 =	vnsel vm8, s23, v0  }
0x33: {  	[tilespmem:$0x8020] =	vst v0  }
0x34: {  	v0 =	vld [tilespmem:s24+$0xFFFFFFB0];
	_ =	sdelay $0x2  }
0x35: {  	s31 =	simm.s32 $0x18  }
0x36: {  	s23 =	sand.u32 $0x78, s31  }
0x37: {  	s23 =	sor.u32 $0x1400, s23;
	vm9 =	vlt.u32 v0, $0x1400  }
0x38: {  	v0 =	vnsel vm9, s23, v0  }
0x39: {  	[tilespmem:$0x8030] =	vst v0  }
0x3a: {  	v0 =	vld [tilespmem:s24+$0xFFFFFFC0];
	_ =	sdelay $0x2  }
0x3b: {  	s25 =	simm.s32 $0x20  }
0x3c: {  	s23 =	sand.u32 $0x70, s25  }
0x3d: {  	s23 =	sor.u32 $0x1400, s23;
	vm10 =	vlt.u32 v0, $0x1400  }
0x3e: {  	v0 =	vnsel vm10, s23, v0  }
0x3f: {  	[tilespmem:$0x8040] =	vst v0  }
0x40: {  	[spmem:s3] =	stream.indirect.scatter.add.f32 [tilespmem:s16], [sflag:$0x2], $0x80, s19, s15, $0xb8;
	[tilespmem:$0x17500] =	vst v63  }
0x41: {  	_ =	swait.ge [sflag:s11], $0x2800  }
0x42: {  	[sflag:s11] =	ssyncset.done $0x0  }
0x43: {  	[sflag:s11] =	ssyncadd.s32 $0xFFFFD800  }
0x44: {  	p0 =	por $0x0, $0x0;
	_ =	swait.ge [sflag:s17], $0x2800  }
0x45: {  	s26 =	simm.s32 @!p0 $0x8100;
	[sflag:s17] =	ssyncset.done $0x0  }
0x46: {  	s25 =	simm.s32 @!p0 $0x50;
	s23 =	simm.s32 $0x100;
	[sflag:s17] =	ssyncadd.s32 $0xFFFFD800  }
0x47: {  	[tilespmem:s26], [sflag:$0x1] =	stream.indirect.gather @!p0 [hbm4b:s5+s25], $0x80, s23, s25, $0xb8;
	[tilespmem:$0x17500] =	vst v63  }
0x48: {  	v63 =	vld [tilespmem:s24+$0x0];
	_ =	sdelay $0x2  }
0x49: {  	s26 =	simm.s32 $0x28  }
0x4a: {  	s25 =	sand.u32 $0x78, s26  }
0x4b: {  	s25 =	sor.u32 $0x1400, s25;
	vm11 =	vlt.u32 v63, $0x1400  }
0x4c: {  	v0 =	vnsel vm11, s25, v63  }
0x4d: {  	[tilespmem:$0x8080] =	vst v0  }
0x4e: {  	v0 =	vld [tilespmem:s24+$0x10];
	_ =	sdelay $0x2  }
0x4f: {  	s28 =	simm.s32 $0x30  }
0x50: {  	s25 =	sand.u32 $0x70, s28  }
0x51: {  	s25 =	sor.u32 $0x1400, s25;
	vm12 =	vlt.u32 v0, $0x1400  }
0x52: {  	v0 =	vnsel vm12, s25, v0  }
0x53: {  	[tilespmem:$0x8090] =	vst v0  }
0x54: {  	v0 =	vld [tilespmem:s24+$0x20];
	_ =	sdelay $0x2  }
0x55: {  	s29 =	simm.s32 $0x38  }
0x56: {  	s25 =	sand.u32 $0x78, s29  }
0x57: {  	s25 =	sor.u32 $0x1400, s25;
	vm13 =	vlt.u32 v0, $0x1400  }
0x58: {  	v0 =	vnsel vm13, s25, v0  }
0x59: {  	[tilespmem:$0x80A0] =	vst v0  }
0x5a: {  	v0 =	vld [tilespmem:s24+$0x30];
	_ =	sdelay $0x2  }
0x5b: {  	s30 =	simm.s32 $0x40  }
0x5c: {  	s25 =	sand.u32 $0x70, s30  }
0x5d: {  	s25 =	sor.u32 $0x1400, s25;
	vm14 =	vlt.u32 v0, $0x1400  }
0x5e: {  	v0 =	vnsel vm14, s25, v0  }
0x5f: {  	[tilespmem:$0x80B0] =	vst v0  }
0x60: {  	v0 =	vld [tilespmem:s24+$0x40];
	_ =	sdelay $0x2  }
0x61: {  	s31 =	simm.s32 $0x48  }
0x62: {  	s24 =	sand.u32 $0x78, s31  }
0x63: {  	s24 =	sor.u32 $0x1400, s24;
	vm15 =	vlt.u32 v0, $0x1400  }
0x64: {  	v0 =	vnsel vm15, s24, v0  }
0x65: {  	[tilespmem:$0x80C0] =	vst v0  }
0x66: {  	[spmem:s3] =	stream.indirect.scatter.add.f32 [tilespmem:s18], [sflag:$0x2], $0x80, s20, s15, $0xb8;
	[tilespmem:$0x17500] =	vst v63  }
0x67: {  	_ =	swait.ge [sflag:s11], $0x2800  }
0x68: {  	s25 =	simm.s32 $0x4180;
	s24 =	simm.s32 $0x50;
	[sflag:s11] =	ssyncset.done $0x0  }
.LBB2_2:
0x69: {  	[sflag:s11] =	ssyncadd.s32 $0xFFFFD800  }
0x6a: {  	s23 =	sadd.s32 $0x100, s23;
	s26 =	smov.u32 s24;
	s24 =	sadd.s32 $0x50, s24  }
0x6b: {  	_ =	swait.ge [sflag:s17], $0x2800;
	p0 =	sne.s32 s24, $0x13B0  }
0x6c: {  	[sflag:s17] =	ssyncset.done $0x0  }
0x6d: {  	s28 =	sadd.s32 $0xFFFFFF80, s23;
	[sflag:s17] =	ssyncadd.s32 $0xFFFFD800  }
0x6e: {  	[tilespmem:s18], [sflag:$0x1] =	stream.indirect.gather [hbm4b:s5+s15], $0x80, s28, s15, $0xb8;
	[tilespmem:$0x17500] =	vst v63  }
0x6f: {  	v0 =	vld [tilespmem:s25+$0xFFFFFF80];
	_ =	sdelay $0x3  }
0x70: {  	s28 =	sand.u32 $0x70, s26  }
0x71: {  	s29 =	sor.u32 $0x1400, s28;
	vm0 =	vlt.u32 v0, $0x1400  }
0x72: {  	v0 =	vnsel vm0, s29, v0  }
0x73: {  	[tilespmem:$0x8000] =	vst v0  }
0x74: {  	v0 =	vld [tilespmem:s25+$0xFFFFFF90];
	_ =	sdelay $0x4  }
0x75: {  	s28 =	sor.u32 $0x1408, s28;
	vm0 =	vlt.u32 v0, $0x1400  }
0x76: {  	v0 =	vnsel vm0, s28, v0  }
0x77: {  	[tilespmem:$0x8010] =	vst v0  }
0x78: {  	v0 =	vld [tilespmem:s25+$0xFFFFFFA0];
	_ =	sdelay $0x2  }
0x79: {  	s28 =	sadd.s32 $0x10, s26  }
0x7a: {  	s28 =	sand.u32 $0x70, s28  }
0x7b: {  	s28 =	sor.u32 $0x1400, s28;
	vm0 =	vlt.u32 v0, $0x1400  }
0x7c: {  	v0 =	vnsel vm0, s28, v0  }
0x7d: {  	[tilespmem:$0x8020] =	vst v0  }
0x7e: {  	v0 =	vld [tilespmem:s25+$0xFFFFFFB0];
	_ =	sdelay $0x2  }
0x7f: {  	s28 =	sadd.s32 $0x18, s26  }
0x80: {  	s28 =	sand.u32 $0x78, s28  }
0x81: {  	s28 =	sor.u32 $0x1400, s28;
	vm0 =	vlt.u32 v0, $0x1400  }
0x82: {  	v0 =	vnsel vm0, s28, v0  }
0x83: {  	[tilespmem:$0x8030] =	vst v0  }
0x84: {  	v0 =	vld [tilespmem:s25+$0xFFFFFFC0];
	_ =	sdelay $0x2  }
0x85: {  	s28 =	sadd.s32 $0x20, s26  }
0x86: {  	s28 =	sand.u32 $0x70, s28  }
0x87: {  	s28 =	sor.u32 $0x1400, s28;
	vm0 =	vlt.u32 v0, $0x1400  }
0x88: {  	v0 =	vnsel vm0, s28, v0  }
0x89: {  	[tilespmem:$0x8040] =	vst v0  }
0x8a: {  	[spmem:s3] =	stream.indirect.scatter.add.f32 [tilespmem:s16], [sflag:$0x2], $0x80, s19, s15, $0xb8;
	[tilespmem:$0x17500] =	vst v63  }
0x8b: {  	_ =	swait.ge [sflag:s11], $0x2800  }
0x8c: {  	[sflag:s11] =	ssyncset.done $0x0  }
0x8d: {  	[sflag:s11] =	ssyncadd.s32 $0xFFFFD800  }
0x8e: {  	_ =	swait.ge [sflag:s17], $0x2800  }
0x8f: {  	p1 =	seq.s32 s26, $0x1360;
	[sflag:s17] =	ssyncset.done $0x0  }
0x90: {  	s29 =	simm.s32 @!p1 $0x8100;
	s28 =	simm.s32 @!p1 $0x50;
	[sflag:s17] =	ssyncadd.s32 $0xFFFFD800  }
0x91: {  	[tilespmem:s29], [sflag:$0x1] =	stream.indirect.gather @!p1 [hbm4b:s5+s28], $0x80, s23, s28, $0xb8;
	[tilespmem:$0x17500] =	vst v63  }
0x92: {  	v0 =	vld [tilespmem:s25+$0x0];
	_ =	sdelay $0x2  }
0x93: {  	s28 =	sadd.s32 $0x28, s26  }
0x94: {  	s28 =	sand.u32 $0x78, s28  }
0x95: {  	s28 =	sor.u32 $0x1400, s28;
	vm0 =	vlt.u32 v0, $0x1400  }
0x96: {  	v0 =	vnsel vm0, s28, v0  }
0x97: {  	[tilespmem:$0x8080] =	vst v0  }
0x98: {  	v0 =	vld [tilespmem:s25+$0x10];
	_ =	sdelay $0x2  }
0x99: {  	s28 =	sadd.s32 $0x30, s26  }
0x9a: {  	s28 =	sand.u32 $0x70, s28  }
0x9b: {  	s28 =	sor.u32 $0x1400, s28;
	vm0 =	vlt.u32 v0, $0x1400  }
0x9c: {  	v0 =	vnsel vm0, s28, v0  }
0x9d: {  	[tilespmem:$0x8090] =	vst v0  }
0x9e: {  	v0 =	vld [tilespmem:s25+$0x20];
	_ =	sdelay $0x2  }
0x9f: {  	s28 =	sadd.s32 $0x38, s26  }
0xa0: {  	s28 =	sand.u32 $0x78, s28  }
0xa1: {  	s28 =	sor.u32 $0x1400, s28;
	vm0 =	vlt.u32 v0, $0x1400  }
0xa2: {  	v0 =	vnsel vm0, s28, v0  }
0xa3: {  	[tilespmem:$0x80A0] =	vst v0  }
0xa4: {  	v0 =	vld [tilespmem:s25+$0x30];
	_ =	sdelay $0x2  }
0xa5: {  	s28 =	sadd.s32 $0x40, s26  }
0xa6: {  	s28 =	sand.u32 $0x70, s28  }
0xa7: {  	s28 =	sor.u32 $0x1400, s28;
	vm0 =	vlt.u32 v0, $0x1400  }
0xa8: {  	v0 =	vnsel vm0, s28, v0  }
0xa9: {  	[tilespmem:$0x80B0] =	vst v0  }
0xaa: {  	v0 =	vld [tilespmem:s25+$0x40];
	_ =	sdelay $0x2  }
0xab: {  	s26 =	sadd.s32 $0x48, s26  }
0xac: {  	s26 =	sand.u32 $0x78, s26  }
0xad: {  	s26 =	sor.u32 $0x1400, s26;
	vm0 =	vlt.u32 v0, $0x1400  }
.Ltmp0:
0xae: {  	v0 =	vnsel vm0, s26, v0;
	(pc) =	sbr.rel @p0 .LBB2_2-.Ltmp0, $4  }
0xaf: {  	[tilespmem:$0x80C0] =	vst v0  }
0xb0: {  	[spmem:s3] =	stream.indirect.scatter.add.f32 [tilespmem:s18], [sflag:$0x2], $0x80, s20, s15, $0xb8;
	[tilespmem:$0x17500] =	vst v63  }
0xb1: {  	_ =	swait.ge [sflag:s11], $0x2800  }
0xb2: {  	s25 =	sadd.s32 $0x100, s25;
	[sflag:s11] =	ssyncset.done $0x0  }
0xb3: {  	[sflag:s11] =	ssyncadd.s32 $0xFFFFD800  }
0xb4: {  	[bflag:$0x0] =	sbarrier.arrive $0xFFFF  }
0xb5: {  	[hbm:s8], [sflag:s13] =	dma.local [spmem:s21], $0x1400  }
0xb6: {  	_ =	swait.ge [sflag:s11], $0x1400  }
0xb7: {  	[sflag:s11] =	ssyncset.done $0x0  }
0xb8: {  	[sflag:s11] =	ssyncadd.s32 $0xFFFFEC00  }
0xb9: {  	[bflag:$0x0] =	sbarrier.arrive $0xFFFF  }
0xba: {  	[spmem:s14], [sflag:s13] =	dma.local [hbm:s1], $0x1480  }
0xbb: {  	_ =	swait.ge [sflag:s11], $0x1480  }
0xbc: {  	[sflag:s11] =	ssyncset.done $0x0  }
0xbd: {  	[sflag:s11] =	ssyncadd.s32 $0xFFFFEB80  }
0xbe: {  	s23 =	simm.s32 $0x0;
	[bflag:$0x0] =	sbarrier.arrive $0xFFFF  }
0xbf: {  	[tilespmem:s16], [sflag:$0x1] =	stream.indirect.gather [hbm4b:s5+s15], $0x80, s23, s15, $0xb8;
	[tilespmem:$0x17500] =	vst v63  }
0xc0: {  	_ =	swait.ge [sflag:s17], $0x2800  }
0xc1: {  	[sflag:s17] =	ssyncset.done $0x0  }
0xc2: {  	s24 =	simm.s32 $0x4080;
	s25 =	simm.s32 $0x80;
	[sflag:s17] =	ssyncadd.s32 $0xFFFFD800  }
0xc3: {  	[tilespmem:s18], [sflag:$0x1] =	stream.indirect.gather [hbm4b:s5+s15], $0x80, s25, s15, $0xb8;
	[tilespmem:$0x17500] =	vst v63  }
0xc4: {  	v0 =	vld [tilespmem:s24+$0xFFFFFF80];
	_ =	sdelay $0x4  }
0xc5: {  	s23 =	sand.u32 $0x70, s23;
	v0 =	vadd.s32 $0xFFFFEC00, v0  }
0xc6: {  	s29 =	sor.u32 $0x1400, s23;
	vm0 =	vlt.u32 v0, $0x1400  }
0xc7: {  	v0 =	vnsel vm0, s29, v0  }
0xc8: {  	[tilespmem:$0x8000] =	vst v0  }
0xc9: {  	v0 =	vld [tilespmem:s24+$0xFFFFFF90];
	_ =	sdelay $0x4  }
0xca: {  	v0 =	vadd.s32 $0xFFFFEC00, v0  }
0xcb: {  	s23 =	sor.u32 $0x1408, s23;
	vm7 =	vlt.u32 v0, $0x1400  }
0xcc: {  	v0 =	vnsel vm7, s23, v0  }
0xcd: {  	[tilespmem:$0x8010] =	vst v0  }
0xce: {  	v0 =	vld [tilespmem:s24+$0xFFFFFFA0];
	_ =	sdelay $0x3  }
0xcf: {  	s30 =	simm.s32 $0x10  }
0xd0: {  	s23 =	sand.u32 $0x70, s30;
	v0 =	vadd.s32 $0xFFFFEC00, v0  }
0xd1: {  	s23 =	sor.u32 $0x1400, s23;
	vm8 =	vlt.u32 v0, $0x1400  }
0xd2: {  	v0 =	vnsel vm8, s23, v0  }
0xd3: {  	[tilespmem:$0x8020] =	vst v0  }
0xd4: {  	v0 =	vld [tilespmem:s24+$0xFFFFFFB0];
	_ =	sdelay $0x3  }
0xd5: {  	s31 =	simm.s32 $0x18  }
0xd6: {  	s23 =	sand.u32 $0x78, s31;
	v0 =	vadd.s32 $0xFFFFEC00, v0  }
0xd7: {  	s23 =	sor.u32 $0x1400, s23;
	vm9 =	vlt.u32 v0, $0x1400  }
0xd8: {  	v0 =	vnsel vm9, s23, v0  }
0xd9: {  	[tilespmem:$0x8030] =	vst v0  }
0xda: {  	v0 =	vld [tilespmem:s24+$0xFFFFFFC0];
	_ =	sdelay $0x3  }
0xdb: {  	s25 =	simm.s32 $0x20  }
0xdc: {  	s23 =	sand.u32 $0x70, s25;
	v0 =	vadd.s32 $0xFFFFEC00, v0  }
0xdd: {  	s23 =	sor.u32 $0x1400, s23;
	vm10 =	vlt.u32 v0, $0x1400  }
0xde: {  	v0 =	vnsel vm10, s23, v0  }
0xdf: {  	[tilespmem:$0x8040] =	vst v0  }
0xe0: {  	[spmem:s3] =	stream.indirect.scatter.add.f32 [tilespmem:s16], [sflag:$0x2], $0x80, s19, s15, $0xb8;
	[tilespmem:$0x17500] =	vst v63  }
0xe1: {  	_ =	swait.ge [sflag:s11], $0x2800  }
0xe2: {  	[sflag:s11] =	ssyncset.done $0x0  }
0xe3: {  	[sflag:s11] =	ssyncadd.s32 $0xFFFFD800  }
0xe4: {  	p0 =	por $0x0, $0x0;
	_ =	swait.ge [sflag:s17], $0x2800  }
0xe5: {  	s26 =	simm.s32 @!p0 $0x8100;
	[sflag:s17] =	ssyncset.done $0x0  }
0xe6: {  	s25 =	simm.s32 @!p0 $0x50;
	s23 =	simm.s32 $0x100;
	[sflag:s17] =	ssyncadd.s32 $0xFFFFD800  }
0xe7: {  	[tilespmem:s26], [sflag:$0x1] =	stream.indirect.gather @!p0 [hbm4b:s5+s25], $0x80, s23, s25, $0xb8;
	[tilespmem:$0x17500] =	vst v63  }
0xe8: {  	v63 =	vld [tilespmem:s24+$0x0];
	_ =	sdelay $0x3  }
0xe9: {  	s26 =	simm.s32 $0x28  }
0xea: {  	s25 =	sand.u32 $0x78, s26;
	v0 =	vadd.s32 $0xFFFFEC00, v63  }
0xeb: {  	s25 =	sor.u32 $0x1400, s25;
	vm11 =	vlt.u32 v0, $0x1400  }
0xec: {  	v0 =	vnsel vm11, s25, v0  }
0xed: {  	[tilespmem:$0x8080] =	vst v0  }
0xee: {  	v0 =	vld [tilespmem:s24+$0x10];
	_ =	sdelay $0x3  }
0xef: {  	s28 =	simm.s32 $0x30  }
0xf0: {  	s25 =	sand.u32 $0x70, s28;
	v0 =	vadd.s32 $0xFFFFEC00, v0  }
0xf1: {  	s25 =	sor.u32 $0x1400, s25;
	vm12 =	vlt.u32 v0, $0x1400  }
0xf2: {  	v0 =	vnsel vm12, s25, v0  }
0xf3: {  	[tilespmem:$0x8090] =	vst v0  }
0xf4: {  	v0 =	vld [tilespmem:s24+$0x20];
	_ =	sdelay $0x3  }
0xf5: {  	s29 =	simm.s32 $0x38  }
0xf6: {  	s25 =	sand.u32 $0x78, s29;
	v0 =	vadd.s32 $0xFFFFEC00, v0  }
0xf7: {  	s25 =	sor.u32 $0x1400, s25;
	vm13 =	vlt.u32 v0, $0x1400  }
0xf8: {  	v0 =	vnsel vm13, s25, v0  }
0xf9: {  	[tilespmem:$0x80A0] =	vst v0  }
0xfa: {  	v0 =	vld [tilespmem:s24+$0x30];
	_ =	sdelay $0x3  }
0xfb: {  	s30 =	simm.s32 $0x40  }
0xfc: {  	s25 =	sand.u32 $0x70, s30;
	v0 =	vadd.s32 $0xFFFFEC00, v0  }
0xfd: {  	s25 =	sor.u32 $0x1400, s25;
	vm14 =	vlt.u32 v0, $0x1400  }
0xfe: {  	v0 =	vnsel vm14, s25, v0  }
0xff: {  	[tilespmem:$0x80B0] =	vst v0  }
0x100: {  	v0 =	vld [tilespmem:s24+$0x40];
	_ =	sdelay $0x3  }
0x101: {  	s31 =	simm.s32 $0x48  }
0x102: {  	s24 =	sand.u32 $0x78, s31;
	v0 =	vadd.s32 $0xFFFFEC00, v0  }
0x103: {  	s24 =	sor.u32 $0x1400, s24;
	vm15 =	vlt.u32 v0, $0x1400  }
0x104: {  	v0 =	vnsel vm15, s24, v0  }
0x105: {  	[tilespmem:$0x80C0] =	vst v0  }
0x106: {  	[spmem:s3] =	stream.indirect.scatter.add.f32 [tilespmem:s18], [sflag:$0x2], $0x80, s20, s15, $0xb8;
	[tilespmem:$0x17500] =	vst v63  }
0x107: {  	_ =	swait.ge [sflag:s11], $0x2800  }
0x108: {  	s25 =	simm.s32 $0x4180;
	s24 =	simm.s32 $0x50;
	[sflag:s11] =	ssyncset.done $0x0  }
.LBB2_4:
0x109: {  	[sflag:s11] =	ssyncadd.s32 $0xFFFFD800  }
0x10a: {  	s23 =	sadd.s32 $0x100, s23;
	s26 =	smov.u32 s24;
	s24 =	sadd.s32 $0x50, s24  }
0x10b: {  	_ =	swait.ge [sflag:s17], $0x2800;
	p0 =	sne.s32 s24, $0x13B0  }
0x10c: {  	[sflag:s17] =	ssyncset.done $0x0  }
0x10d: {  	s28 =	sadd.s32 $0xFFFFFF80, s23;
	[sflag:s17] =	ssyncadd.s32 $0xFFFFD800  }
0x10e: {  	[tilespmem:s18], [sflag:$0x1] =	stream.indirect.gather [hbm4b:s5+s15], $0x80, s28, s15, $0xb8;
	[tilespmem:$0x17500] =	vst v63  }
0x10f: {  	v0 =	vld [tilespmem:s25+$0xFFFFFF80];
	_ =	sdelay $0x4  }
0x110: {  	s28 =	sand.u32 $0x70, s26;
	v0 =	vadd.s32 $0xFFFFEC00, v0  }
0x111: {  	s29 =	sor.u32 $0x1400, s28;
	vm0 =	vlt.u32 v0, $0x1400  }
0x112: {  	v0 =	vnsel vm0, s29, v0  }
0x113: {  	[tilespmem:$0x8000] =	vst v0  }
0x114: {  	v0 =	vld [tilespmem:s25+$0xFFFFFF90];
	_ =	sdelay $0x4  }
0x115: {  	v0 =	vadd.s32 $0xFFFFEC00, v0  }
0x116: {  	s28 =	sor.u32 $0x1408, s28;
	vm0 =	vlt.u32 v0, $0x1400  }
0x117: {  	v0 =	vnsel vm0, s28, v0  }
0x118: {  	[tilespmem:$0x8010] =	vst v0  }
0x119: {  	v0 =	vld [tilespmem:s25+$0xFFFFFFA0];
	_ =	sdelay $0x3  }
0x11a: {  	s28 =	sadd.s32 $0x10, s26  }
0x11b: {  	s28 =	sand.u32 $0x70, s28;
	v0 =	vadd.s32 $0xFFFFEC00, v0  }
0x11c: {  	s28 =	sor.u32 $0x1400, s28;
	vm0 =	vlt.u32 v0, $0x1400  }
0x11d: {  	v0 =	vnsel vm0, s28, v0  }
0x11e: {  	[tilespmem:$0x8020] =	vst v0  }
0x11f: {  	v0 =	vld [tilespmem:s25+$0xFFFFFFB0];
	_ =	sdelay $0x3  }
0x120: {  	s28 =	sadd.s32 $0x18, s26  }
0x121: {  	s28 =	sand.u32 $0x78, s28;
	v0 =	vadd.s32 $0xFFFFEC00, v0  }
0x122: {  	s28 =	sor.u32 $0x1400, s28;
	vm0 =	vlt.u32 v0, $0x1400  }
0x123: {  	v0 =	vnsel vm0, s28, v0  }
0x124: {  	[tilespmem:$0x8030] =	vst v0  }
0x125: {  	v0 =	vld [tilespmem:s25+$0xFFFFFFC0];
	_ =	sdelay $0x3  }
0x126: {  	s28 =	sadd.s32 $0x20, s26  }
0x127: {  	s28 =	sand.u32 $0x70, s28;
	v0 =	vadd.s32 $0xFFFFEC00, v0  }
0x128: {  	s28 =	sor.u32 $0x1400, s28;
	vm0 =	vlt.u32 v0, $0x1400  }
0x129: {  	v0 =	vnsel vm0, s28, v0  }
0x12a: {  	[tilespmem:$0x8040] =	vst v0  }
0x12b: {  	[spmem:s3] =	stream.indirect.scatter.add.f32 [tilespmem:s16], [sflag:$0x2], $0x80, s19, s15, $0xb8;
	[tilespmem:$0x17500] =	vst v63  }
0x12c: {  	_ =	swait.ge [sflag:s11], $0x2800  }
0x12d: {  	[sflag:s11] =	ssyncset.done $0x0  }
0x12e: {  	[sflag:s11] =	ssyncadd.s32 $0xFFFFD800  }
0x12f: {  	_ =	swait.ge [sflag:s17], $0x2800  }
0x130: {  	p1 =	seq.s32 s26, $0x1360;
	[sflag:s17] =	ssyncset.done $0x0  }
0x131: {  	s29 =	simm.s32 @!p1 $0x8100;
	s28 =	simm.s32 @!p1 $0x50;
	[sflag:s17] =	ssyncadd.s32 $0xFFFFD800  }
0x132: {  	[tilespmem:s29], [sflag:$0x1] =	stream.indirect.gather @!p1 [hbm4b:s5+s28], $0x80, s23, s28, $0xb8;
	[tilespmem:$0x17500] =	vst v63  }
0x133: {  	v0 =	vld [tilespmem:s25+$0x0];
	_ =	sdelay $0x3  }
0x134: {  	s28 =	sadd.s32 $0x28, s26  }
0x135: {  	s28 =	sand.u32 $0x78, s28;
	v0 =	vadd.s32 $0xFFFFEC00, v0  }
0x136: {  	s28 =	sor.u32 $0x1400, s28;
	vm0 =	vlt.u32 v0, $0x1400  }
0x137: {  	v0 =	vnsel vm0, s28, v0  }
0x138: {  	[tilespmem:$0x8080] =	vst v0  }
0x139: {  	v0 =	vld [tilespmem:s25+$0x10];
	_ =	sdelay $0x3  }
0x13a: {  	s28 =	sadd.s32 $0x30, s26  }
0x13b: {  	s28 =	sand.u32 $0x70, s28;
	v0 =	vadd.s32 $0xFFFFEC00, v0  }
0x13c: {  	s28 =	sor.u32 $0x1400, s28;
	vm0 =	vlt.u32 v0, $0x1400  }
0x13d: {  	v0 =	vnsel vm0, s28, v0  }
0x13e: {  	[tilespmem:$0x8090] =	vst v0  }
0x13f: {  	v0 =	vld [tilespmem:s25+$0x20];
	_ =	sdelay $0x3  }
0x140: {  	s28 =	sadd.s32 $0x38, s26  }
0x141: {  	s28 =	sand.u32 $0x78, s28;
	v0 =	vadd.s32 $0xFFFFEC00, v0  }
0x142: {  	s28 =	sor.u32 $0x1400, s28;
	vm0 =	vlt.u32 v0, $0x1400  }
0x143: {  	v0 =	vnsel vm0, s28, v0  }
0x144: {  	[tilespmem:$0x80A0] =	vst v0  }
0x145: {  	v0 =	vld [tilespmem:s25+$0x30];
	_ =	sdelay $0x3  }
0x146: {  	s28 =	sadd.s32 $0x40, s26  }
0x147: {  	s28 =	sand.u32 $0x70, s28;
	v0 =	vadd.s32 $0xFFFFEC00, v0  }
0x148: {  	s28 =	sor.u32 $0x1400, s28;
	vm0 =	vlt.u32 v0, $0x1400  }
0x149: {  	v0 =	vnsel vm0, s28, v0  }
0x14a: {  	[tilespmem:$0x80B0] =	vst v0  }
0x14b: {  	v0 =	vld [tilespmem:s25+$0x40];
	_ =	sdelay $0x3  }
0x14c: {  	s26 =	sadd.s32 $0x48, s26  }
0x14d: {  	s26 =	sand.u32 $0x78, s26;
	v0 =	vadd.s32 $0xFFFFEC00, v0  }
0x14e: {  	s26 =	sor.u32 $0x1400, s26;
	vm0 =	vlt.u32 v0, $0x1400  }
.Ltmp1:
0x14f: {  	v0 =	vnsel vm0, s26, v0;
	(pc) =	sbr.rel @p0 .LBB2_4-.Ltmp1, $4  }
0x150: {  	[tilespmem:$0x80C0] =	vst v0  }
0x151: {  	[spmem:s3] =	stream.indirect.scatter.add.f32 [tilespmem:s18], [sflag:$0x2], $0x80, s20, s15, $0xb8;
	[tilespmem:$0x17500] =	vst v63  }
0x152: {  	_ =	swait.ge [sflag:s11], $0x2800  }
0x153: {  	s25 =	sadd.s32 $0x100, s25;
	[sflag:s11] =	ssyncset.done $0x0  }
0x154: {  	[sflag:s11] =	ssyncadd.s32 $0xFFFFD800;
	s22 =	sadd.s32 $0x1, s22  }
0x155: {  	[bflag:$0x0] =	sbarrier.arrive $0xFFFF;
	p0 =	sne.s32 s22, s10  }
0x156: {  	[hbm:s9], [sflag:s13] =	dma.local [spmem:s21], $0x1400  }
.Ltmp2:
0x157: {  	_ =	swait.ge [sflag:s11], $0x1400;
	(pc) =	sbr.rel @p0 .LBB2_1-.Ltmp2, $3  }
0x158: {  	[sflag:s11] =	ssyncset.done $0x0  }
0x159: {  	[sflag:s11] =	ssyncadd.s32 $0xFFFFEC00  }
0x15a: {  	[bflag:$0x0] =	sbarrier.arrive $0xFFFF;
	_ =	sdelay $0x1  }
0x15b: {  	_ =	sfence.sel $0x180000  }
0x15c: {  	[bflag:$0x0] =	sbarrier.arrive $0xFFFF  }
0x15d: {  	p0 =	sne.s32 s2, $0x0;
	_ =	strace $0x9000004A  }
0x15e: {  	s0 =	sadd.s32 @!p0 $0x100000, s0;
	[bflag:$0x2] =	sbarrier.arrive $0xFFFF  }
0x15f: {  	[sflag:s0] =	ssyncadd.tile.s32 @!p0 $0x1;
	_ =	shalt  }
.Lfunc_end2:
_tile_overlayer_lowered:
.L_overlay_start_2:
0x160: {  	(tag) =	ssettag $0x2  }
0x161: {  	s0 =	rddreg [dreg:$0x0];
	s2 =	stileid.u32  }
0x162: {  	s1 =	rddreg [dreg:$0x1];
	p0 =	sne.s32 s2, $0x0  }
0x163: {  	s3 =	rddreg [dreg:$0x2];
	[bflag:$0x3] =	sbarrier.arrive $0xFFFF;
	s2 =	simm.s32 @!p0 $0x1C02  }
0x164: {  	[timem:s3], [sflag:s2] =	dma.local @!p0 [hbm:s0], s1  }
0x165: {  	s0 =	simm.s32 @!p0 $0x2  }
0x166: {  	_ =	swait.ge @!p0 [sflag:s0], s1  }
0x167: {  	s1 =	ssub.s32 @!p0 $0x0, s1;
	[sflag:s0] =	ssyncset.done @!p0 $0x0  }
0x168: {  	[sflag:s0] =	ssyncadd.s32 @!p0 s1  }
0x169: {  	[bflag:$0x3] =	sbarrier.arrive $0xFFFF  }
0x16a: {  	_ =	shalt  }

// kernel: kernel.14.cloned.1.call-start
scs
__scs_entry_jumppad:
0x0: {  	(pc) =	sbr.rel $0x88, $3  }
0x1: {  	(tag) =	ssettag $0x0;
	lr =	simm.s32 $0x1  }
0x2: {  	[smem:$0x3F9B] =	sst lr;
	_ =	strace $0xD0000000  }
0x3: {  	_ = 	snop  }
0x4: {  	_ = 	snop  }
0x5: {  	_ = 	snop  }
0x6: {  	_ = 	snop  }
0x7: {  	_ = 	snop  }
__scs_overlays_trampoline_lowered:
0x8: {  	[smem:$0x3FAA] =	sst s0  }
0x9: {  	[smem:$0x3FAB] =	sst s1  }
0xa: {  	[smem:$0x3FAC] =	sst s2  }
0xb: {  	[smem:$0x3FAD] =	sst s3  }
0xc: {  	[smem:$0x3FAE] =	sst s4  }
0xd: {  	[smem:$0x3FAF] =	sst s5  }
0xe: {  	[smem:$0x3FB0] =	sst s6  }
0xf: {  	[smem:$0x3FB1] =	sst s7  }
0x10: {  	[smem:$0x3FB2] =	sst s8  }
0x11: {  	[smem:$0x3FB3] =	sst s9;
	s0 =	simm.s32 @!p0 $0x0  }
0x12: {  	s1 =	sld [smem:$0x3F99];
	s0 =	simm.s32 @p0 $0x1  }
0x13: {  	[smem:$0x3FB4] =	sst s0;
	s0 =	simm.s32 @!p1 $0x0  }
0x14: {  	s2 =	sld [smem:$0x3F98];
	s0 =	simm.s32 @p1 $0x1  }
0x15: {  	[smem:$0x3FB5] =	sst s0;
	s0 =	simm.s32 @!p2 $0x0  }
0x16: {  	s3 =	sld [smem:$0x3FDB];
	s0 =	simm.s32 @p2 $0x1  }
0x17: {  	s4 =	simm.s32 $0x1BF5;
	[smem:$0x3FB7] =	sst s0  }
0x18: {  	s0 =	sld [smem:$0x3F9A];
	_ =	swait.ge [sflag:s4], $0x0  }
0x19: {  	s7 =	sld [smem:$0x3F9B]  }
0x1a: {  	s8 =	sadd.s32 $0xFFFFE003, lr  }
0x1b: {  	s9 =	sadd.s32 $0xFFFFFEF7, lr;
	s5 =	simm.s32 $0xFFFFFFFF;
	p2 =	slt.u32 s8, $0xFFFFF086  }
0x1c: {  	p1 =	slt.u32 s9, $0xF7A;
	s5 =	simm.s32 @!p2 $0x0  }
0x1d: {  	s5 =	simm.s32 @p1 $0x1;
	p0 =	seq.s32 s7, s2  }
0x1e: {  	s7 =	smul.u32 @!p0 $0xF7A, s2;
	p2 =	seq.s32 @!p0 s5, $0x0  }
0x1f: {  	s9 =	smul.u32 $0xF7A, s1;
	s8 =	simm.s32 @!p0 $0x1BF5;
	p2 =	por !p2, p0  }
0x20: {  	[sflag:s8] =	ssyncset.s32 @!p0 $0xFFFFF086;
	s6 =	sadd.s32 @!p0 s3, s7;
	s7 =	simm.s32 @!p0 $0x108  }
0x21: {  	s3 =	sadd.s32 s3, s9;
	s6 =	sadd.s32 @!p0 $0x88, s6;
	s7 =	simm.s32 @p2 $0x1082  }
0x22: {  	[simem:s7], [sflag:s8] =	dma.local @!p0 [hbm:s6], $0xF7A  }
0x23: {  	s9 =	sor.u32 $0xD0000000, s2;
	s6 =	simm.s32 $0x108;
	_ =	swait.ge @!p0 [sflag:s8], $0x0  }
0x24: {  	s3 =	sadd.s32 $0x88, s3;
	s6 =	simm.s32 @!p1 $0x1082;
	[sflag:s4] =	ssyncset.s32 $0xFFFFF086  }
0x25: {  	[simem:s6], [sflag:s4] =	dma.local [hbm:s3], $0xF7A  }
0x26: {  	[smem:$0x3F9B] =	sst s1;
	(tag) =	ssettag s2;
	_ =	strace s9  }
0x27: {  	s1 =	sld [smem:$0x3FAB]  }
0x28: {  	s2 =	sld [smem:$0x3FAC]  }
0x29: {  	s4 =	sld [smem:$0x3FAE]  }
0x2a: {  	p0 =	seq.s32 s5, $0x0;
	s5 =	sld [smem:$0x3FAF]  }
0x2b: {  	s6 =	sld [smem:$0x3FB0]  }
0x2c: {  	s7 =	sld [smem:$0x3FB1]  }
0x2d: {  	s3 =	simm.s32 $0x108;
	s8 =	sld [smem:$0x3FB2]  }
0x2e: {  	s3 =	simm.s32 @!p0 $0x1082;
	s9 =	sld [smem:$0x3FB3]  }
0x2f: {  	lr =	sadd.s32 s0, s3;
	s0 =	sld [smem:$0x3FAA]  }
0x30: {  	s3 =	sld [smem:$0x3FAD]  }
0x31: {  	[smem:$0x3FB6] =	sst s10  }
0x32: {  	s10 =	sld [smem:$0x3FB4];
	_ =	sdelay $0x3  }
0x33: {  	p0 =	seq.s32 s10, $0x1;
	s10 =	sld [smem:$0x3FB6];
	_ =	sdelay $0x3  }
0x34: {  	[smem:$0x3FB6] =	sst s10  }
0x35: {  	s10 =	sld [smem:$0x3FB5];
	_ =	sdelay $0x3  }
0x36: {  	p1 =	seq.s32 s10, $0x1;
	s10 =	sld [smem:$0x3FB6];
	_ =	sdelay $0x3  }
0x37: {  	[smem:$0x3FB6] =	sst s10  }
0x38: {  	s10 =	sld [smem:$0x3FB7]  }
0x39: {  	_ = 	snop;
	(pc) =	sbr.ind lr, $3  }
0x3a: {  	_ = 	snop  }
0x3b: {  	_ = 	snop  }
0x3c: {  	p2 =	seq.s32 s10, $0x1;
	s10 =	sld [smem:$0x3FB6]  }
0x3d: {  	_ =	shalt  }
0x3e: {  	_ =	shalt  }
0x3f: {  	_ =	shalt  }
0x40: {  	_ =	shalt  }
0x41: {  	_ =	shalt  }
0x42: {  	_ =	shalt  }
0x43: {  	_ =	shalt  }
0x44: {  	_ =	shalt  }
0x45: {  	_ =	shalt  }
0x46: {  	_ =	shalt  }
0x47: {  	_ =	shalt  }
0x48: {  	_ =	shalt  }
0x49: {  	_ =	shalt  }
0x4a: {  	_ =	shalt  }
0x4b: {  	_ =	shalt  }
0x4c: {  	_ =	shalt  }
0x4d: {  	_ =	shalt  }
0x4e: {  	_ =	shalt  }
0x4f: {  	_ =	shalt  }
0x50: {  	_ =	shalt  }
0x51: {  	_ =	shalt  }
0x52: {  	_ =	shalt  }
0x53: {  	_ =	shalt  }
0x54: {  	_ =	shalt  }
0x55: {  	_ =	shalt  }
0x56: {  	_ =	shalt  }
0x57: {  	_ =	shalt  }
0x58: {  	_ =	shalt  }
0x59: {  	_ =	shalt  }
0x5a: {  	_ =	shalt  }
0x5b: {  	_ =	shalt  }
0x5c: {  	_ =	shalt  }
0x5d: {  	_ =	shalt  }
0x5e: {  	_ =	shalt  }
0x5f: {  	_ =	shalt  }
0x60: {  	_ =	shalt  }
0x61: {  	_ =	shalt  }
0x62: {  	_ =	shalt  }
0x63: {  	_ =	shalt  }
0x64: {  	_ =	shalt  }
0x65: {  	_ =	shalt  }
0x66: {  	_ =	shalt  }
0x67: {  	_ =	shalt  }
0x68: {  	_ =	shalt  }
0x69: {  	_ =	shalt  }
0x6a: {  	_ =	shalt  }
0x6b: {  	_ =	shalt  }
0x6c: {  	_ =	shalt  }
0x6d: {  	_ =	shalt  }
0x6e: {  	_ =	shalt  }
0x6f: {  	_ =	shalt  }
0x70: {  	_ =	shalt  }
0x71: {  	_ =	shalt  }
0x72: {  	_ =	shalt  }
0x73: {  	_ =	shalt  }
0x74: {  	_ =	shalt  }
0x75: {  	_ =	shalt  }
0x76: {  	_ =	shalt  }
0x77: {  	_ =	shalt  }
0x78: {  	_ =	shalt  }
0x79: {  	_ =	shalt  }
0x7a: {  	_ =	shalt  }
0x7b: {  	_ =	shalt  }
0x7c: {  	_ =	shalt  }
0x7d: {  	_ =	shalt  }
0x7e: {  	_ =	shalt  }
0x7f: {  	_ =	shalt  }
0x80: {  	_ =	shalt  }
0x81: {  	_ =	shalt  }
0x82: {  	_ =	shalt  }
0x83: {  	_ =	shalt  }
0x84: {  	_ =	shalt  }
0x85: {  	_ =	shalt  }
0x86: {  	_ =	shalt  }
0x87: {  	_ =	shalt  }
.Lfunc_end0:
.L_simem_size_0:
called_computation.2_lowered:
.L_overlay_start_0:
0x88: {  	s2 =	sld [smem:$0x3FD9]  }
0x89: {  	s3 =	sld [smem:$0x3FFE];
	_ =	sdelay $0x1  }
0x8a: {  	s1 =	srdreg.scid  }
0x8b: {  	s0 =	sand.u32 $0x1, s1  }
0x8c: {  	s17 =	sshll.u32 s0, $0xA;
	s2 =	sadd.s32 s3, s2  }
0x8d: {  	s2 =	sadd.s32 s2, s17  }
0x8e: {  	[smem:$0x3FC2] =	sst s2  }
0x8f: {  	_ = 	snop  }
0x90: {  	s2 =	sld [smem:$0x3FD0];
	(tm) =	ssettm $0x1  }
0x91: {  	s18 =	sld [smem:$0x3FFB];
	_ =	sdelay $0x3  }
0x92: {  	_ =	strace s18  }
0x93: {  	s3 =	sld [smem:$0x3FFC];
	_ =	sdelay $0x3  }
0x94: {  	_ =	strace s3  }
0x95: {  	s3 =	sld [smem:$0x3FFD];
	_ =	sdelay $0x3  }
0x96: {  	_ =	strace s3  }
0x97: {  	_ =	strace $0x8FFFFFFF  }
0x98: {  	s19 =	sld [smem:$0x3FDB];
	_ =	sdelay $0x1  }
0x99: {  	s4 =	simm.s32 $_scs_section_size  }
0x9a: {  	s5 =	simm.s32 $_size__tile_overlayer_lowered;
	s6 =	simm.s32 $_tile_overlayer_lowered  }
0x9b: {  	s22 =	simm.s32 $0x1BFF;
	s21 =	sshll.u32 s6, $0x1;
	s3 =	sadd.s32 s4, s19  }
0x9c: {  	s7 =	simm.s32 $0x0;
	s20 =	sshll.u32 s5, $0x1;
	s5 =	sadd.s32 s21, s3  }
0x9d: {  	[timem:s7], [sflag:s22] =	dma.local [hbm:s5], s20  }
0x9e: {  	_ =	swait.ge [sflag:s22], s20  }
0x9f: {  	s4 =	ssub.s32 $0x0, s20;
	[sflag:s22] =	ssyncset.done $0x0  }
0xa0: {  	[sflag:s22] =	ssyncadd.s32 s4;
	_ =	sdelay $0x1  }
0xa1: {  	s23 =	simm.s32 $0x1B8B  }
0xa2: {  	_ =	swait.ge [sflag:s23], $0x1  }
0xa3: {  	[sflag:s23] =	ssyncset.done $0x0  }
0xa4: {  	s25 =	simm.s32 $0x1B8E;
	s24 =	sld [smem:$0x3FFE];
	[sflag:s23] =	ssyncadd.s32 $0xFFFFFFFF  }
0xa5: {  	s26 =	simm.s32 $execute0_lowered;
	[smem:$0x3FD2] =	sst s25  }
0xa6: {  	s5 =	sshll.u32 s26, $0x1;
	_ =	strace $0x8000004C;
	[dreg:$0x1] =	wrdreg $0xFFFFFFFF  }
0xa7: {  	s28 =	simm.s32 $_size_execute0_lowered;
	s3 =	sadd.s32 s3, s5;
	[dreg:$0x0] =	wrdreg $0x0  }
0xa8: {  	s5 =	sshll.u32 s28, $0x1;
	[dreg:$0x2] =	wrdreg s3  }
0xa9: {  	[dreg:$0x3] =	wrdreg s5  }
0xaa: {  	[dreg:$0x4] =	wrdreg $0xC0  }
0xab: {  	_ =	task [dreg:s7], $0x5FFFF  }
0xac: {  	[dreg:$0x1] =	wrdreg $0xFFFFFFFF  }
0xad: {  	[dreg:$0x0] =	wrdreg $0x60  }
0xae: {  	[dreg:$0x2] =	wrdreg s24  }
0xaf: {  	[dreg:$0x3] =	wrdreg s2  }
0xb0: {  	[dreg:$0x4] =	wrdreg $0xD1000  }
0xb1: {  	[dreg:$0x5] =	wrdreg $0x9  }
0xb2: {  	_ =	task.clear_ibuf [dreg:s7], $0x6FFFF;
	_ =	strace $0x9000004C  }
0xb3: {  	s29 =	simm.s32 $0x9;
	_ =	strace $0x8000004E  }
0xb4: {  	_ =	swait.ge [sflag:s29], $0x1  }
0xb5: {  	[sflag:s29] =	ssyncadd.s32 $0xFFFFFFFF  }
0xb6: {  	_ =	strace $0x9000004E  }
0xb7: {  	_ =	sfence  }
0xb8: {  	s30 =	sld [smem:$0x0];
	_ =	sdelay $0x2  }
0xb9: {  	s31 =	sshll.u32 s1, $0xD;
	s1 =	sshrl.u32 s1, $0x2  }
0xba: {  	s3 =	sand.u32 $0x4000, s31;
	s1 =	sadd.s32 s1, s30  }
0xbb: {  	s0 =	sor.u32 s3, s0;
	s1 =	sshll.u32 s1, $0x11  }
0xbc: {  	s0 =	sor.u32 s1, s0  }
0xbd: {  	s0 =	sadd.s32 $0x8F2B, s0  }
0xbe: {  	[sflag:s0] =	ssyncadd.remote.s32 $0x1  }
0xbf: {  	_ =	sfence.sel $0xFFFF  }
0xc0: {  	[dreg:$0x0] =	wrdreg $0xFFFFFFFF;
	(pc) =	sbr.abs _section_cstart, $3  }
0xc1: {  	[dreg:$0x1] =	wrdreg $0xFFFFFFFF  }
0xc2: {  	_ =	task.clear_ibuf [dreg:s7], $0x2FFFF;
	_ =	strace $0x9FFFFFFF  }
0xc3: {  	(tm) =	ssettm $0x7FFFFFFF  }
tec
execute0_lowered:
.L_overlay_start_1:
0x0: {  	(tag) =	ssettag $0x1  }
0x1: {  	s6 =	rddreg [dreg:$0x0]  }
0x2: {  	s1 =	rddreg [dreg:$0x1]  }
0x3: {  	s3 =	rddreg [dreg:$0x2]  }
0x4: {  	s0 =	rddreg [dreg:$0x3];
	s5 =	srdreg.scid  }
0x5: {  	s4 =	simm.s32 $0x0;
	s2 =	stileid.u32;
	s15 =	simm.s32 $0x50  }
0x6: {  	s16 =	simm.s32 $0x8100;
	s17 =	simm.s32 $0x1;
	s18 =	simm.s32 $0xA900  }
0x7: {  	s19 =	simm.s32 $0x8000;
	s20 =	simm.s32 $0x8080;
	s10 =	smul.u32 $0xA000, s2  }
0x8: {  	s22 =	simm.s32 $0x0;
	s7 =	sand.u32 $0x1, s5;
	s29 =	smul.u32 $0x29000, s2  }
0x9: {  	s8 =	sshll.u32 s2, $0xB;
	[smem:$0x7FF] =	sst s4;
	s12 =	smul.u32 $0x28000, s2  }
0xa: {  	s13 =	sshll.u32 s2, $0x6;
	s5 =	sshll.u32 s7, $0xF;
	s9 =	smul.u32 $0x140000, s7  }
0xb: {  	_ =	strace $0x8000004D;
	s7 =	ssub.s32 $0x2, s7;
	s13 =	sor.u32 $0x1C02, s13  }
0xc: {  	s8 =	sor.u32 s8, s5;
	s5 =	sadd.s32 $0x2800, s6;
	s11 =	sshrl.u32 s7, $0x1  }
0xd: {  	s30 =	sshrl.u32 s29, $0x2;
	s31 =	sshrl.u32 s12, $0x2;
	s12 =	simm.s32 $0x4000  }
0xe: {  	s8 =	sadd.s32 s8, s6;
	s9 =	sadd.s32 s10, s9;
	s11 =	ssub.s32 s7, s11  }
0xf: {  	s14 =	sadd.s32 s30, s3;
	s21 =	sadd.s32 s31, s3;
	s9 =	sshrl.u32 s9, $0x3  }
0x10: {  	s7 =	sadd.s32 $0x4CC00, s8;
	s10 =	smax.u32 s11, $0x1;
	s11 =	simm.s32 $0x2  }
0x11: {  	s14 =	sshrl.u32 s14, $0x3;
	s21 =	sshrl.u32 s21, $0x3;
	s9 =	sadd.s32 s9, s6  }
0x12: {  	s6 =	sadd.s32 $0x5CC00, s8;
	s8 =	sadd.s32 $0x6CC00, s9;
	s9 =	sadd.s32 $0x80C00, s9  }
.LBB2_1:
0x13: {  	[tilespmem:s4], [sflag:$0x2] =	stream.linear.gather [hbm4b:s6+s4], $0x3F00, $0x38;
	[tilespmem:$0x17500] =	vst v63  }
0x14: {  	_ =	swait.ge [sflag:s11], $0x3F00  }
0x15: {  	[sflag:s11] =	ssyncset.done $0x0  }
0x16: {  	[sflag:s11] =	ssyncadd.s32 $0xFFFFC100  }
0x17: {  	[tilespmem:s12], [sflag:$0x2] =	stream.linear.gather [hbm4b:s7+s4], $0x3F00, $0x38;
	[tilespmem:$0x17500] =	vst v63  }
0x18: {  	_ =	swait.ge [sflag:s11], $0x3F00  }
0x19: {  	[sflag:s11] =	ssyncset.done $0x0  }
0x1a: {  	[sflag:s11] =	ssyncadd.s32 $0xFFFFC100  }
0x1b: {  	[spmem:s14], [sflag:s13] =	dma.local [hbm:s1], $0x1480  }
0x1c: {  	_ =	swait.ge [sflag:s11], $0x1480  }
0x1d: {  	[sflag:s11] =	ssyncset.done $0x0  }
0x1e: {  	[sflag:s11] =	ssyncadd.s32 $0xFFFFEB80  }
0x1f: {  	[bflag:$0x0] =	sbarrier.arrive $0xFFFF  }
0x20: {  	[tilespmem:s16], [sflag:$0x1] =	stream.indirect.gather [hbm4b:s5+s15], $0x80, s4, s15, $0xb8;
	[tilespmem:$0x17500] =	vst v63  }
0x21: {  	_ =	swait.ge [sflag:s17], $0x2800  }
0x22: {  	[sflag:s17] =	ssyncset.done $0x0  }
0x23: {  	s24 =	simm.s32 $0x4080;
	s23 =	simm.s32 $0x80;
	[sflag:s17] =	ssyncadd.s32 $0xFFFFD800  }
0x24: {  	[tilespmem:s18], [sflag:$0x1] =	stream.indirect.gather [hbm4b:s5+s15], $0x80, s23, s15, $0xb8;
	[tilespmem:$0x17500] =	vst v63  }
0x25: {  	v0 =	vld [tilespmem:s24+$0xFFFFFF80];
	_ =	sdelay $0x3  }
0x26: {  	s29 =	sand.u32 $0x70, s4  }
0x27: {  	s25 =	sor.u32 $0x1400, s29;
	vm0 =	vlt.u32 v0, $0x1400  }
0x28: {  	v0 =	vnsel vm0, s25, v0  }
0x29: {  	[tilespmem:$0x8000] =	vst v0  }
0x2a: {  	v0 =	vld [tilespmem:s24+$0xFFFFFF90];
	_ =	sdelay $0x4  }
0x2b: {  	s23 =	sor.u32 $0x1408, s29;
	vm7 =	vlt.u32 v0, $0x1400  }
0x2c: {  	v0 =	vnsel vm7, s23, v0  }
0x2d: {  	[tilespmem:$0x8010] =	vst v0  }
0x2e: {  	v0 =	vld [tilespmem:s24+$0xFFFFFFA0];
	_ =	sdelay $0x2  }
0x2f: {  	s30 =	simm.s32 $0x10  }
0x30: {  	s23 =	sand.u32 $0x70, s30  }
0x31: {  	s23 =	sor.u32 $0x1400, s23;
	vm8 =	vlt.u32 v0, $0x1400  }
0x32: {  	v0 =	vnsel vm8, s23, v0  }
0x33: {  	[tilespmem:$0x8020] =	vst v0  }
0x34: {  	v0 =	vld [tilespmem:s24+$0xFFFFFFB0];
	_ =	sdelay $0x2  }
0x35: {  	s31 =	simm.s32 $0x18  }
0x36: {  	s23 =	sand.u32 $0x78, s31  }
0x37: {  	s23 =	sor.u32 $0x1400, s23;
	vm9 =	vlt.u32 v0, $0x1400  }
0x38: {  	v0 =	vnsel vm9, s23, v0  }
0x39: {  	[tilespmem:$0x8030] =	vst v0  }
0x3a: {  	v0 =	vld [tilespmem:s24+$0xFFFFFFC0];
	_ =	sdelay $0x2  }
0x3b: {  	s25 =	simm.s32 $0x20  }
0x3c: {  	s23 =	sand.u32 $0x70, s25  }
0x3d: {  	s23 =	sor.u32 $0x1400, s23;
	vm10 =	vlt.u32 v0, $0x1400  }
0x3e: {  	v0 =	vnsel vm10, s23, v0  }
0x3f: {  	[tilespmem:$0x8040] =	vst v0  }
0x40: {  	[spmem:s3] =	stream.indirect.scatter.add.f32 [tilespmem:s16], [sflag:$0x2], $0x80, s19, s15, $0xb8;
	[tilespmem:$0x17500] =	vst v63  }
0x41: {  	_ =	swait.ge [sflag:s11], $0x2800  }
0x42: {  	[sflag:s11] =	ssyncset.done $0x0  }
0x43: {  	[sflag:s11] =	ssyncadd.s32 $0xFFFFD800  }
0x44: {  	p0 =	por $0x0, $0x0;
	_ =	swait.ge [sflag:s17], $0x2800  }
0x45: {  	s26 =	simm.s32 @!p0 $0x8100;
	[sflag:s17] =	ssyncset.done $0x0  }
0x46: {  	s25 =	simm.s32 @!p0 $0x50;
	s23 =	simm.s32 $0x100;
	[sflag:s17] =	ssyncadd.s32 $0xFFFFD800  }
0x47: {  	[tilespmem:s26], [sflag:$0x1] =	stream.indirect.gather @!p0 [hbm4b:s5+s25], $0x80, s23, s25, $0xb8;
	[tilespmem:$0x17500] =	vst v63  }
0x48: {  	v63 =	vld [tilespmem:s24+$0x0];
	_ =	sdelay $0x2  }
0x49: {  	s26 =	simm.s32 $0x28  }
0x4a: {  	s25 =	sand.u32 $0x78, s26  }
0x4b: {  	s25 =	sor.u32 $0x1400, s25;
	vm11 =	vlt.u32 v63, $0x1400  }
0x4c: {  	v0 =	vnsel vm11, s25, v63  }
0x4d: {  	[tilespmem:$0x8080] =	vst v0  }
0x4e: {  	v0 =	vld [tilespmem:s24+$0x10];
	_ =	sdelay $0x2  }
0x4f: {  	s28 =	simm.s32 $0x30  }
0x50: {  	s25 =	sand.u32 $0x70, s28  }
0x51: {  	s25 =	sor.u32 $0x1400, s25;
	vm12 =	vlt.u32 v0, $0x1400  }
0x52: {  	v0 =	vnsel vm12, s25, v0  }
0x53: {  	[tilespmem:$0x8090] =	vst v0  }
0x54: {  	v0 =	vld [tilespmem:s24+$0x20];
	_ =	sdelay $0x2  }
0x55: {  	s29 =	simm.s32 $0x38  }
0x56: {  	s25 =	sand.u32 $0x78, s29  }
0x57: {  	s25 =	sor.u32 $0x1400, s25;
	vm13 =	vlt.u32 v0, $0x1400  }
0x58: {  	v0 =	vnsel vm13, s25, v0  }
0x59: {  	[tilespmem:$0x80A0] =	vst v0  }
0x5a: {  	v0 =	vld [tilespmem:s24+$0x30];
	_ =	sdelay $0x2  }
0x5b: {  	s30 =	simm.s32 $0x40  }
0x5c: {  	s25 =	sand.u32 $0x70, s30  }
0x5d: {  	s25 =	sor.u32 $0x1400, s25;
	vm14 =	vlt.u32 v0, $0x1400  }
0x5e: {  	v0 =	vnsel vm14, s25, v0  }
0x5f: {  	[tilespmem:$0x80B0] =	vst v0  }
0x60: {  	v0 =	vld [tilespmem:s24+$0x40];
	_ =	sdelay $0x2  }
0x61: {  	s31 =	simm.s32 $0x48  }
0x62: {  	s24 =	sand.u32 $0x78, s31  }
0x63: {  	s24 =	sor.u32 $0x1400, s24;
	vm15 =	vlt.u32 v0, $0x1400  }
0x64: {  	v0 =	vnsel vm15, s24, v0  }
0x65: {  	[tilespmem:$0x80C0] =	vst v0  }
0x66: {  	[spmem:s3] =	stream.indirect.scatter.add.f32 [tilespmem:s18], [sflag:$0x2], $0x80, s20, s15, $0xb8;
	[tilespmem:$0x17500] =	vst v63  }
0x67: {  	_ =	swait.ge [sflag:s11], $0x2800  }
0x68: {  	s25 =	simm.s32 $0x4180;
	s24 =	simm.s32 $0x50;
	[sflag:s11] =	ssyncset.done $0x0  }
.LBB2_2:
0x69: {  	[sflag:s11] =	ssyncadd.s32 $0xFFFFD800  }
0x6a: {  	s23 =	sadd.s32 $0x100, s23;
	s26 =	smov.u32 s24;
	s24 =	sadd.s32 $0x50, s24  }
0x6b: {  	_ =	swait.ge [sflag:s17], $0x2800;
	p0 =	sne.s32 s24, $0x13B0  }
0x6c: {  	[sflag:s17] =	ssyncset.done $0x0  }
0x6d: {  	s28 =	sadd.s32 $0xFFFFFF80, s23;
	[sflag:s17] =	ssyncadd.s32 $0xFFFFD800  }
0x6e: {  	[tilespmem:s18], [sflag:$0x1] =	stream.indirect.gather [hbm4b:s5+s15], $0x80, s28, s15, $0xb8;
	[tilespmem:$0x17500] =	vst v63  }
0x6f: {  	v0 =	vld [tilespmem:s25+$0xFFFFFF80];
	_ =	sdelay $0x3  }
0x70: {  	s28 =	sand.u32 $0x70, s26  }
0x71: {  	s29 =	sor.u32 $0x1400, s28;
	vm0 =	vlt.u32 v0, $0x1400  }
0x72: {  	v0 =	vnsel vm0, s29, v0  }
0x73: {  	[tilespmem:$0x8000] =	vst v0  }
0x74: {  	v0 =	vld [tilespmem:s25+$0xFFFFFF90];
	_ =	sdelay $0x4  }
0x75: {  	s28 =	sor.u32 $0x1408, s28;
	vm0 =	vlt.u32 v0, $0x1400  }
0x76: {  	v0 =	vnsel vm0, s28, v0  }
0x77: {  	[tilespmem:$0x8010] =	vst v0  }
0x78: {  	v0 =	vld [tilespmem:s25+$0xFFFFFFA0];
	_ =	sdelay $0x2  }
0x79: {  	s28 =	sadd.s32 $0x10, s26  }
0x7a: {  	s28 =	sand.u32 $0x70, s28  }
0x7b: {  	s28 =	sor.u32 $0x1400, s28;
	vm0 =	vlt.u32 v0, $0x1400  }
0x7c: {  	v0 =	vnsel vm0, s28, v0  }
0x7d: {  	[tilespmem:$0x8020] =	vst v0  }
0x7e: {  	v0 =	vld [tilespmem:s25+$0xFFFFFFB0];
	_ =	sdelay $0x2  }
0x7f: {  	s28 =	sadd.s32 $0x18, s26  }
0x80: {  	s28 =	sand.u32 $0x78, s28  }
0x81: {  	s28 =	sor.u32 $0x1400, s28;
	vm0 =	vlt.u32 v0, $0x1400  }
0x82: {  	v0 =	vnsel vm0, s28, v0  }
0x83: {  	[tilespmem:$0x8030] =	vst v0  }
0x84: {  	v0 =	vld [tilespmem:s25+$0xFFFFFFC0];
	_ =	sdelay $0x2  }
0x85: {  	s28 =	sadd.s32 $0x20, s26  }
0x86: {  	s28 =	sand.u32 $0x70, s28  }
0x87: {  	s28 =	sor.u32 $0x1400, s28;
	vm0 =	vlt.u32 v0, $0x1400  }
0x88: {  	v0 =	vnsel vm0, s28, v0  }
0x89: {  	[tilespmem:$0x8040] =	vst v0  }
0x8a: {  	[spmem:s3] =	stream.indirect.scatter.add.f32 [tilespmem:s16], [sflag:$0x2], $0x80, s19, s15, $0xb8;
	[tilespmem:$0x17500] =	vst v63  }
0x8b: {  	_ =	swait.ge [sflag:s11], $0x2800  }
0x8c: {  	[sflag:s11] =	ssyncset.done $0x0  }
0x8d: {  	[sflag:s11] =	ssyncadd.s32 $0xFFFFD800  }
0x8e: {  	_ =	swait.ge [sflag:s17], $0x2800  }
0x8f: {  	p1 =	seq.s32 s26, $0x1360;
	[sflag:s17] =	ssyncset.done $0x0  }
0x90: {  	s29 =	simm.s32 @!p1 $0x8100;
	s28 =	simm.s32 @!p1 $0x50;
	[sflag:s17] =	ssyncadd.s32 $0xFFFFD800  }
0x91: {  	[tilespmem:s29], [sflag:$0x1] =	stream.indirect.gather @!p1 [hbm4b:s5+s28], $0x80, s23, s28, $0xb8;
	[tilespmem:$0x17500] =	vst v63  }
0x92: {  	v0 =	vld [tilespmem:s25+$0x0];
	_ =	sdelay $0x2  }
0x93: {  	s28 =	sadd.s32 $0x28, s26  }
0x94: {  	s28 =	sand.u32 $0x78, s28  }
0x95: {  	s28 =	sor.u32 $0x1400, s28;
	vm0 =	vlt.u32 v0, $0x1400  }
0x96: {  	v0 =	vnsel vm0, s28, v0  }
0x97: {  	[tilespmem:$0x8080] =	vst v0  }
0x98: {  	v0 =	vld [tilespmem:s25+$0x10];
	_ =	sdelay $0x2  }
0x99: {  	s28 =	sadd.s32 $0x30, s26  }
0x9a: {  	s28 =	sand.u32 $0x70, s28  }
0x9b: {  	s28 =	sor.u32 $0x1400, s28;
	vm0 =	vlt.u32 v0, $0x1400  }
0x9c: {  	v0 =	vnsel vm0, s28, v0  }
0x9d: {  	[tilespmem:$0x8090] =	vst v0  }
0x9e: {  	v0 =	vld [tilespmem:s25+$0x20];
	_ =	sdelay $0x2  }
0x9f: {  	s28 =	sadd.s32 $0x38, s26  }
0xa0: {  	s28 =	sand.u32 $0x78, s28  }
0xa1: {  	s28 =	sor.u32 $0x1400, s28;
	vm0 =	vlt.u32 v0, $0x1400  }
0xa2: {  	v0 =	vnsel vm0, s28, v0  }
0xa3: {  	[tilespmem:$0x80A0] =	vst v0  }
0xa4: {  	v0 =	vld [tilespmem:s25+$0x30];
	_ =	sdelay $0x2  }
0xa5: {  	s28 =	sadd.s32 $0x40, s26  }
0xa6: {  	s28 =	sand.u32 $0x70, s28  }
0xa7: {  	s28 =	sor.u32 $0x1400, s28;
	vm0 =	vlt.u32 v0, $0x1400  }
0xa8: {  	v0 =	vnsel vm0, s28, v0  }
0xa9: {  	[tilespmem:$0x80B0] =	vst v0  }
0xaa: {  	v0 =	vld [tilespmem:s25+$0x40];
	_ =	sdelay $0x2  }
0xab: {  	s26 =	sadd.s32 $0x48, s26  }
0xac: {  	s26 =	sand.u32 $0x78, s26  }
0xad: {  	s26 =	sor.u32 $0x1400, s26;
	vm0 =	vlt.u32 v0, $0x1400  }
.Ltmp0:
0xae: {  	v0 =	vnsel vm0, s26, v0;
	(pc) =	sbr.rel @p0 .LBB2_2-.Ltmp0, $4  }
0xaf: {  	[tilespmem:$0x80C0] =	vst v0  }
0xb0: {  	[spmem:s3] =	stream.indirect.scatter.add.f32 [tilespmem:s18], [sflag:$0x2], $0x80, s20, s15, $0xb8;
	[tilespmem:$0x17500] =	vst v63  }
0xb1: {  	_ =	swait.ge [sflag:s11], $0x2800  }
0xb2: {  	s25 =	sadd.s32 $0x100, s25;
	[sflag:s11] =	ssyncset.done $0x0  }
0xb3: {  	[sflag:s11] =	ssyncadd.s32 $0xFFFFD800  }
0xb4: {  	[bflag:$0x0] =	sbarrier.arrive $0xFFFF  }
0xb5: {  	[hbm:s8], [sflag:s13] =	dma.local [spmem:s21], $0x1400  }
0xb6: {  	_ =	swait.ge [sflag:s11], $0x1400  }
0xb7: {  	[sflag:s11] =	ssyncset.done $0x0  }
0xb8: {  	[sflag:s11] =	ssyncadd.s32 $0xFFFFEC00  }
0xb9: {  	[bflag:$0x0] =	sbarrier.arrive $0xFFFF  }
0xba: {  	[spmem:s14], [sflag:s13] =	dma.local [hbm:s1], $0x1480  }
0xbb: {  	_ =	swait.ge [sflag:s11], $0x1480  }
0xbc: {  	[sflag:s11] =	ssyncset.done $0x0  }
0xbd: {  	[sflag:s11] =	ssyncadd.s32 $0xFFFFEB80  }
0xbe: {  	s23 =	simm.s32 $0x0;
	[bflag:$0x0] =	sbarrier.arrive $0xFFFF  }
0xbf: {  	[tilespmem:s16], [sflag:$0x1] =	stream.indirect.gather [hbm4b:s5+s15], $0x80, s23, s15, $0xb8;
	[tilespmem:$0x17500] =	vst v63  }
0xc0: {  	_ =	swait.ge [sflag:s17], $0x2800  }
0xc1: {  	[sflag:s17] =	ssyncset.done $0x0  }
0xc2: {  	s24 =	simm.s32 $0x4080;
	s25 =	simm.s32 $0x80;
	[sflag:s17] =	ssyncadd.s32 $0xFFFFD800  }
0xc3: {  	[tilespmem:s18], [sflag:$0x1] =	stream.indirect.gather [hbm4b:s5+s15], $0x80, s25, s15, $0xb8;
	[tilespmem:$0x17500] =	vst v63  }
0xc4: {  	v0 =	vld [tilespmem:s24+$0xFFFFFF80];
	_ =	sdelay $0x4  }
0xc5: {  	s23 =	sand.u32 $0x70, s23;
	v0 =	vadd.s32 $0xFFFFEC00, v0  }
0xc6: {  	s29 =	sor.u32 $0x1400, s23;
	vm0 =	vlt.u32 v0, $0x1400  }
0xc7: {  	v0 =	vnsel vm0, s29, v0  }
0xc8: {  	[tilespmem:$0x8000] =	vst v0  }
0xc9: {  	v0 =	vld [tilespmem:s24+$0xFFFFFF90];
	_ =	sdelay $0x4  }
0xca: {  	v0 =	vadd.s32 $0xFFFFEC00, v0  }
0xcb: {  	s23 =	sor.u32 $0x1408, s23;
	vm7 =	vlt.u32 v0, $0x1400  }
0xcc: {  	v0 =	vnsel vm7, s23, v0  }
0xcd: {  	[tilespmem:$0x8010] =	vst v0  }
0xce: {  	v0 =	vld [tilespmem:s24+$0xFFFFFFA0];
	_ =	sdelay $0x3  }
0xcf: {  	s30 =	simm.s32 $0x10  }
0xd0: {  	s23 =	sand.u32 $0x70, s30;
	v0 =	vadd.s32 $0xFFFFEC00, v0  }
0xd1: {  	s23 =	sor.u32 $0x1400, s23;
	vm8 =	vlt.u32 v0, $0x1400  }
0xd2: {  	v0 =	vnsel vm8, s23, v0  }
0xd3: {  	[tilespmem:$0x8020] =	vst v0  }
0xd4: {  	v0 =	vld [tilespmem:s24+$0xFFFFFFB0];
	_ =	sdelay $0x3  }
0xd5: {  	s31 =	simm.s32 $0x18  }
0xd6: {  	s23 =	sand.u32 $0x78, s31;
	v0 =	vadd.s32 $0xFFFFEC00, v0  }
0xd7: {  	s23 =	sor.u32 $0x1400, s23;
	vm9 =	vlt.u32 v0, $0x1400  }
0xd8: {  	v0 =	vnsel vm9, s23, v0  }
0xd9: {  	[tilespmem:$0x8030] =	vst v0  }
0xda: {  	v0 =	vld [tilespmem:s24+$0xFFFFFFC0];
	_ =	sdelay $0x3  }
0xdb: {  	s25 =	simm.s32 $0x20  }
0xdc: {  	s23 =	sand.u32 $0x70, s25;
	v0 =	vadd.s32 $0xFFFFEC00, v0  }
0xdd: {  	s23 =	sor.u32 $0x1400, s23;
	vm10 =	vlt.u32 v0, $0x1400  }
0xde: {  	v0 =	vnsel vm10, s23, v0  }
0xdf: {  	[tilespmem:$0x8040] =	vst v0  }
0xe0: {  	[spmem:s3] =	stream.indirect.scatter.add.f32 [tilespmem:s16], [sflag:$0x2], $0x80, s19, s15, $0xb8;
	[tilespmem:$0x17500] =	vst v63  }
0xe1: {  	_ =	swait.ge [sflag:s11], $0x2800  }
0xe2: {  	[sflag:s11] =	ssyncset.done $0x0  }
0xe3: {  	[sflag:s11] =	ssyncadd.s32 $0xFFFFD800  }
0xe4: {  	p0 =	por $0x0, $0x0;
	_ =	swait.ge [sflag:s17], $0x2800  }
0xe5: {  	s26 =	simm.s32 @!p0 $0x8100;
	[sflag:s17] =	ssyncset.done $0x0  }
0xe6: {  	s25 =	simm.s32 @!p0 $0x50;
	s23 =	simm.s32 $0x100;
	[sflag:s17] =	ssyncadd.s32 $0xFFFFD800  }
0xe7: {  	[tilespmem:s26], [sflag:$0x1] =	stream.indirect.gather @!p0 [hbm4b:s5+s25], $0x80, s23, s25, $0xb8;
	[tilespmem:$0x17500] =	vst v63  }
0xe8: {  	v63 =	vld [tilespmem:s24+$0x0];
	_ =	sdelay $0x3  }
0xe9: {  	s26 =	simm.s32 $0x28  }
0xea: {  	s25 =	sand.u32 $0x78, s26;
	v0 =	vadd.s32 $0xFFFFEC00, v63  }
0xeb: {  	s25 =	sor.u32 $0x1400, s25;
	vm11 =	vlt.u32 v0, $0x1400  }
0xec: {  	v0 =	vnsel vm11, s25, v0  }
0xed: {  	[tilespmem:$0x8080] =	vst v0  }
0xee: {  	v0 =	vld [tilespmem:s24+$0x10];
	_ =	sdelay $0x3  }
0xef: {  	s28 =	simm.s32 $0x30  }
0xf0: {  	s25 =	sand.u32 $0x70, s28;
	v0 =	vadd.s32 $0xFFFFEC00, v0  }
0xf1: {  	s25 =	sor.u32 $0x1400, s25;
	vm12 =	vlt.u32 v0, $0x1400  }
0xf2: {  	v0 =	vnsel vm12, s25, v0  }
0xf3: {  	[tilespmem:$0x8090] =	vst v0  }
0xf4: {  	v0 =	vld [tilespmem:s24+$0x20];
	_ =	sdelay $0x3  }
0xf5: {  	s29 =	simm.s32 $0x38  }
0xf6: {  	s25 =	sand.u32 $0x78, s29;
	v0 =	vadd.s32 $0xFFFFEC00, v0  }
0xf7: {  	s25 =	sor.u32 $0x1400, s25;
	vm13 =	vlt.u32 v0, $0x1400  }
0xf8: {  	v0 =	vnsel vm13, s25, v0  }
0xf9: {  	[tilespmem:$0x80A0] =	vst v0  }
0xfa: {  	v0 =	vld [tilespmem:s24+$0x30];
	_ =	sdelay $0x3  }
0xfb: {  	s30 =	simm.s32 $0x40  }
0xfc: {  	s25 =	sand.u32 $0x70, s30;
	v0 =	vadd.s32 $0xFFFFEC00, v0  }
0xfd: {  	s25 =	sor.u32 $0x1400, s25;
	vm14 =	vlt.u32 v0, $0x1400  }
0xfe: {  	v0 =	vnsel vm14, s25, v0  }
0xff: {  	[tilespmem:$0x80B0] =	vst v0  }
0x100: {  	v0 =	vld [tilespmem:s24+$0x40];
	_ =	sdelay $0x3  }
0x101: {  	s31 =	simm.s32 $0x48  }
0x102: {  	s24 =	sand.u32 $0x78, s31;
	v0 =	vadd.s32 $0xFFFFEC00, v0  }
0x103: {  	s24 =	sor.u32 $0x1400, s24;
	vm15 =	vlt.u32 v0, $0x1400  }
0x104: {  	v0 =	vnsel vm15, s24, v0  }
0x105: {  	[tilespmem:$0x80C0] =	vst v0  }
0x106: {  	[spmem:s3] =	stream.indirect.scatter.add.f32 [tilespmem:s18], [sflag:$0x2], $0x80, s20, s15, $0xb8;
	[tilespmem:$0x17500] =	vst v63  }
0x107: {  	_ =	swait.ge [sflag:s11], $0x2800  }
0x108: {  	s25 =	simm.s32 $0x4180;
	s24 =	simm.s32 $0x50;
	[sflag:s11] =	ssyncset.done $0x0  }
.LBB2_4:
0x109: {  	[sflag:s11] =	ssyncadd.s32 $0xFFFFD800  }
0x10a: {  	s23 =	sadd.s32 $0x100, s23;
	s26 =	smov.u32 s24;
	s24 =	sadd.s32 $0x50, s24  }
0x10b: {  	_ =	swait.ge [sflag:s17], $0x2800;
	p0 =	sne.s32 s24, $0x13B0  }
0x10c: {  	[sflag:s17] =	ssyncset.done $0x0  }
0x10d: {  	s28 =	sadd.s32 $0xFFFFFF80, s23;
	[sflag:s17] =	ssyncadd.s32 $0xFFFFD800  }
0x10e: {  	[tilespmem:s18], [sflag:$0x1] =	stream.indirect.gather [hbm4b:s5+s15], $0x80, s28, s15, $0xb8;
	[tilespmem:$0x17500] =	vst v63  }
0x10f: {  	v0 =	vld [tilespmem:s25+$0xFFFFFF80];
	_ =	sdelay $0x4  }
0x110: {  	s28 =	sand.u32 $0x70, s26;
	v0 =	vadd.s32 $0xFFFFEC00, v0  }
0x111: {  	s29 =	sor.u32 $0x1400, s28;
	vm0 =	vlt.u32 v0, $0x1400  }
0x112: {  	v0 =	vnsel vm0, s29, v0  }
0x113: {  	[tilespmem:$0x8000] =	vst v0  }
0x114: {  	v0 =	vld [tilespmem:s25+$0xFFFFFF90];
	_ =	sdelay $0x4  }
0x115: {  	v0 =	vadd.s32 $0xFFFFEC00, v0  }
0x116: {  	s28 =	sor.u32 $0x1408, s28;
	vm0 =	vlt.u32 v0, $0x1400  }
0x117: {  	v0 =	vnsel vm0, s28, v0  }
0x118: {  	[tilespmem:$0x8010] =	vst v0  }
0x119: {  	v0 =	vld [tilespmem:s25+$0xFFFFFFA0];
	_ =	sdelay $0x3  }
0x11a: {  	s28 =	sadd.s32 $0x10, s26  }
0x11b: {  	s28 =	sand.u32 $0x70, s28;
	v0 =	vadd.s32 $0xFFFFEC00, v0  }
0x11c: {  	s28 =	sor.u32 $0x1400, s28;
	vm0 =	vlt.u32 v0, $0x1400  }
0x11d: {  	v0 =	vnsel vm0, s28, v0  }
0x11e: {  	[tilespmem:$0x8020] =	vst v0  }
0x11f: {  	v0 =	vld [tilespmem:s25+$0xFFFFFFB0];
	_ =	sdelay $0x3  }
0x120: {  	s28 =	sadd.s32 $0x18, s26  }
0x121: {  	s28 =	sand.u32 $0x78, s28;
	v0 =	vadd.s32 $0xFFFFEC00, v0  }
0x122: {  	s28 =	sor.u32 $0x1400, s28;
	vm0 =	vlt.u32 v0, $0x1400  }
0x123: {  	v0 =	vnsel vm0, s28, v0  }
0x124: {  	[tilespmem:$0x8030] =	vst v0  }
0x125: {  	v0 =	vld [tilespmem:s25+$0xFFFFFFC0];
	_ =	sdelay $0x3  }
0x126: {  	s28 =	sadd.s32 $0x20, s26  }
0x127: {  	s28 =	sand.u32 $0x70, s28;
	v0 =	vadd.s32 $0xFFFFEC00, v0  }
0x128: {  	s28 =	sor.u32 $0x1400, s28;
	vm0 =	vlt.u32 v0, $0x1400  }
0x129: {  	v0 =	vnsel vm0, s28, v0  }
0x12a: {  	[tilespmem:$0x8040] =	vst v0  }
0x12b: {  	[spmem:s3] =	stream.indirect.scatter.add.f32 [tilespmem:s16], [sflag:$0x2], $0x80, s19, s15, $0xb8;
	[tilespmem:$0x17500] =	vst v63  }
0x12c: {  	_ =	swait.ge [sflag:s11], $0x2800  }
0x12d: {  	[sflag:s11] =	ssyncset.done $0x0  }
0x12e: {  	[sflag:s11] =	ssyncadd.s32 $0xFFFFD800  }
0x12f: {  	_ =	swait.ge [sflag:s17], $0x2800  }
0x130: {  	p1 =	seq.s32 s26, $0x1360;
	[sflag:s17] =	ssyncset.done $0x0  }
0x131: {  	s29 =	simm.s32 @!p1 $0x8100;
	s28 =	simm.s32 @!p1 $0x50;
	[sflag:s17] =	ssyncadd.s32 $0xFFFFD800  }
0x132: {  	[tilespmem:s29], [sflag:$0x1] =	stream.indirect.gather @!p1 [hbm4b:s5+s28], $0x80, s23, s28, $0xb8;
	[tilespmem:$0x17500] =	vst v63  }
0x133: {  	v0 =	vld [tilespmem:s25+$0x0];
	_ =	sdelay $0x3  }
0x134: {  	s28 =	sadd.s32 $0x28, s26  }
0x135: {  	s28 =	sand.u32 $0x78, s28;
	v0 =	vadd.s32 $0xFFFFEC00, v0  }
0x136: {  	s28 =	sor.u32 $0x1400, s28;
	vm0 =	vlt.u32 v0, $0x1400  }
0x137: {  	v0 =	vnsel vm0, s28, v0  }
0x138: {  	[tilespmem:$0x8080] =	vst v0  }
0x139: {  	v0 =	vld [tilespmem:s25+$0x10];
	_ =	sdelay $0x3  }
0x13a: {  	s28 =	sadd.s32 $0x30, s26  }
0x13b: {  	s28 =	sand.u32 $0x70, s28;
	v0 =	vadd.s32 $0xFFFFEC00, v0  }
0x13c: {  	s28 =	sor.u32 $0x1400, s28;
	vm0 =	vlt.u32 v0, $0x1400  }
0x13d: {  	v0 =	vnsel vm0, s28, v0  }
0x13e: {  	[tilespmem:$0x8090] =	vst v0  }
0x13f: {  	v0 =	vld [tilespmem:s25+$0x20];
	_ =	sdelay $0x3  }
0x140: {  	s28 =	sadd.s32 $0x38, s26  }
0x141: {  	s28 =	sand.u32 $0x78, s28;
	v0 =	vadd.s32 $0xFFFFEC00, v0  }
0x142: {  	s28 =	sor.u32 $0x1400, s28;
	vm0 =	vlt.u32 v0, $0x1400  }
0x143: {  	v0 =	vnsel vm0, s28, v0  }
0x144: {  	[tilespmem:$0x80A0] =	vst v0  }
0x145: {  	v0 =	vld [tilespmem:s25+$0x30];
	_ =	sdelay $0x3  }
0x146: {  	s28 =	sadd.s32 $0x40, s26  }
0x147: {  	s28 =	sand.u32 $0x70, s28;
	v0 =	vadd.s32 $0xFFFFEC00, v0  }
0x148: {  	s28 =	sor.u32 $0x1400, s28;
	vm0 =	vlt.u32 v0, $0x1400  }
0x149: {  	v0 =	vnsel vm0, s28, v0  }
0x14a: {  	[tilespmem:$0x80B0] =	vst v0  }
0x14b: {  	v0 =	vld [tilespmem:s25+$0x40];
	_ =	sdelay $0x3  }
0x14c: {  	s26 =	sadd.s32 $0x48, s26  }
0x14d: {  	s26 =	sand.u32 $0x78, s26;
	v0 =	vadd.s32 $0xFFFFEC00, v0  }
0x14e: {  	s26 =	sor.u32 $0x1400, s26;
	vm0 =	vlt.u32 v0, $0x1400  }
.Ltmp1:
0x14f: {  	v0 =	vnsel vm0, s26, v0;
	(pc) =	sbr.rel @p0 .LBB2_4-.Ltmp1, $4  }
0x150: {  	[tilespmem:$0x80C0] =	vst v0  }
0x151: {  	[spmem:s3] =	stream.indirect.scatter.add.f32 [tilespmem:s18], [sflag:$0x2], $0x80, s20, s15, $0xb8;
	[tilespmem:$0x17500] =	vst v63  }
0x152: {  	_ =	swait.ge [sflag:s11], $0x2800  }
0x153: {  	s25 =	sadd.s32 $0x100, s25;
	[sflag:s11] =	ssyncset.done $0x0  }
0x154: {  	[sflag:s11] =	ssyncadd.s32 $0xFFFFD800;
	s22 =	sadd.s32 $0x1, s22  }
0x155: {  	[bflag:$0x0] =	sbarrier.arrive $0xFFFF;
	p0 =	sne.s32 s22, s10  }
0x156: {  	[hbm:s9], [sflag:s13] =	dma.local [spmem:s21], $0x1400  }
.Ltmp2:
0x157: {  	_ =	swait.ge [sflag:s11], $0x1400;
	(pc) =	sbr.rel @p0 .LBB2_1-.Ltmp2, $3  }
0x158: {  	[sflag:s11] =	ssyncset.done $0x0  }
0x159: {  	[sflag:s11] =	ssyncadd.s32 $0xFFFFEC00  }
0x15a: {  	[bflag:$0x0] =	sbarrier.arrive $0xFFFF;
	_ =	sdelay $0x1  }
0x15b: {  	_ =	sfence.sel $0x180000  }
0x15c: {  	[bflag:$0x0] =	sbarrier.arrive $0xFFFF  }
0x15d: {  	p0 =	sne.s32 s2, $0x0;
	_ =	strace $0x9000004D  }
0x15e: {  	s0 =	sadd.s32 @!p0 $0x100000, s0;
	[bflag:$0x2] =	sbarrier.arrive $0xFFFF  }
0x15f: {  	[sflag:s0] =	ssyncadd.tile.s32 @!p0 $0x1;
	_ =	shalt  }
.Lfunc_end2:
_tile_overlayer_lowered:
.L_overlay_start_2:
0x160: {  	(tag) =	ssettag $0x2  }
0x161: {  	s0 =	rddreg [dreg:$0x0];
	s2 =	stileid.u32  }
0x162: {  	s1 =	rddreg [dreg:$0x1];
	p0 =	sne.s32 s2, $0x0  }
0x163: {  	s3 =	rddreg [dreg:$0x2];
	[bflag:$0x3] =	sbarrier.arrive $0xFFFF;
	s2 =	simm.s32 @!p0 $0x1C02  }
0x164: {  	[timem:s3], [sflag:s2] =	dma.local @!p0 [hbm:s0], s1  }
0x165: {  	s0 =	simm.s32 @!p0 $0x2  }
0x166: {  	_ =	swait.ge @!p0 [sflag:s0], s1  }
0x167: {  	s1 =	ssub.s32 @!p0 $0x0, s1;
	[sflag:s0] =	ssyncset.done @!p0 $0x0  }
0x168: {  	[sflag:s0] =	ssyncadd.s32 @!p0 s1  }
0x169: {  	[bflag:$0x3] =	sbarrier.arrive $0xFFFF  }
0x16a: {  	_ =	shalt  }

// kernel: kernel.8.cloned.1.call-start
scs
__scs_entry_jumppad:
0x0: {  	(pc) =	sbr.rel $0x88, $3  }
0x1: {  	(tag) =	ssettag $0x0;
	lr =	simm.s32 $0x1  }
0x2: {  	[smem:$0x3F9B] =	sst lr;
	_ =	strace $0xD0000000  }
0x3: {  	_ = 	snop  }
0x4: {  	_ = 	snop  }
0x5: {  	_ = 	snop  }
0x6: {  	_ = 	snop  }
0x7: {  	_ = 	snop  }
__scs_overlays_trampoline_lowered:
0x8: {  	[smem:$0x3FAA] =	sst s0  }
0x9: {  	[smem:$0x3FAB] =	sst s1  }
0xa: {  	[smem:$0x3FAC] =	sst s2  }
0xb: {  	[smem:$0x3FAD] =	sst s3  }
0xc: {  	[smem:$0x3FAE] =	sst s4  }
0xd: {  	[smem:$0x3FAF] =	sst s5  }
0xe: {  	[smem:$0x3FB0] =	sst s6  }
0xf: {  	[smem:$0x3FB1] =	sst s7  }
0x10: {  	[smem:$0x3FB2] =	sst s8  }
0x11: {  	[smem:$0x3FB3] =	sst s9;
	s0 =	simm.s32 @!p0 $0x0  }
0x12: {  	s1 =	sld [smem:$0x3F99];
	s0 =	simm.s32 @p0 $0x1  }
0x13: {  	[smem:$0x3FB4] =	sst s0;
	s0 =	simm.s32 @!p1 $0x0  }
0x14: {  	s2 =	sld [smem:$0x3F98];
	s0 =	simm.s32 @p1 $0x1  }
0x15: {  	[smem:$0x3FB5] =	sst s0;
	s0 =	simm.s32 @!p2 $0x0  }
0x16: {  	s3 =	sld [smem:$0x3FDB];
	s0 =	simm.s32 @p2 $0x1  }
0x17: {  	s4 =	simm.s32 $0x1BF5;
	[smem:$0x3FB7] =	sst s0  }
0x18: {  	s0 =	sld [smem:$0x3F9A];
	_ =	swait.ge [sflag:s4], $0x0  }
0x19: {  	s7 =	sld [smem:$0x3F9B]  }
0x1a: {  	s8 =	sadd.s32 $0xFFFFE003, lr  }
0x1b: {  	s9 =	sadd.s32 $0xFFFFFEF7, lr;
	s5 =	simm.s32 $0xFFFFFFFF;
	p2 =	slt.u32 s8, $0xFFFFF086  }
0x1c: {  	p1 =	slt.u32 s9, $0xF7A;
	s5 =	simm.s32 @!p2 $0x0  }
0x1d: {  	s5 =	simm.s32 @p1 $0x1;
	p0 =	seq.s32 s7, s2  }
0x1e: {  	s7 =	smul.u32 @!p0 $0xF7A, s2;
	p2 =	seq.s32 @!p0 s5, $0x0  }
0x1f: {  	s9 =	smul.u32 $0xF7A, s1;
	s8 =	simm.s32 @!p0 $0x1BF5;
	p2 =	por !p2, p0  }
0x20: {  	[sflag:s8] =	ssyncset.s32 @!p0 $0xFFFFF086;
	s6 =	sadd.s32 @!p0 s3, s7;
	s7 =	simm.s32 @!p0 $0x108  }
0x21: {  	s3 =	sadd.s32 s3, s9;
	s6 =	sadd.s32 @!p0 $0x88, s6;
	s7 =	simm.s32 @p2 $0x1082  }
0x22: {  	[simem:s7], [sflag:s8] =	dma.local @!p0 [hbm:s6], $0xF7A  }
0x23: {  	s9 =	sor.u32 $0xD0000000, s2;
	s6 =	simm.s32 $0x108;
	_ =	swait.ge @!p0 [sflag:s8], $0x0  }
0x24: {  	s3 =	sadd.s32 $0x88, s3;
	s6 =	simm.s32 @!p1 $0x1082;
	[sflag:s4] =	ssyncset.s32 $0xFFFFF086  }
0x25: {  	[simem:s6], [sflag:s4] =	dma.local [hbm:s3], $0xF7A  }
0x26: {  	[smem:$0x3F9B] =	sst s1;
	(tag) =	ssettag s2;
	_ =	strace s9  }
0x27: {  	s1 =	sld [smem:$0x3FAB]  }
0x28: {  	s2 =	sld [smem:$0x3FAC]  }
0x29: {  	s4 =	sld [smem:$0x3FAE]  }
0x2a: {  	p0 =	seq.s32 s5, $0x0;
	s5 =	sld [smem:$0x3FAF]  }
0x2b: {  	s6 =	sld [smem:$0x3FB0]  }
0x2c: {  	s7 =	sld [smem:$0x3FB1]  }
0x2d: {  	s3 =	simm.s32 $0x108;
	s8 =	sld [smem:$0x3FB2]  }
0x2e: {  	s3 =	simm.s32 @!p0 $0x1082;
	s9 =	sld [smem:$0x3FB3]  }
0x2f: {  	lr =	sadd.s32 s0, s3;
	s0 =	sld [smem:$0x3FAA]  }
0x30: {  	s3 =	sld [smem:$0x3FAD]  }
0x31: {  	[smem:$0x3FB6] =	sst s10  }
0x32: {  	s10 =	sld [smem:$0x3FB4];
	_ =	sdelay $0x3  }
0x33: {  	p0 =	seq.s32 s10, $0x1;
	s10 =	sld [smem:$0x3FB6];
	_ =	sdelay $0x3  }
0x34: {  	[smem:$0x3FB6] =	sst s10  }
0x35: {  	s10 =	sld [smem:$0x3FB5];
	_ =	sdelay $0x3  }
0x36: {  	p1 =	seq.s32 s10, $0x1;
	s10 =	sld [smem:$0x3FB6];
	_ =	sdelay $0x3  }
0x37: {  	[smem:$0x3FB6] =	sst s10  }
0x38: {  	s10 =	sld [smem:$0x3FB7]  }
0x39: {  	_ = 	snop;
	(pc) =	sbr.ind lr, $3  }
0x3a: {  	_ = 	snop  }
0x3b: {  	_ = 	snop  }
0x3c: {  	p2 =	seq.s32 s10, $0x1;
	s10 =	sld [smem:$0x3FB6]  }
0x3d: {  	_ =	shalt  }
0x3e: {  	_ =	shalt  }
0x3f: {  	_ =	shalt  }
0x40: {  	_ =	shalt  }
0x41: {  	_ =	shalt  }
0x42: {  	_ =	shalt  }
0x43: {  	_ =	shalt  }
0x44: {  	_ =	shalt  }
0x45: {  	_ =	shalt  }
0x46: {  	_ =	shalt  }
0x47: {  	_ =	shalt  }
0x48: {  	_ =	shalt  }
0x49: {  	_ =	shalt  }
0x4a: {  	_ =	shalt  }
0x4b: {  	_ =	shalt  }
0x4c: {  	_ =	shalt  }
0x4d: {  	_ =	shalt  }
0x4e: {  	_ =	shalt  }
0x4f: {  	_ =	shalt  }
0x50: {  	_ =	shalt  }
0x51: {  	_ =	shalt  }
0x52: {  	_ =	shalt  }
0x53: {  	_ =	shalt  }
0x54: {  	_ =	shalt  }
0x55: {  	_ =	shalt  }
0x56: {  	_ =	shalt  }
0x57: {  	_ =	shalt  }
0x58: {  	_ =	shalt  }
0x59: {  	_ =	shalt  }
0x5a: {  	_ =	shalt  }
0x5b: {  	_ =	shalt  }
0x5c: {  	_ =	shalt  }
0x5d: {  	_ =	shalt  }
0x5e: {  	_ =	shalt  }
0x5f: {  	_ =	shalt  }
0x60: {  	_ =	shalt  }
0x61: {  	_ =	shalt  }
0x62: {  	_ =	shalt  }
0x63: {  	_ =	shalt  }
0x64: {  	_ =	shalt  }
0x65: {  	_ =	shalt  }
0x66: {  	_ =	shalt  }
0x67: {  	_ =	shalt  }
0x68: {  	_ =	shalt  }
0x69: {  	_ =	shalt  }
0x6a: {  	_ =	shalt  }
0x6b: {  	_ =	shalt  }
0x6c: {  	_ =	shalt  }
0x6d: {  	_ =	shalt  }
0x6e: {  	_ =	shalt  }
0x6f: {  	_ =	shalt  }
0x70: {  	_ =	shalt  }
0x71: {  	_ =	shalt  }
0x72: {  	_ =	shalt  }
0x73: {  	_ =	shalt  }
0x74: {  	_ =	shalt  }
0x75: {  	_ =	shalt  }
0x76: {  	_ =	shalt  }
0x77: {  	_ =	shalt  }
0x78: {  	_ =	shalt  }
0x79: {  	_ =	shalt  }
0x7a: {  	_ =	shalt  }
0x7b: {  	_ =	shalt  }
0x7c: {  	_ =	shalt  }
0x7d: {  	_ =	shalt  }
0x7e: {  	_ =	shalt  }
0x7f: {  	_ =	shalt  }
0x80: {  	_ =	shalt  }
0x81: {  	_ =	shalt  }
0x82: {  	_ =	shalt  }
0x83: {  	_ =	shalt  }
0x84: {  	_ =	shalt  }
0x85: {  	_ =	shalt  }
0x86: {  	_ =	shalt  }
0x87: {  	_ =	shalt  }
.Lfunc_end0:
.L_simem_size_0:
called_computation_lowered:
.L_overlay_start_0:
0x88: {  	s2 =	sld [smem:$0x3FD9]  }
0x89: {  	s3 =	sld [smem:$0x3FFE];
	_ =	sdelay $0x1  }
0x8a: {  	s1 =	srdreg.scid  }
0x8b: {  	s0 =	sand.u32 $0x1, s1  }
0x8c: {  	s17 =	sshll.u32 s0, $0xA;
	s2 =	sadd.s32 s3, s2  }
0x8d: {  	s2 =	sadd.s32 s2, s17  }
0x8e: {  	[smem:$0x3FC2] =	sst s2  }
0x8f: {  	_ = 	snop  }
0x90: {  	s2 =	sld [smem:$0x3FD0];
	(tm) =	ssettm $0x1  }
0x91: {  	s18 =	sld [smem:$0x3FFB];
	_ =	sdelay $0x3  }
0x92: {  	_ =	strace s18  }
0x93: {  	s3 =	sld [smem:$0x3FFC];
	_ =	sdelay $0x3  }
0x94: {  	_ =	strace s3  }
0x95: {  	s3 =	sld [smem:$0x3FFD];
	_ =	sdelay $0x3  }
0x96: {  	_ =	strace s3  }
0x97: {  	_ =	strace $0x8FFFFFFF  }
0x98: {  	s19 =	sld [smem:$0x3FDB];
	_ =	sdelay $0x1  }
0x99: {  	s4 =	simm.s32 $_scs_section_size  }
0x9a: {  	s5 =	simm.s32 $_size__tile_overlayer_lowered;
	s6 =	simm.s32 $_tile_overlayer_lowered  }
0x9b: {  	s22 =	simm.s32 $0x1BFF;
	s21 =	sshll.u32 s6, $0x1;
	s3 =	sadd.s32 s4, s19  }
0x9c: {  	s7 =	simm.s32 $0x0;
	s20 =	sshll.u32 s5, $0x1;
	s5 =	sadd.s32 s21, s3  }
0x9d: {  	[timem:s7], [sflag:s22] =	dma.local [hbm:s5], s20  }
0x9e: {  	_ =	swait.ge [sflag:s22], s20  }
0x9f: {  	s4 =	ssub.s32 $0x0, s20;
	[sflag:s22] =	ssyncset.done $0x0  }
0xa0: {  	[sflag:s22] =	ssyncadd.s32 s4;
	_ =	sdelay $0x1  }
0xa1: {  	s23 =	simm.s32 $0x1B8B  }
0xa2: {  	_ =	swait.ge [sflag:s23], $0x1  }
0xa3: {  	[sflag:s23] =	ssyncset.done $0x0  }
0xa4: {  	s25 =	simm.s32 $0x1B8E;
	s24 =	sld [smem:$0x3FFE];
	[sflag:s23] =	ssyncadd.s32 $0xFFFFFFFF  }
0xa5: {  	s26 =	simm.s32 $execute0_lowered;
	[smem:$0x3FD2] =	sst s25  }
0xa6: {  	s5 =	sshll.u32 s26, $0x1;
	_ =	strace $0x80000046;
	[dreg:$0x1] =	wrdreg $0xFFFFFFFF  }
0xa7: {  	s28 =	simm.s32 $_size_execute0_lowered;
	s3 =	sadd.s32 s3, s5;
	[dreg:$0x0] =	wrdreg $0x0  }
0xa8: {  	s5 =	sshll.u32 s28, $0x1;
	[dreg:$0x2] =	wrdreg s3  }
0xa9: {  	[dreg:$0x3] =	wrdreg s5  }
0xaa: {  	[dreg:$0x4] =	wrdreg $0xC0  }
0xab: {  	_ =	task [dreg:s7], $0x5FFFF  }
0xac: {  	[dreg:$0x1] =	wrdreg $0xFFFFFFFF  }
0xad: {  	[dreg:$0x0] =	wrdreg $0x60  }
0xae: {  	[dreg:$0x2] =	wrdreg s24  }
0xaf: {  	[dreg:$0x3] =	wrdreg s2  }
0xb0: {  	[dreg:$0x4] =	wrdreg $0xD1000  }
0xb1: {  	[dreg:$0x5] =	wrdreg $0x9  }
0xb2: {  	_ =	task.clear_ibuf [dreg:s7], $0x6FFFF;
	_ =	strace $0x90000046  }
0xb3: {  	s29 =	simm.s32 $0x9;
	_ =	strace $0x80000048  }
0xb4: {  	_ =	swait.ge [sflag:s29], $0x1  }
0xb5: {  	[sflag:s29] =	ssyncadd.s32 $0xFFFFFFFF  }
0xb6: {  	_ =	strace $0x90000048  }
0xb7: {  	_ =	sfence  }
0xb8: {  	s30 =	sld [smem:$0x0];
	_ =	sdelay $0x2  }
0xb9: {  	s31 =	sshll.u32 s1, $0xD;
	s1 =	sshrl.u32 s1, $0x2  }
0xba: {  	s3 =	sand.u32 $0x4000, s31;
	s1 =	sadd.s32 s1, s30  }
0xbb: {  	s0 =	sor.u32 s3, s0;
	s1 =	sshll.u32 s1, $0x11  }
0xbc: {  	s0 =	sor.u32 s1, s0  }
0xbd: {  	s0 =	sadd.s32 $0x8F2B, s0  }
0xbe: {  	[sflag:s0] =	ssyncadd.remote.s32 $0x1  }
0xbf: {  	_ =	sfence.sel $0xFFFF  }
0xc0: {  	[dreg:$0x0] =	wrdreg $0xFFFFFFFF;
	(pc) =	sbr.abs _section_cstart, $3  }
0xc1: {  	[dreg:$0x1] =	wrdreg $0xFFFFFFFF  }
0xc2: {  	_ =	task.clear_ibuf [dreg:s7], $0x2FFFF;
	_ =	strace $0x9FFFFFFF  }
0xc3: {  	(tm) =	ssettm $0x7FFFFFFF  }
tec
execute0_lowered:
.L_overlay_start_1:
0x0: {  	(tag) =	ssettag $0x1  }
0x1: {  	s5 =	rddreg [dreg:$0x0]  }
0x2: {  	s8 =	rddreg [dreg:$0x1]  }
0x3: {  	s1 =	rddreg [dreg:$0x2]  }
0x4: {  	s0 =	rddreg [dreg:$0x3];
	s3 =	simm.s32 $0x0;
	s4 =	srdreg.scid  }
0x5: {  	s2 =	stileid.u32;
	s14 =	simm.s32 $0x50;
	s15 =	simm.s32 $0x8100  }
0x6: {  	s17 =	simm.s32 $0x8000;
	s16 =	simm.s32 $0x1;
	s18 =	simm.s32 $0x8080  }
0x7: {  	[smem:$0x7FF] =	sst s3;
	s6 =	sand.u32 $0x1, s4;
	s10 =	smul.u32 $0x1400, s2  }
0x8: {  	s9 =	sshll.u32 s2, $0xB;
	s4 =	sadd.s32 $0x22800, s5;
	s12 =	smul.u32 $0x5000, s2  }
0x9: {  	p0 =	sgt.u32 s2, $0x7;
	_ =	strace $0x80000047;
	s7 =	sshll.u32 s6, $0xF  }
0xa: {  	s30 =	smul.u32 $0xA000, s6;
	s6 =	ssub.s32 $0x2, s6;
	[dreg:$0x4] =	wrdreg s17  }
0xb: {  	s17 =	simm.s32 $0xA900;
	[dreg:$0x5] =	wrdreg s18;
	s18 =	simm.s32 $0x0  }
0xc: {  	s7 =	sor.u32 s9, s7;
	s11 =	sshrl.u32 s6, $0x1;
	s31 =	sshrl.u32 s12, $0x2  }
0xd: {  	s12 =	sshll.u32 @!p0 s2, $0x6;
	s7 =	sadd.s32 s7, s5;
	s5 =	sadd.s32 $0x24800, s5  }
0xe: {  	s11 =	ssub.s32 s6, s11;
	s9 =	sadd.s32 s10, s30;
	s13 =	sadd.s32 s31, s1  }
0xf: {  	s10 =	simm.s32 $0x2;
	s12 =	sor.u32 @!p0 $0x1C02, s12;
	s6 =	sadd.s32 $0x2800, s7  }
0x10: {  	s7 =	sadd.s32 $0x12800, s7;
	s9 =	sshrl.u32 s9, $0x3;
	s13 =	sshrl.u32 @!p0 s13, $0x3  }
0x11: {  	s8 =	sadd.s32 s8, s9;
	s9 =	smax.u32 s11, $0x1;
	s11 =	simm.s32 $0x4000  }
.LBB2_1:
0x12: {  	[tilespmem:s3], [sflag:$0x2] =	stream.linear.gather [hbm4b:s6+s3], $0x3F00, $0x38;
	[tilespmem:$0xDB00] =	vst v63  }
0x13: {  	_ =	swait.ge [sflag:s10], $0x3F00  }
0x14: {  	[sflag:s10] =	ssyncset.done $0x0  }
0x15: {  	[sflag:s10] =	ssyncadd.s32 $0xFFFFC100  }
0x16: {  	[tilespmem:s11], [sflag:$0x2] =	stream.linear.gather [hbm4b:s7+s3], $0x3F00, $0x38;
	[tilespmem:$0xDB00] =	vst v63  }
0x17: {  	_ =	swait.ge [sflag:s10], $0x3F00  }
0x18: {  	[sflag:s10] =	ssyncset.done $0x0  }
0x19: {  	s19 =	simm.s32 @!p0 $0x2;
	[sflag:s10] =	ssyncadd.s32 $0xFFFFC100  }
0x1a: {  	[spmem:s13], [sflag:s12] =	dma.local @!p0 [hbm:s5], $0x280  }
0x1b: {  	_ =	swait.ge @!p0 [sflag:s19], $0x280  }
0x1c: {  	[sflag:s19] =	ssyncset.done @!p0 $0x0  }
0x1d: {  	[sflag:s19] =	ssyncadd.s32 @!p0 $0xFFFFFD80  }
0x1e: {  	[bflag:$0x0] =	sbarrier.arrive $0xFFFF  }
0x1f: {  	[tilespmem:s15], [sflag:$0x1] =	stream.indirect.gather [hbm4b:s4+s14], $0x80, s3, s14, $0xb8;
	[tilespmem:$0xDB00] =	vst v63  }
0x20: {  	_ =	swait.ge [sflag:s16], $0x2800  }
0x21: {  	[sflag:s16] =	ssyncset.done $0x0  }
0x22: {  	s20 =	simm.s32 $0x4080;
	s30 =	simm.s32 $0x80;
	[sflag:s16] =	ssyncadd.s32 $0xFFFFD800  }
0x23: {  	[tilespmem:s17], [sflag:$0x1] =	stream.indirect.gather [hbm4b:s4+s14], $0x80, s30, s14, $0xb8;
	[tilespmem:$0xDB00] =	vst v63  }
0x24: {  	v0 =	vld [tilespmem:s20+$0xFFFFFF80];
	_ =	sdelay $0x3  }
0x25: {  	s31 =	sand.u32 $0x70, s3  }
0x26: {  	s21 =	sadd.s32 $0x140, s31;
	vm0 =	vlt.u32 v0, $0x140  }
0x27: {  	v0 =	vnsel vm0, s21, v0  }
0x28: {  	[tilespmem:$0x8000] =	vst v0  }
0x29: {  	v0 =	vld [tilespmem:s20+$0xFFFFFF90];
	_ =	sdelay $0x4  }
0x2a: {  	s19 =	sadd.s32 $0x148, s31;
	vm7 =	vlt.u32 v0, $0x140  }
0x2b: {  	v0 =	vnsel vm7, s19, v0  }
0x2c: {  	[tilespmem:$0x8010] =	vst v0  }
0x2d: {  	v0 =	vld [tilespmem:s20+$0xFFFFFFA0];
	_ =	sdelay $0x2  }
0x2e: {  	s21 =	simm.s32 $0x10  }
0x2f: {  	s19 =	sand.u32 $0x70, s21  }
0x30: {  	s19 =	sadd.s32 $0x140, s19;
	vm8 =	vlt.u32 v0, $0x140  }
0x31: {  	v0 =	vnsel vm8, s19, v0  }
0x32: {  	[tilespmem:$0x8020] =	vst v0  }
0x33: {  	v0 =	vld [tilespmem:s20+$0xFFFFFFB0];
	_ =	sdelay $0x2  }
0x34: {  	s22 =	simm.s32 $0x18  }
0x35: {  	s19 =	sand.u32 $0x78, s22  }
0x36: {  	s19 =	sadd.s32 $0x140, s19;
	vm9 =	vlt.u32 v0, $0x140  }
0x37: {  	v0 =	vnsel vm9, s19, v0  }
0x38: {  	[tilespmem:$0x8030] =	vst v0  }
0x39: {  	v0 =	vld [tilespmem:s20+$0xFFFFFFC0];
	_ =	sdelay $0x2  }
0x3a: {  	s23 =	simm.s32 $0x20  }
0x3b: {  	s19 =	sand.u32 $0x70, s23  }
0x3c: {  	s19 =	sadd.s32 $0x140, s19;
	vm10 =	vlt.u32 v0, $0x140  }
0x3d: {  	v0 =	vnsel vm10, s19, v0  }
0x3e: {  	s24 =	rddreg [dreg:$0x4];
	[tilespmem:$0x8040] =	vst v0  }
0x3f: {  	[spmem:s1] =	stream.indirect.scatter.add.f32 [tilespmem:s15], [sflag:$0x2], $0x80, s24, s14, $0xb8;
	[tilespmem:$0xDB00] =	vst v63  }
0x40: {  	_ =	swait.ge [sflag:s10], $0x2800  }
0x41: {  	[sflag:s10] =	ssyncset.done $0x0  }
0x42: {  	[sflag:s10] =	ssyncadd.s32 $0xFFFFD800  }
0x43: {  	p1 =	por $0x0, $0x0;
	_ =	swait.ge [sflag:s16], $0x2800  }
0x44: {  	s21 =	simm.s32 @!p1 $0x50;
	[sflag:s16] =	ssyncset.done $0x0  }
0x45: {  	s22 =	simm.s32 @!p1 $0x8100;
	s19 =	simm.s32 $0x100;
	[sflag:s16] =	ssyncadd.s32 $0xFFFFD800  }
0x46: {  	[tilespmem:s22], [sflag:$0x1] =	stream.indirect.gather @!p1 [hbm4b:s4+s21], $0x80, s19, s21, $0xb8;
	[tilespmem:$0xDB00] =	vst v63  }
0x47: {  	v63 =	vld [tilespmem:s20+$0x0];
	_ =	sdelay $0x2  }
0x48: {  	s25 =	simm.s32 $0x28  }
0x49: {  	s21 =	sand.u32 $0x78, s25  }
0x4a: {  	s21 =	sadd.s32 $0x140, s21;
	vm11 =	vlt.u32 v63, $0x140  }
0x4b: {  	v0 =	vnsel vm11, s21, v63  }
0x4c: {  	[tilespmem:$0x8080] =	vst v0  }
0x4d: {  	v0 =	vld [tilespmem:s20+$0x10];
	_ =	sdelay $0x2  }
0x4e: {  	s26 =	simm.s32 $0x30  }
0x4f: {  	s21 =	sand.u32 $0x70, s26  }
0x50: {  	s21 =	sadd.s32 $0x140, s21;
	vm12 =	vlt.u32 v0, $0x140  }
0x51: {  	v0 =	vnsel vm12, s21, v0  }
0x52: {  	[tilespmem:$0x8090] =	vst v0  }
0x53: {  	v0 =	vld [tilespmem:s20+$0x20];
	_ =	sdelay $0x2  }
0x54: {  	s28 =	simm.s32 $0x38  }
0x55: {  	s21 =	sand.u32 $0x78, s28  }
0x56: {  	s21 =	sadd.s32 $0x140, s21;
	vm13 =	vlt.u32 v0, $0x140  }
0x57: {  	v0 =	vnsel vm13, s21, v0  }
0x58: {  	[tilespmem:$0x80A0] =	vst v0  }
0x59: {  	v0 =	vld [tilespmem:s20+$0x30];
	_ =	sdelay $0x2  }
0x5a: {  	s29 =	simm.s32 $0x40  }
0x5b: {  	s21 =	sand.u32 $0x70, s29  }
0x5c: {  	s21 =	sadd.s32 $0x140, s21;
	vm14 =	vlt.u32 v0, $0x140  }
0x5d: {  	v0 =	vnsel vm14, s21, v0  }
0x5e: {  	[tilespmem:$0x80B0] =	vst v0  }
0x5f: {  	v0 =	vld [tilespmem:s20+$0x40];
	_ =	sdelay $0x2  }
0x60: {  	s30 =	simm.s32 $0x48  }
0x61: {  	s20 =	sand.u32 $0x78, s30  }
0x62: {  	s20 =	sadd.s32 $0x140, s20;
	vm15 =	vlt.u32 v0, $0x140  }
0x63: {  	v0 =	vnsel vm15, s20, v0  }
0x64: {  	s31 =	rddreg [dreg:$0x5];
	[tilespmem:$0x80C0] =	vst v0  }
0x65: {  	[spmem:s1] =	stream.indirect.scatter.add.f32 [tilespmem:s17], [sflag:$0x2], $0x80, s31, s14, $0xb8;
	[tilespmem:$0xDB00] =	vst v63  }
0x66: {  	_ =	swait.ge [sflag:s10], $0x2800  }
0x67: {  	s21 =	simm.s32 $0x4180;
	s20 =	simm.s32 $0x50;
	[sflag:s10] =	ssyncset.done $0x0  }
.LBB2_2:
0x68: {  	[sflag:s10] =	ssyncadd.s32 $0xFFFFD800  }
0x69: {  	_ =	swait.ge [sflag:s16], $0x2800  }
0x6a: {  	s19 =	sadd.s32 $0x100, s19;
	[sflag:s16] =	ssyncset.done $0x0  }
0x6b: {  	s23 =	sadd.s32 $0xFFFFFF80, s19;
	[sflag:s16] =	ssyncadd.s32 $0xFFFFD800  }
0x6c: {  	[tilespmem:s17], [sflag:$0x1] =	stream.indirect.gather [hbm4b:s4+s14], $0x80, s23, s14, $0xb8;
	[tilespmem:$0xDB00] =	vst v63  }
0x6d: {  	v0 =	vld [tilespmem:s21+$0xFFFFFF80];
	_ =	sdelay $0x2  }
0x6e: {  	s22 =	smov.u32 s20  }
0x6f: {  	s29 =	sand.u32 $0x70, s22  }
0x70: {  	s24 =	sadd.s32 $0x140, s29;
	vm0 =	vlt.u32 v0, $0x140  }
0x71: {  	v0 =	vnsel vm0, s24, v0  }
0x72: {  	[tilespmem:$0x8000] =	vst v0  }
0x73: {  	v0 =	vld [tilespmem:s21+$0xFFFFFF90];
	_ =	sdelay $0x4  }
0x74: {  	s23 =	sadd.s32 $0x148, s29;
	vm7 =	vlt.u32 v0, $0x140  }
0x75: {  	v0 =	vnsel vm7, s23, v0  }
0x76: {  	[tilespmem:$0x8010] =	vst v0  }
0x77: {  	v0 =	vld [tilespmem:s21+$0xFFFFFFA0];
	_ =	sdelay $0x2  }
0x78: {  	s30 =	sadd.s32 $0x10, s22  }
0x79: {  	s23 =	sand.u32 $0x70, s30  }
0x7a: {  	s23 =	sadd.s32 $0x140, s23;
	vm8 =	vlt.u32 v0, $0x140  }
0x7b: {  	v0 =	vnsel vm8, s23, v0  }
0x7c: {  	[tilespmem:$0x8020] =	vst v0  }
0x7d: {  	v0 =	vld [tilespmem:s21+$0xFFFFFFB0];
	_ =	sdelay $0x2  }
0x7e: {  	s31 =	sadd.s32 $0x18, s22  }
0x7f: {  	s23 =	sand.u32 $0x78, s31  }
0x80: {  	s23 =	sadd.s32 $0x140, s23;
	vm9 =	vlt.u32 v0, $0x140  }
0x81: {  	v0 =	vnsel vm9, s23, v0  }
0x82: {  	[tilespmem:$0x8030] =	vst v0  }
0x83: {  	v0 =	vld [tilespmem:s21+$0xFFFFFFC0];
	_ =	sdelay $0x2  }
0x84: {  	s24 =	sadd.s32 $0x20, s22  }
0x85: {  	s23 =	sand.u32 $0x70, s24  }
0x86: {  	s23 =	sadd.s32 $0x140, s23;
	vm10 =	vlt.u32 v0, $0x140  }
0x87: {  	v0 =	vnsel vm10, s23, v0  }
0x88: {  	s25 =	rddreg [dreg:$0x4];
	[tilespmem:$0x8040] =	vst v0  }
0x89: {  	[spmem:s1] =	stream.indirect.scatter.add.f32 [tilespmem:s15], [sflag:$0x2], $0x80, s25, s14, $0xb8;
	[tilespmem:$0xDB00] =	vst v63  }
0x8a: {  	_ =	swait.ge [sflag:s10], $0x2800  }
0x8b: {  	[sflag:s10] =	ssyncset.done $0x0  }
0x8c: {  	[sflag:s10] =	ssyncadd.s32 $0xFFFFD800  }
0x8d: {  	_ =	swait.ge [sflag:s16], $0x2800  }
0x8e: {  	p2 =	seq.s32 s22, $0x1360;
	[sflag:s16] =	ssyncset.done $0x0  }
0x8f: {  	s24 =	simm.s32 @!p2 $0x8100;
	s23 =	simm.s32 @!p2 $0x50;
	[sflag:s16] =	ssyncadd.s32 $0xFFFFD800  }
0x90: {  	[tilespmem:s24], [sflag:$0x1] =	stream.indirect.gather @!p2 [hbm4b:s4+s23], $0x80, s19, s23, $0xb8;
	[tilespmem:$0xDB00] =	vst v63  }
0x91: {  	v63 =	vld [tilespmem:s21+$0x0];
	_ =	sdelay $0x2  }
0x92: {  	s26 =	sadd.s32 $0x28, s22  }
0x93: {  	s23 =	sand.u32 $0x78, s26  }
0x94: {  	s23 =	sadd.s32 $0x140, s23;
	vm11 =	vlt.u32 v63, $0x140  }
0x95: {  	v0 =	vnsel vm11, s23, v63  }
0x96: {  	[tilespmem:$0x8080] =	vst v0  }
0x97: {  	v0 =	vld [tilespmem:s21+$0x10];
	_ =	sdelay $0x2  }
0x98: {  	s28 =	sadd.s32 $0x30, s22  }
0x99: {  	s23 =	sand.u32 $0x70, s28  }
0x9a: {  	s23 =	sadd.s32 $0x140, s23;
	vm12 =	vlt.u32 v0, $0x140  }
0x9b: {  	v0 =	vnsel vm12, s23, v0  }
0x9c: {  	[tilespmem:$0x8090] =	vst v0  }
0x9d: {  	v0 =	vld [tilespmem:s21+$0x20];
	_ =	sdelay $0x2  }
0x9e: {  	s29 =	sadd.s32 $0x38, s22  }
0x9f: {  	s23 =	sand.u32 $0x78, s29  }
0xa0: {  	s23 =	sadd.s32 $0x140, s23;
	vm13 =	vlt.u32 v0, $0x140  }
0xa1: {  	v0 =	vnsel vm13, s23, v0  }
0xa2: {  	[tilespmem:$0x80A0] =	vst v0  }
0xa3: {  	v0 =	vld [tilespmem:s21+$0x30];
	_ =	sdelay $0x2  }
0xa4: {  	s30 =	sadd.s32 $0x40, s22  }
0xa5: {  	s23 =	sand.u32 $0x70, s30  }
0xa6: {  	s23 =	sadd.s32 $0x140, s23;
	vm14 =	vlt.u32 v0, $0x140  }
0xa7: {  	v0 =	vnsel vm14, s23, v0  }
0xa8: {  	[tilespmem:$0x80B0] =	vst v0  }
0xa9: {  	v0 =	vld [tilespmem:s21+$0x40];
	_ =	sdelay $0x2  }
0xaa: {  	s22 =	sadd.s32 $0x48, s22  }
0xab: {  	s20 =	sadd.s32 $0x50, s20;
	s22 =	sand.u32 $0x78, s22  }
0xac: {  	p1 =	sne.s32 s20, $0x13B0;
	s22 =	sadd.s32 $0x140, s22;
	vm15 =	vlt.u32 v0, $0x140  }
.Ltmp0:
0xad: {  	v0 =	vnsel vm15, s22, v0;
	(pc) =	sbr.rel @p1 .LBB2_2-.Ltmp0, $4  }
0xae: {  	s31 =	rddreg [dreg:$0x5];
	[tilespmem:$0x80C0] =	vst v0  }
0xaf: {  	[spmem:s1] =	stream.indirect.scatter.add.f32 [tilespmem:s17], [sflag:$0x2], $0x80, s31, s14, $0xb8;
	[tilespmem:$0xDB00] =	vst v63  }
0xb0: {  	_ =	swait.ge [sflag:s10], $0x2800  }
0xb1: {  	s21 =	sadd.s32 $0x100, s21;
	[sflag:s10] =	ssyncset.done $0x0  }
0xb2: {  	[sflag:s10] =	ssyncadd.s32 $0xFFFFD800;
	s18 =	sadd.s32 $0x1, s18  }
0xb3: {  	s19 =	simm.s32 @!p0 $0x2;
	[bflag:$0x0] =	sbarrier.arrive $0xFFFF;
	p1 =	sne.s32 s18, s9  }
0xb4: {  	[hbm:s8], [sflag:s12] =	dma.local @!p0 [spmem:s13], $0x280  }
.Ltmp1:
0xb5: {  	_ =	swait.ge @!p0 [sflag:s19], $0x280;
	(pc) =	sbr.rel @p1 .LBB2_1-.Ltmp1, $3  }
0xb6: {  	[sflag:s19] =	ssyncset.done @!p0 $0x0  }
0xb7: {  	[sflag:s19] =	ssyncadd.s32 @!p0 $0xFFFFFD80  }
0xb8: {  	[bflag:$0x0] =	sbarrier.arrive $0xFFFF;
	_ =	sdelay $0x1  }
0xb9: {  	_ =	sfence.sel $0x180000  }
0xba: {  	[bflag:$0x0] =	sbarrier.arrive $0xFFFF  }
0xbb: {  	p0 =	sne.s32 s2, $0x0;
	_ =	strace $0x90000047  }
0xbc: {  	s0 =	sadd.s32 @!p0 $0x100000, s0;
	[bflag:$0x2] =	sbarrier.arrive $0xFFFF  }
0xbd: {  	[sflag:s0] =	ssyncadd.tile.s32 @!p0 $0x1;
	_ =	shalt  }
.Lfunc_end2:
_tile_overlayer_lowered:
.L_overlay_start_2:
0xbe: {  	(tag) =	ssettag $0x2  }
0xbf: {  	s0 =	rddreg [dreg:$0x0];
	s2 =	stileid.u32  }
0xc0: {  	s1 =	rddreg [dreg:$0x1];
	p0 =	sne.s32 s2, $0x0  }
0xc1: {  	s3 =	rddreg [dreg:$0x2];
	[bflag:$0x3] =	sbarrier.arrive $0xFFFF;
	s2 =	simm.s32 @!p0 $0x1C02  }
0xc2: {  	[timem:s3], [sflag:s2] =	dma.local @!p0 [hbm:s0], s1  }
0xc3: {  	s0 =	simm.s32 @!p0 $0x2  }
0xc4: {  	_ =	swait.ge @!p0 [sflag:s0], s1  }
0xc5: {  	s1 =	ssub.s32 @!p0 $0x0, s1;
	[sflag:s0] =	ssyncset.done @!p0 $0x0  }
0xc6: {  	[sflag:s0] =	ssyncadd.s32 @!p0 s1  }
0xc7: {  	[bflag:$0x3] =	sbarrier.arrive $0xFFFF  }
0xc8: {  	_ =	shalt  }

</sc_bundles>
